<compile_context>
chip_gen: v7x
topology: tpu7x:2x2x1
jax: 0.10.2.dev20260603
libtpu: 0.0.44.dev20260713+nightly
codegen_flags: <defaults>
</compile_context>

<pallas_src>
import functools

import jax
import jax.numpy as jnp
import numpy as np
from jax import lax
from jax.experimental import pallas as pl
from jax.experimental.pallas import tpu as pltpu
from jax.experimental.pallas import tpu_sc as plsc

N_NODES = 10000
N_EDGES = 320000
D = 128
N_CLS = 40

NC = 2
NS = 16
NW = NC * NS
CHUNK = 128
NCHUNK = 80
EPW = NCHUNK * CHUNK
E_PAD = NW * EPW
N_ACC = N_NODES + 256
RPT = 624
TAIL = N_NODES - NS * RPT

_mesh = plsc.VectorSubcoreMesh(core_axis_name="c", subcore_axis_name="s")

_PAD_W = EPW - N_EDGES // NW
_pi = np.arange(_PAD_W, dtype=np.int32)[None, :]
_pw = np.arange(NW, dtype=np.int32)[:, None]
_PADS = (((N_NODES + (_pw % NS) * NS + (_pi % NS)) << 16)
         | ((_pw * 311 + _pi * 97) % N_NODES)).astype(np.int32)


def _sc_agg_body(with_deg, *refs):
    if with_deg:
        (x_hbm, pk_hbm, z2_hbm, z1_hbm,
         agg0_hbm, agg1_hbm, deg0_hbm, deg1_hbm,
         pk_v, sc0_v, sc1_v, dc_v, rows_v0, rows_v1, ones_v,
         acc_sh, deg_sh, sem0, sem1) = refs
    else:
        (x_hbm, pk_hbm, z2_hbm,
         agg0_hbm, agg1_hbm,
         pk_v, sc0_v, sc1_v, dc_v, rows_v0, rows_v1,
         acc_sh, sem0, sem1) = refs

    cid = lax.axis_index("c")
    sid = lax.axis_index("s")
    wid = cid * NS + sid

    pltpu.sync_copy(z2_hbm.at[pl.ds(sid * RPT, RPT)],
                    acc_sh.at[pl.ds(sid * RPT, RPT)])

    @pl.when(sid == NS - 1)
    def _():
        pltpu.sync_copy(z2_hbm.at[pl.ds(NS * RPT, N_ACC - NS * RPT)],
                        acc_sh.at[pl.ds(NS * RPT, N_ACC - NS * RPT)])
    if with_deg:
        @pl.when(sid == 0)
        def _():
            pltpu.sync_copy(z1_hbm, deg_sh)
        for i in range(CHUNK // 16):
            ones_v[pl.ds(i * 16, 16)] = jnp.full((16,), 1.0, jnp.float32)

    pltpu.sync_copy(pk_hbm.at[wid], pk_v)

    def unpack_src(j, buf):
        for i in range(CHUNK // 16):
            v = pk_v[j, pl.ds(i * 16, 16)]
            buf[pl.ds(i * 16, 16)] = lax.bitwise_and(v, 0xFFFF)

    def unpack_dst(j, buf):
        for i in range(CHUNK // 16):
            v = pk_v[j, pl.ds(i * 16, 16)]
            buf[pl.ds(i * 16, 16)] = lax.shift_right_logical(v, 16)

    unpack_src(0, sc0_v)
    unpack_src(1, sc1_v)
    pltpu.async_copy(x_hbm.at[sc0_v], rows_v0, sem0)
    pltpu.async_copy(x_hbm.at[sc1_v], rows_v1, sem1)

    plsc.subcore_barrier()

    def drain(buf, sem):
        pltpu.make_async_copy(x_hbm.at[pl.ds(0, CHUNK)], buf, sem).wait()

    def consume(j, buf):
        unpack_dst(j, dc_v)
        pltpu.sync_copy(buf, acc_sh.at[dc_v], add=True)
        if with_deg:
            pltpu.sync_copy(ones_v, deg_sh.at[dc_v], add=True)

    def step(k, carry):
        j0 = 2 * k
        drain(rows_v0, sem0)
        consume(j0, rows_v0)
        unpack_src(j0 + 2, sc0_v)
        pltpu.async_copy(x_hbm.at[sc0_v], rows_v0, sem0)
        j1 = 2 * k + 1
        drain(rows_v1, sem1)
        consume(j1, rows_v1)
        unpack_src(j1 + 2, sc1_v)
        pltpu.async_copy(x_hbm.at[sc1_v], rows_v1, sem1)
        return carry

    lax.fori_loop(0, NCHUNK // 2 - 1, step, 0)

    drain(rows_v0, sem0)
    consume(NCHUNK - 2, rows_v0)
    drain(rows_v1, sem1)
    consume(NCHUNK - 1, rows_v1)

    plsc.subcore_barrier()

    for c, agg_hbm in ((0, agg0_hbm), (1, agg1_hbm)):
        @pl.when(cid == c)
        def _():
            pltpu.sync_copy(acc_sh.at[pl.ds(sid * RPT, RPT)],
                            agg_hbm.at[pl.ds(sid * RPT, RPT)])

            @pl.when(sid == NS - 1)
            def _():
                pltpu.sync_copy(acc_sh.at[pl.ds(NS * RPT, TAIL)],
                                agg_hbm.at[pl.ds(NS * RPT, TAIL)])
    if with_deg:
        for c, deg_hbm in ((0, deg0_hbm), (1, deg1_hbm)):
            @pl.when((cid == c) & (sid == 0))
            def _():
                pltpu.sync_copy(deg_sh, deg_hbm)


_sc_agg_deg = functools.partial(
    pl.kernel,
    functools.partial(_sc_agg_body, True),
    mesh=_mesh,
    out_type=[
        jax.ShapeDtypeStruct((N_NODES, D), jnp.float32),
        jax.ShapeDtypeStruct((N_NODES, D), jnp.float32),
        jax.ShapeDtypeStruct((N_ACC,), jnp.float32),
        jax.ShapeDtypeStruct((N_ACC,), jnp.float32),
    ],
    scratch_types=[
        pltpu.VMEM((NCHUNK, CHUNK), jnp.int32),
        pltpu.VMEM((CHUNK,), jnp.int32),
        pltpu.VMEM((CHUNK,), jnp.int32),
        pltpu.VMEM((CHUNK,), jnp.int32),
        pltpu.VMEM((CHUNK, D), jnp.float32),
        pltpu.VMEM((CHUNK, D), jnp.float32),
        pltpu.VMEM((CHUNK,), jnp.float32),
        pltpu.VMEM_SHARED((N_ACC, D), jnp.float32),
        pltpu.VMEM_SHARED((N_ACC,), jnp.float32),
        pltpu.SemaphoreType.DMA,
        pltpu.SemaphoreType.DMA,
    ],
)()

_sc_agg = functools.partial(
    pl.kernel,
    functools.partial(_sc_agg_body, False),
    mesh=_mesh,
    out_type=[
        jax.ShapeDtypeStruct((N_NODES, D), jnp.float32),
        jax.ShapeDtypeStruct((N_NODES, D), jnp.float32),
    ],
    scratch_types=[
        pltpu.VMEM((NCHUNK, CHUNK), jnp.int32),
        pltpu.VMEM((CHUNK,), jnp.int32),
        pltpu.VMEM((CHUNK,), jnp.int32),
        pltpu.VMEM((CHUNK,), jnp.int32),
        pltpu.VMEM((CHUNK, D), jnp.float32),
        pltpu.VMEM((CHUNK, D), jnp.float32),
        pltpu.VMEM_SHARED((N_ACC, D), jnp.float32),
        pltpu.SemaphoreType.DMA,
        pltpu.SemaphoreType.DMA,
    ],
)()


BLK = 1000


def _row_spec():
    return pl.BlockSpec((BLK, D), lambda i: (i, 0))


def _tc_self_body(h_ref, ws_ref, o_ref):
    o_ref[...] = jnp.dot(h_ref[...], ws_ref[...],
                         preferred_element_type=jnp.float32)


_tc_self = pl.pallas_call(
    _tc_self_body,
    grid=(N_NODES // BLK,),
    in_specs=[_row_spec(), pl.BlockSpec((D, D), lambda i: (0, 0))],
    out_specs=_row_spec(),
    out_shape=jax.ShapeDtypeStruct((N_NODES, D), jnp.float32),
)


def _tc_comb_body(final, *refs):
    if final:
        (xs_ref, a0_ref, a1_ref, d0_ref, d1_ref,
         wn_ref, b_ref, wfc_ref, bfc_ref, o_ref) = refs
    else:
        (xs_ref, a0_ref, a1_ref, d0_ref, d1_ref,
         wn_ref, b_ref, o_ref) = refs
    deg = d0_ref[...] + d1_ref[...]
    inv = 1.0 / jnp.maximum(deg, 1.0)
    hn = (a0_ref[...] + a1_ref[...]) * inv
    h = (xs_ref[...]
         + jnp.dot(hn, wn_ref[...], preferred_element_type=jnp.float32)
         + b_ref[...])
    h = jnp.maximum(h, 0.0)
    if final:
        h = (jnp.dot(h, wfc_ref[...], preferred_element_type=jnp.float32)
             + bfc_ref[...])
    o_ref[...] = h


def _tc_comb(final):
    in_specs = [
        _row_spec(),
        _row_spec(),
        _row_spec(),
        pl.BlockSpec((BLK, 1), lambda i: (i, 0)),
        pl.BlockSpec((BLK, 1), lambda i: (i, 0)),
        pl.BlockSpec((D, D), lambda i: (0, 0)),
        pl.BlockSpec((1, D), lambda i: (0, 0)),
    ]
    if final:
        in_specs += [
            pl.BlockSpec((D, N_CLS), lambda i: (0, 0)),
            pl.BlockSpec((1, N_CLS), lambda i: (0, 0)),
        ]
    out_d = N_CLS if final else D
    return pl.pallas_call(
        functools.partial(_tc_comb_body, final),
        grid=(N_NODES // BLK,),
        in_specs=in_specs,
        out_specs=pl.BlockSpec((BLK, out_d), lambda i: (i, 0)),
        out_shape=jax.ShapeDtypeStruct((N_NODES, out_d), jnp.float32),
    )


_tc_mid = _tc_comb(False)
_tc_fin = _tc_comb(True)


def kernel(x, edge_index, W_self1, W_neigh1, b1, W_self2, W_neigh2, b2,
           W_fc, b_fc):
    real = ((edge_index[1].astype(jnp.int32) << 16)
            | edge_index[0].astype(jnp.int32)).reshape(NW, N_EDGES // NW)
    packed = jnp.concatenate([real, _PADS], axis=1).reshape(NW, NCHUNK, CHUNK)
    z2 = jnp.zeros((N_ACC, D), jnp.float32)
    z1 = jnp.zeros((N_ACC,), jnp.float32)

    a0, a1, deg0, deg1 = _sc_agg_deg(x, packed, z2, z1)
    xs1 = _tc_self(x, W_self1)
    d0 = deg0.reshape(N_ACC, 1)
    d1 = deg1.reshape(N_ACC, 1)
    b1r = b1.reshape(1, D)
    b2r = b2.reshape(1, D)

    h1 = _tc_mid(xs1, a0, a1, d0, d1, W_neigh1, b1r)

    b0, b1a = _sc_agg(h1, packed, z2)
    xs2 = _tc_self(h1, W_self2)

    return _tc_fin(xs2, b0, b1a, d0, d1, W_neigh2, b2r,
                   W_fc, b_fc.reshape(1, N_CLS))

# --- scband reference (transcript-rebuilt; emitter-appended) ---
"""Pipeline reference for scband-graph-sage-37735582662788 (READ-ONLY COPY).

The authoritative reference and input builder live on the scoring server;
editing this copy changes nothing except your own understanding.
"""

import jax, jax.numpy as jnp
import numpy as np

N_NODES = 10000
N_EDGES = 320000
D_IN = 128
D_H = 128
N_CLS = 40


def setup_inputs(seed: int = 0) -> dict:
    key = jax.random.key(seed)
    ks = jax.random.split(key, 12)
    x = jax.random.normal(ks[0], (N_NODES, D_IN), dtype=jnp.float32)
    edge_index = jax.random.randint(ks[1], (2, N_EDGES), 0, N_NODES, dtype=jnp.int64)
    s1 = 1.0 / np.sqrt(D_IN)
    s2 = 1.0 / np.sqrt(D_H)
    W_self1 = jax.random.uniform(ks[2], (D_IN, D_H), jnp.float32, -s1, s1)
    W_neigh1 = jax.random.uniform(ks[3], (D_IN, D_H), jnp.float32, -s1, s1)
    b1 = jnp.zeros((D_H,), jnp.float32)
    W_self2 = jax.random.uniform(ks[4], (D_H, D_H), jnp.float32, -s2, s2)
    W_neigh2 = jax.random.uniform(ks[5], (D_H, D_H), jnp.float32, -s2, s2)
    b2 = jnp.zeros((D_H,), jnp.float32)
    W_fc = jax.random.uniform(ks[6], (D_H, N_CLS), jnp.float32, -s2, s2)
    b_fc = jnp.zeros((N_CLS,), jnp.float32)
    return {
        "x": x,
        "edge_index": edge_index,
        "W_self1": W_self1, "W_neigh1": W_neigh1, "b1": b1,
        "W_self2": W_self2, "W_neigh2": W_neigh2, "b2": b2,
        "W_fc": W_fc, "b_fc": b_fc,
    }


def _sage_conv_mean(x, edge_index, W_self, W_neigh, b):
    # DGL SAGEConv(aggregator='mean'):
    #   h_neigh = mean_{u in N(v)} x_u ; rst = x @ W_self + h_neigh @ W_neigh + b
    src = edge_index[0]
    dst = edge_index[1]
    n = x.shape[0]
    msg = jnp.take(x, src, axis=0)
    agg = jax.ops.segment_sum(msg, dst, num_segments=n)
    deg = jax.ops.segment_sum(jnp.ones((src.shape[0],), dtype=x.dtype), dst, num_segments=n)
    h_neigh = agg / jnp.clip(deg, 1.0, None)[:, None]
    return x @ W_self + h_neigh @ W_neigh + b


def reference(x, edge_index, W_self1, W_neigh1, b1, W_self2, W_neigh2, b2, W_fc, b_fc):
    h = jax.nn.relu(_sage_conv_mean(x, edge_index, W_self1, W_neigh1, b1))
    h = jax.nn.relu(_sage_conv_mean(h, edge_index, W_self2, W_neigh2, b2))
    out = h @ W_fc + b_fc
    return out

if __name__ == "__main__":
    import jax
    _d = setup_inputs()
    print(jax.jit(kernel)(*tuple(_d.values())))

</pallas_src>

<mosaic_0001>
#map = affine_map<(d0, d1) -> (0, 0)>
#map1 = affine_map<(d0, d1) -> (0, 0, 0)>
#map2 = affine_map<(d0, d1) -> (0)>
module attributes {stable_mosaic.version = 14 : i64} {
  func.func @_sc_agg_body(%arg0: i32, %arg1: i32, %arg2: memref<10000x128xf32, #tpu.memory_space<hbm>>, %arg3: memref<32x80x128xi32, #tpu.memory_space<hbm>>, %arg4: memref<10256x128xf32, #tpu.memory_space<hbm>>, %arg5: memref<10256xf32, #tpu.memory_space<hbm>>, %arg6: memref<10000x128xf32, #tpu.memory_space<hbm>>, %arg7: memref<10000x128xf32, #tpu.memory_space<hbm>>, %arg8: memref<10256xf32, #tpu.memory_space<hbm>>, %arg9: memref<10256xf32, #tpu.memory_space<hbm>>, %arg10: memref<80x128xi32, #tpu.memory_space<vmem>>, %arg11: memref<128xi32, #tpu.memory_space<vmem>>, %arg12: memref<128xi32, #tpu.memory_space<vmem>>, %arg13: memref<128xi32, #tpu.memory_space<vmem>>, %arg14: memref<128x128xf32, #tpu.memory_space<vmem>>, %arg15: memref<128x128xf32, #tpu.memory_space<vmem>>, %arg16: memref<128xf32, #tpu.memory_space<vmem>>, %arg17: memref<10256x128xf32, #tpu.memory_space<vmem_shared>>, %arg18: memref<10256xf32, #tpu.memory_space<vmem_shared>>, %arg19: memref<!tpu.dma_semaphore, #tpu.memory_space<semaphore_mem>>, %arg20: memref<!tpu.dma_semaphore, #tpu.memory_space<semaphore_mem>>) attributes {dimension_semantics = [#tpu.dimension_semantics<core_parallel>, #tpu.dimension_semantics<subcore_parallel>], iteration_bounds = array<i64: 2, 16>, scalar_prefetch = 0 : i64, scratch_operands = 11 : i64, tpu.core_type = #tpu.core_type<sc_vector_subcore>, window_params = [{transform_indices = #map}, {transform_indices = #map1}, {transform_indices = #map}, {transform_indices = #map2}, {transform_indices = #map}, {transform_indices = #map}, {transform_indices = #map2}, {transform_indices = #map2}]} {
    %mul3A = arith.constant 16 : i32
    %mul3A_0 = arith.muli %arg0, %mul3A : i32
    %add3A = arith.addi %mul3A_0, %arg1 : i32
    %mul3A_1 = arith.constant 624 : i32
    %mul3A_2 = arith.muli %arg1, %mul3A_1 : i32
    %mul3A_3 = arith.constant 624 : i32
    %mul3A_4 = arith.muli %arg1, %mul3A_3 : i32
    "tpu.region"() ({
      %run_scoped3A = tpu.sem_alloc : memref<!tpu.dma_semaphore, #tpu.memory_space<semaphore_mem>>
      %dma_start3A_487 = arith.constant 0 : i32
      %dma_start3A_488 = tpu.memref_slice %arg17[%mul3A_4, %dma_start3A_487] : memref<10256x128xf32, #tpu.memory_space<vmem_shared>> -> memref<624x128xf32, #tpu.memory_space<vmem_shared>>
      %dma_start3A_489 = arith.constant 0 : i32
      %dma_start3A_490 = tpu.memref_slice %arg4[%mul3A_2, %dma_start3A_489] : memref<10256x128xf32, #tpu.memory_space<hbm>> -> memref<624x128xf32, #tpu.memory_space<hbm>>
      tpu.enqueue_dma source(%dma_start3A_490 : memref<624x128xf32, #tpu.memory_space<hbm>>) target(%dma_start3A_488 : memref<624x128xf32, #tpu.memory_space<vmem_shared>>) target_semaphore(%run_scoped3A : memref<!tpu.dma_semaphore, #tpu.memory_space<semaphore_mem>>)
      %dma_wait3A_491 = arith.constant 0 : i32
      %dma_wait3A_492 = tpu.memref_slice %arg17[%mul3A_4, %dma_wait3A_491] : memref<10256x128xf32, #tpu.memory_space<vmem_shared>> -> memref<624x128xf32, #tpu.memory_space<vmem_shared>>
      %dma_wait3A_493 = arith.constant 0 : i32
      %dma_wait3A_494 = tpu.memref_slice %arg4[%mul3A_2, %dma_wait3A_493] : memref<10256x128xf32, #tpu.memory_space<hbm>> -> memref<624x128xf32, #tpu.memory_space<hbm>>
      tpu.wait_dma2 semaphore(%run_scoped3A : memref<!tpu.dma_semaphore, #tpu.memory_space<semaphore_mem>>) src(%dma_wait3A_494 : memref<624x128xf32, #tpu.memory_space<hbm>>) dst(%dma_wait3A_492 : memref<624x128xf32, #tpu.memory_space<vmem_shared>>)
      tpu.yield
    }) : () -> ()
    %eq3A = arith.constant 15 : i32
    %eq3A_5 = arith.cmpi eq, %arg1, %eq3A : i32
    %convert_element_type3A = arith.extui %eq3A_5 : i1 to i32
    %cond3A = arith.constant 0 : i32
    %cond3A_6 = arith.cmpi ne, %convert_element_type3A, %cond3A : i32
    scf.if %cond3A_6 {
      "tpu.region"() ({
        %run_scoped3A = tpu.sem_alloc : memref<!tpu.dma_semaphore, #tpu.memory_space<semaphore_mem>>
        %dma_start3A_487 = arith.constant 9984 : i32
        %dma_start3A_488 = arith.constant 0 : i32
        %dma_start3A_489 = tpu.memref_slice %arg17[%dma_start3A_487, %dma_start3A_488] : memref<10256x128xf32, #tpu.memory_space<vmem_shared>> -> memref<272x128xf32, #tpu.memory_space<vmem_shared>>
        %dma_start3A_490 = arith.constant 9984 : i32
        %dma_start3A_491 = arith.constant 0 : i32
        %dma_start3A_492 = tpu.memref_slice %arg4[%dma_start3A_490, %dma_start3A_491] : memref<10256x128xf32, #tpu.memory_space<hbm>> -> memref<272x128xf32, #tpu.memory_space<hbm>>
        tpu.enqueue_dma source(%dma_start3A_492 : memref<272x128xf32, #tpu.memory_space<hbm>>) target(%dma_start3A_489 : memref<272x128xf32, #tpu.memory_space<vmem_shared>>) target_semaphore(%run_scoped3A : memref<!tpu.dma_semaphore, #tpu.memory_space<semaphore_mem>>)
        %dma_wait3A_493 = arith.constant 9984 : i32
        %dma_wait3A_494 = arith.constant 0 : i32
        %dma_wait3A_495 = tpu.memref_slice %arg17[%dma_wait3A_493, %dma_wait3A_494] : memref<10256x128xf32, #tpu.memory_space<vmem_shared>> -> memref<272x128xf32, #tpu.memory_space<vmem_shared>>
        %dma_wait3A_496 = arith.constant 9984 : i32
        %dma_wait3A_497 = arith.constant 0 : i32
        %dma_wait3A_498 = tpu.memref_slice %arg4[%dma_wait3A_496, %dma_wait3A_497] : memref<10256x128xf32, #tpu.memory_space<hbm>> -> memref<272x128xf32, #tpu.memory_space<hbm>>
        tpu.wait_dma2 semaphore(%run_scoped3A : memref<!tpu.dma_semaphore, #tpu.memory_space<semaphore_mem>>) src(%dma_wait3A_498 : memref<272x128xf32, #tpu.memory_space<hbm>>) dst(%dma_wait3A_495 : memref<272x128xf32, #tpu.memory_space<vmem_shared>>)
        tpu.yield
      }) : () -> ()
    } else {
    }
    %eq3A_7 = arith.constant 0 : i32
    %eq3A_8 = arith.cmpi eq, %arg1, %eq3A_7 : i32
    %convert_element_type3A_9 = arith.extui %eq3A_8 : i1 to i32
    %cond3A_10 = arith.constant 0 : i32
    %cond3A_11 = arith.cmpi ne, %convert_element_type3A_9, %cond3A_10 : i32
    scf.if %cond3A_11 {
      "tpu.region"() ({
        %run_scoped3A = tpu.sem_alloc : memref<!tpu.dma_semaphore, #tpu.memory_space<semaphore_mem>>
        tpu.enqueue_dma source(%arg5 : memref<10256xf32, #tpu.memory_space<hbm>>) target(%arg18 : memref<10256xf32, #tpu.memory_space<vmem_shared>>) target_semaphore(%run_scoped3A : memref<!tpu.dma_semaphore, #tpu.memory_space<semaphore_mem>>)
        tpu.wait_dma2 semaphore(%run_scoped3A : memref<!tpu.dma_semaphore, #tpu.memory_space<semaphore_mem>>) src(%arg5 : memref<10256xf32, #tpu.memory_space<hbm>>) dst(%arg18 : memref<10256xf32, #tpu.memory_space<vmem_shared>>)
        tpu.yield
      }) : () -> ()
    } else {
    }
    %broadcast_in_dim3A = arith.constant 1.000000e+00 : f32
    %broadcast_in_dim3A_12 = vector.broadcast %broadcast_in_dim3A : f32 to vector<16xf32>
    %swap3A = arith.constant 0 : index
    %swap3A_13 = tpu.vector_load %arg16[%swap3A] {strides = array<i32>} : memref<128xf32, #tpu.memory_space<vmem>>, vector<16xf32>,
    %swap3A_14 = vector.shape_cast %swap3A_13 : vector<16xf32> to vector<16xf32>
    %swap3A_15 = vector.shape_cast %broadcast_in_dim3A_12 : vector<16xf32> to vector<16xf32>
    tpu.vector_store %arg16[%swap3A], %swap3A_15 {strides = array<i32>} : memref<128xf32, #tpu.memory_space<vmem>>, vector<16xf32>,
    %broadcast_in_dim3A_16 = arith.constant 1.000000e+00 : f32
    %broadcast_in_dim3A_17 = vector.broadcast %broadcast_in_dim3A_16 : f32 to vector<16xf32>
    %swap3A_18 = arith.constant 16 : index
    %swap3A_19 = tpu.vector_load %arg16[%swap3A_18] {strides = array<i32>} : memref<128xf32, #tpu.memory_space<vmem>>, vector<16xf32>,
    %swap3A_20 = vector.shape_cast %swap3A_19 : vector<16xf32> to vector<16xf32>
    %swap3A_21 = vector.shape_cast %broadcast_in_dim3A_17 : vector<16xf32> to vector<16xf32>
    tpu.vector_store %arg16[%swap3A_18], %swap3A_21 {strides = array<i32>} : memref<128xf32, #tpu.memory_space<vmem>>, vector<16xf32>,
    %broadcast_in_dim3A_22 = arith.constant 1.000000e+00 : f32
    %broadcast_in_dim3A_23 = vector.broadcast %broadcast_in_dim3A_22 : f32 to vector<16xf32>
    %swap3A_24 = arith.constant 32 : index
    %swap3A_25 = tpu.vector_load %arg16[%swap3A_24] {strides = array<i32>} : memref<128xf32, #tpu.memory_space<vmem>>, vector<16xf32>,
    %swap3A_26 = vector.shape_cast %swap3A_25 : vector<16xf32> to vector<16xf32>
    %swap3A_27 = vector.shape_cast %broadcast_in_dim3A_23 : vector<16xf32> to vector<16xf32>
    tpu.vector_store %arg16[%swap3A_24], %swap3A_27 {strides = array<i32>} : memref<128xf32, #tpu.memory_space<vmem>>, vector<16xf32>,
    %broadcast_in_dim3A_28 = arith.constant 1.000000e+00 : f32
    %broadcast_in_dim3A_29 = vector.broadcast %broadcast_in_dim3A_28 : f32 to vector<16xf32>
    %swap3A_30 = arith.constant 48 : index
    %swap3A_31 = tpu.vector_load %arg16[%swap3A_30] {strides = array<i32>} : memref<128xf32, #tpu.memory_space<vmem>>, vector<16xf32>,
    %swap3A_32 = vector.shape_cast %swap3A_31 : vector<16xf32> to vector<16xf32>
    %swap3A_33 = vector.shape_cast %broadcast_in_dim3A_29 : vector<16xf32> to vector<16xf32>
    tpu.vector_store %arg16[%swap3A_30], %swap3A_33 {strides = array<i32>} : memref<128xf32, #tpu.memory_space<vmem>>, vector<16xf32>,
    %broadcast_in_dim3A_34 = arith.constant 1.000000e+00 : f32
    %broadcast_in_dim3A_35 = vector.broadcast %broadcast_in_dim3A_34 : f32 to vector<16xf32>
    %swap3A_36 = arith.constant 64 : index
    %swap3A_37 = tpu.vector_load %arg16[%swap3A_36] {strides = array<i32>} : memref<128xf32, #tpu.memory_space<vmem>>, vector<16xf32>,
    %swap3A_38 = vector.shape_cast %swap3A_37 : vector<16xf32> to vector<16xf32>
    %swap3A_39 = vector.shape_cast %broadcast_in_dim3A_35 : vector<16xf32> to vector<16xf32>
    tpu.vector_store %arg16[%swap3A_36], %swap3A_39 {strides = array<i32>} : memref<128xf32, #tpu.memory_space<vmem>>, vector<16xf32>,
    %broadcast_in_dim3A_40 = arith.constant 1.000000e+00 : f32
    %broadcast_in_dim3A_41 = vector.broadcast %broadcast_in_dim3A_40 : f32 to vector<16xf32>
    %swap3A_42 = arith.constant 80 : index
    %swap3A_43 = tpu.vector_load %arg16[%swap3A_42] {strides = array<i32>} : memref<128xf32, #tpu.memory_space<vmem>>, vector<16xf32>,
    %swap3A_44 = vector.shape_cast %swap3A_43 : vector<16xf32> to vector<16xf32>
    %swap3A_45 = vector.shape_cast %broadcast_in_dim3A_41 : vector<16xf32> to vector<16xf32>
    tpu.vector_store %arg16[%swap3A_42], %swap3A_45 {strides = array<i32>} : memref<128xf32, #tpu.memory_space<vmem>>, vector<16xf32>,
    %broadcast_in_dim3A_46 = arith.constant 1.000000e+00 : f32
    %broadcast_in_dim3A_47 = vector.broadcast %broadcast_in_dim3A_46 : f32 to vector<16xf32>
    %swap3A_48 = arith.constant 96 : index
    %swap3A_49 = tpu.vector_load %arg16[%swap3A_48] {strides = array<i32>} : memref<128xf32, #tpu.memory_space<vmem>>, vector<16xf32>,
    %swap3A_50 = vector.shape_cast %swap3A_49 : vector<16xf32> to vector<16xf32>
    %swap3A_51 = vector.shape_cast %broadcast_in_dim3A_47 : vector<16xf32> to vector<16xf32>
    tpu.vector_store %arg16[%swap3A_48], %swap3A_51 {strides = array<i32>} : memref<128xf32, #tpu.memory_space<vmem>>, vector<16xf32>,
    %broadcast_in_dim3A_52 = arith.constant 1.000000e+00 : f32
    %broadcast_in_dim3A_53 = vector.broadcast %broadcast_in_dim3A_52 : f32 to vector<16xf32>
    %swap3A_54 = arith.constant 112 : index
    %swap3A_55 = tpu.vector_load %arg16[%swap3A_54] {strides = array<i32>} : memref<128xf32, #tpu.memory_space<vmem>>, vector<16xf32>,
    %swap3A_56 = vector.shape_cast %swap3A_55 : vector<16xf32> to vector<16xf32>
    %swap3A_57 = vector.shape_cast %broadcast_in_dim3A_53 : vector<16xf32> to vector<16xf32>
    tpu.vector_store %arg16[%swap3A_54], %swap3A_57 {strides = array<i32>} : memref<128xf32, #tpu.memory_space<vmem>>, vector<16xf32>,
    "tpu.region"() ({
      %run_scoped3A = tpu.sem_alloc : memref<!tpu.dma_semaphore, #tpu.memory_space<semaphore_mem>>
      %dma_start3A_487 = arith.constant 0 : i32
      %dma_start3A_488 = arith.constant 0 : i32
      %dma_start3A_489 = tpu.memref_slice %arg3[%add3A, %dma_start3A_487, %dma_start3A_488] : memref<32x80x128xi32, #tpu.memory_space<hbm>> -> memref<1x80x128xi32, #tpu.memory_space<hbm>>
      %dma_start3A_490 = tpu.memref_squeeze %dma_start3A_489 : memref<1x80x128xi32, #tpu.memory_space<hbm>> -> memref<80x128xi32, #tpu.memory_space<hbm>>
      %dma_start3A_491 = arith.constant 0 : i32
      %dma_start3A_492 = arith.constant 0 : i32
      %dma_start3A_493 = tpu.memref_slice %arg3[%add3A, %dma_start3A_491, %dma_start3A_492] : memref<32x80x128xi32, #tpu.memory_space<hbm>> -> memref<1x80x128xi32, #tpu.memory_space<hbm>>
      %dma_start3A_494 = tpu.memref_squeeze %dma_start3A_493 : memref<1x80x128xi32, #tpu.memory_space<hbm>> -> memref<80x128xi32, #tpu.memory_space<hbm>>
      tpu.enqueue_dma source(%dma_start3A_494 : memref<80x128xi32, #tpu.memory_space<hbm>>) target(%arg10 : memref<80x128xi32, #tpu.memory_space<vmem>>) target_semaphore(%run_scoped3A : memref<!tpu.dma_semaphore, #tpu.memory_space<semaphore_mem>>)
      %dma_wait3A_495 = arith.constant 0 : i32
      %dma_wait3A_496 = arith.constant 0 : i32
      %dma_wait3A_497 = tpu.memref_slice %arg3[%add3A, %dma_wait3A_495, %dma_wait3A_496] : memref<32x80x128xi32, #tpu.memory_space<hbm>> -> memref<1x80x128xi32, #tpu.memory_space<hbm>>
      %dma_wait3A_498 = tpu.memref_squeeze %dma_wait3A_497 : memref<1x80x128xi32, #tpu.memory_space<hbm>> -> memref<80x128xi32, #tpu.memory_space<hbm>>
      %dma_wait3A_499 = arith.constant 0 : i32
      %dma_wait3A_500 = arith.constant 0 : i32
      %dma_wait3A_501 = tpu.memref_slice %arg3[%add3A, %dma_wait3A_499, %dma_wait3A_500] : memref<32x80x128xi32, #tpu.memory_space<hbm>> -> memref<1x80x128xi32, #tpu.memory_space<hbm>>
      %dma_wait3A_502 = tpu.memref_squeeze %dma_wait3A_501 : memref<1x80x128xi32, #tpu.memory_space<hbm>> -> memref<80x128xi32, #tpu.memory_space<hbm>>
      tpu.wait_dma2 semaphore(%run_scoped3A : memref<!tpu.dma_semaphore, #tpu.memory_space<semaphore_mem>>) src(%dma_wait3A_502 : memref<80x128xi32, #tpu.memory_space<hbm>>) dst(%arg10 : memref<80x128xi32, #tpu.memory_space<vmem>>)
      tpu.yield
    }) : () -> ()
    %get3A = arith.constant 0 : i32
    %get3A_58 = arith.index_cast %get3A : i32 to index
    %get3A_59 = arith.constant 0 : index
    %get3A_60 = tpu.vector_load %arg10[%get3A_58, %get3A_59] {strides = array<i32>} : memref<80x128xi32, #tpu.memory_space<vmem>>, vector<1x16xi32>,
    %get3A_61 = vector.shape_cast %get3A_60 : vector<1x16xi32> to vector<16xi32>
    %and3A = arith.constant 65535 : i32
    %and3A_62 = vector.broadcast %and3A : i32 to vector<16xi32>
    %and3A_63 = arith.andi %get3A_61, %and3A_62 : vector<16xi32>
    %swap3A_64 = arith.constant 0 : index
    %swap3A_65 = tpu.vector_load %arg11[%swap3A_64] {strides = array<i32>} : memref<128xi32, #tpu.memory_space<vmem>>, vector<16xi32>,
    %swap3A_66 = vector.shape_cast %swap3A_65 : vector<16xi32> to vector<16xi32>
    %swap3A_67 = vector.shape_cast %and3A_63 : vector<16xi32> to vector<16xi32>
    tpu.vector_store %arg11[%swap3A_64], %swap3A_67 {strides = array<i32>} : memref<128xi32, #tpu.memory_space<vmem>>, vector<16xi32>,
    %get3A_68 = arith.constant 0 : i32
    %get3A_69 = arith.index_cast %get3A_68 : i32 to index
    %get3A_70 = arith.constant 16 : index
    %get3A_71 = tpu.vector_load %arg10[%get3A_69, %get3A_70] {strides = array<i32>} : memref<80x128xi32, #tpu.memory_space<vmem>>, vector<1x16xi32>,
    %get3A_72 = vector.shape_cast %get3A_71 : vector<1x16xi32> to vector<16xi32>
    %and3A_73 = arith.constant 65535 : i32
    %and3A_74 = vector.broadcast %and3A_73 : i32 to vector<16xi32>
    %and3A_75 = arith.andi %get3A_72, %and3A_74 : vector<16xi32>
    %swap3A_76 = arith.constant 16 : index
    %swap3A_77 = tpu.vector_load %arg11[%swap3A_76] {strides = array<i32>} : memref<128xi32, #tpu.memory_space<vmem>>, vector<16xi32>,
    %swap3A_78 = vector.shape_cast %swap3A_77 : vector<16xi32> to vector<16xi32>
    %swap3A_79 = vector.shape_cast %and3A_75 : vector<16xi32> to vector<16xi32>
    tpu.vector_store %arg11[%swap3A_76], %swap3A_79 {strides = array<i32>} : memref<128xi32, #tpu.memory_space<vmem>>, vector<16xi32>,
    %get3A_80 = arith.constant 0 : i32
    %get3A_81 = arith.index_cast %get3A_80 : i32 to index
    %get3A_82 = arith.constant 32 : index
    %get3A_83 = tpu.vector_load %arg10[%get3A_81, %get3A_82] {strides = array<i32>} : memref<80x128xi32, #tpu.memory_space<vmem>>, vector<1x16xi32>,
    %get3A_84 = vector.shape_cast %get3A_83 : vector<1x16xi32> to vector<16xi32>
    %and3A_85 = arith.constant 65535 : i32
    %and3A_86 = vector.broadcast %and3A_85 : i32 to vector<16xi32>
    %and3A_87 = arith.andi %get3A_84, %and3A_86 : vector<16xi32>
    %swap3A_88 = arith.constant 32 : index
    %swap3A_89 = tpu.vector_load %arg11[%swap3A_88] {strides = array<i32>} : memref<128xi32, #tpu.memory_space<vmem>>, vector<16xi32>,
    %swap3A_90 = vector.shape_cast %swap3A_89 : vector<16xi32> to vector<16xi32>
    %swap3A_91 = vector.shape_cast %and3A_87 : vector<16xi32> to vector<16xi32>
    tpu.vector_store %arg11[%swap3A_88], %swap3A_91 {strides = array<i32>} : memref<128xi32, #tpu.memory_space<vmem>>, vector<16xi32>,
    %get3A_92 = arith.constant 0 : i32
    %get3A_93 = arith.index_cast %get3A_92 : i32 to index
    %get3A_94 = arith.constant 48 : index
    %get3A_95 = tpu.vector_load %arg10[%get3A_93, %get3A_94] {strides = array<i32>} : memref<80x128xi32, #tpu.memory_space<vmem>>, vector<1x16xi32>,
    %get3A_96 = vector.shape_cast %get3A_95 : vector<1x16xi32> to vector<16xi32>
    %and3A_97 = arith.constant 65535 : i32
    %and3A_98 = vector.broadcast %and3A_97 : i32 to vector<16xi32>
    %and3A_99 = arith.andi %get3A_96, %and3A_98 : vector<16xi32>
    %swap3A_100 = arith.constant 48 : index
    %swap3A_101 = tpu.vector_load %arg11[%swap3A_100] {strides = array<i32>} : memref<128xi32, #tpu.memory_space<vmem>>, vector<16xi32>,
    %swap3A_102 = vector.shape_cast %swap3A_101 : vector<16xi32> to vector<16xi32>
    %swap3A_103 = vector.shape_cast %and3A_99 : vector<16xi32> to vector<16xi32>
    tpu.vector_store %arg11[%swap3A_100], %swap3A_103 {strides = array<i32>} : memref<128xi32, #tpu.memory_space<vmem>>, vector<16xi32>,
    %get3A_104 = arith.constant 0 : i32
    %get3A_105 = arith.index_cast %get3A_104 : i32 to index
    %get3A_106 = arith.constant 64 : index
    %get3A_107 = tpu.vector_load %arg10[%get3A_105, %get3A_106] {strides = array<i32>} : memref<80x128xi32, #tpu.memory_space<vmem>>, vector<1x16xi32>,
    %get3A_108 = vector.shape_cast %get3A_107 : vector<1x16xi32> to vector<16xi32>
    %and3A_109 = arith.constant 65535 : i32
    %and3A_110 = vector.broadcast %and3A_109 : i32 to vector<16xi32>
    %and3A_111 = arith.andi %get3A_108, %and3A_110 : vector<16xi32>
    %swap3A_112 = arith.constant 64 : index
    %swap3A_113 = tpu.vector_load %arg11[%swap3A_112] {strides = array<i32>} : memref<128xi32, #tpu.memory_space<vmem>>, vector<16xi32>,
    %swap3A_114 = vector.shape_cast %swap3A_113 : vector<16xi32> to vector<16xi32>
    %swap3A_115 = vector.shape_cast %and3A_111 : vector<16xi32> to vector<16xi32>
    tpu.vector_store %arg11[%swap3A_112], %swap3A_115 {strides = array<i32>} : memref<128xi32, #tpu.memory_space<vmem>>, vector<16xi32>,
    %get3A_116 = arith.constant 0 : i32
    %get3A_117 = arith.index_cast %get3A_116 : i32 to index
    %get3A_118 = arith.constant 80 : index
    %get3A_119 = tpu.vector_load %arg10[%get3A_117, %get3A_118] {strides = array<i32>} : memref<80x128xi32, #tpu.memory_space<vmem>>, vector<1x16xi32>,
    %get3A_120 = vector.shape_cast %get3A_119 : vector<1x16xi32> to vector<16xi32>
    %and3A_121 = arith.constant 65535 : i32
    %and3A_122 = vector.broadcast %and3A_121 : i32 to vector<16xi32>
    %and3A_123 = arith.andi %get3A_120, %and3A_122 : vector<16xi32>
    %swap3A_124 = arith.constant 80 : index
    %swap3A_125 = tpu.vector_load %arg11[%swap3A_124] {strides = array<i32>} : memref<128xi32, #tpu.memory_space<vmem>>, vector<16xi32>,
    %swap3A_126 = vector.shape_cast %swap3A_125 : vector<16xi32> to vector<16xi32>
    %swap3A_127 = vector.shape_cast %and3A_123 : vector<16xi32> to vector<16xi32>
    tpu.vector_store %arg11[%swap3A_124], %swap3A_127 {strides = array<i32>} : memref<128xi32, #tpu.memory_space<vmem>>, vector<16xi32>,
    %get3A_128 = arith.constant 0 : i32
    %get3A_129 = arith.index_cast %get3A_128 : i32 to index
    %get3A_130 = arith.constant 96 : index
    %get3A_131 = tpu.vector_load %arg10[%get3A_129, %get3A_130] {strides = array<i32>} : memref<80x128xi32, #tpu.memory_space<vmem>>, vector<1x16xi32>,
    %get3A_132 = vector.shape_cast %get3A_131 : vector<1x16xi32> to vector<16xi32>
    %and3A_133 = arith.constant 65535 : i32
    %and3A_134 = vector.broadcast %and3A_133 : i32 to vector<16xi32>
    %and3A_135 = arith.andi %get3A_132, %and3A_134 : vector<16xi32>
    %swap3A_136 = arith.constant 96 : index
    %swap3A_137 = tpu.vector_load %arg11[%swap3A_136] {strides = array<i32>} : memref<128xi32, #tpu.memory_space<vmem>>, vector<16xi32>,
    %swap3A_138 = vector.shape_cast %swap3A_137 : vector<16xi32> to vector<16xi32>
    %swap3A_139 = vector.shape_cast %and3A_135 : vector<16xi32> to vector<16xi32>
    tpu.vector_store %arg11[%swap3A_136], %swap3A_139 {strides = array<i32>} : memref<128xi32, #tpu.memory_space<vmem>>, vector<16xi32>,
    %get3A_140 = arith.constant 0 : i32
    %get3A_141 = arith.index_cast %get3A_140 : i32 to index
    %get3A_142 = arith.constant 112 : index
    %get3A_143 = tpu.vector_load %arg10[%get3A_141, %get3A_142] {strides = array<i32>} : memref<80x128xi32, #tpu.memory_space<vmem>>, vector<1x16xi32>,
    %get3A_144 = vector.shape_cast %get3A_143 : vector<1x16xi32> to vector<16xi32>
    %and3A_145 = arith.constant 65535 : i32
    %and3A_146 = vector.broadcast %and3A_145 : i32 to vector<16xi32>
    %and3A_147 = arith.andi %get3A_144, %and3A_146 : vector<16xi32>
    %swap3A_148 = arith.constant 112 : index
    %swap3A_149 = tpu.vector_load %arg11[%swap3A_148] {strides = array<i32>} : memref<128xi32, #tpu.memory_space<vmem>>, vector<16xi32>,
    %swap3A_150 = vector.shape_cast %swap3A_149 : vector<16xi32> to vector<16xi32>
    %swap3A_151 = vector.shape_cast %and3A_147 : vector<16xi32> to vector<16xi32>
    tpu.vector_store %arg11[%swap3A_148], %swap3A_151 {strides = array<i32>} : memref<128xi32, #tpu.memory_space<vmem>>, vector<16xi32>,
    %get3A_152 = arith.constant 1 : i32
    %get3A_153 = arith.index_cast %get3A_152 : i32 to index
    %get3A_154 = arith.constant 0 : index
    %get3A_155 = tpu.vector_load %arg10[%get3A_153, %get3A_154] {strides = array<i32>} : memref<80x128xi32, #tpu.memory_space<vmem>>, vector<1x16xi32>,
    %get3A_156 = vector.shape_cast %get3A_155 : vector<1x16xi32> to vector<16xi32>
    %and3A_157 = arith.constant 65535 : i32
    %and3A_158 = vector.broadcast %and3A_157 : i32 to vector<16xi32>
    %and3A_159 = arith.andi %get3A_156, %and3A_158 : vector<16xi32>
    %swap3A_160 = arith.constant 0 : index
    %swap3A_161 = tpu.vector_load %arg12[%swap3A_160] {strides = array<i32>} : memref<128xi32, #tpu.memory_space<vmem>>, vector<16xi32>,
    %swap3A_162 = vector.shape_cast %swap3A_161 : vector<16xi32> to vector<16xi32>
    %swap3A_163 = vector.shape_cast %and3A_159 : vector<16xi32> to vector<16xi32>
    tpu.vector_store %arg12[%swap3A_160], %swap3A_163 {strides = array<i32>} : memref<128xi32, #tpu.memory_space<vmem>>, vector<16xi32>,
    %get3A_164 = arith.constant 1 : i32
    %get3A_165 = arith.index_cast %get3A_164 : i32 to index
    %get3A_166 = arith.constant 16 : index
    %get3A_167 = tpu.vector_load %arg10[%get3A_165, %get3A_166] {strides = array<i32>} : memref<80x128xi32, #tpu.memory_space<vmem>>, vector<1x16xi32>,
    %get3A_168 = vector.shape_cast %get3A_167 : vector<1x16xi32> to vector<16xi32>
    %and3A_169 = arith.constant 65535 : i32
    %and3A_170 = vector.broadcast %and3A_169 : i32 to vector<16xi32>
    %and3A_171 = arith.andi %get3A_168, %and3A_170 : vector<16xi32>
    %swap3A_172 = arith.constant 16 : index
    %swap3A_173 = tpu.vector_load %arg12[%swap3A_172] {strides = array<i32>} : memref<128xi32, #tpu.memory_space<vmem>>, vector<16xi32>,
    %swap3A_174 = vector.shape_cast %swap3A_173 : vector<16xi32> to vector<16xi32>
    %swap3A_175 = vector.shape_cast %and3A_171 : vector<16xi32> to vector<16xi32>
    tpu.vector_store %arg12[%swap3A_172], %swap3A_175 {strides = array<i32>} : memref<128xi32, #tpu.memory_space<vmem>>, vector<16xi32>,
    %get3A_176 = arith.constant 1 : i32
    %get3A_177 = arith.index_cast %get3A_176 : i32 to index
    %get3A_178 = arith.constant 32 : index
    %get3A_179 = tpu.vector_load %arg10[%get3A_177, %get3A_178] {strides = array<i32>} : memref<80x128xi32, #tpu.memory_space<vmem>>, vector<1x16xi32>,
    %get3A_180 = vector.shape_cast %get3A_179 : vector<1x16xi32> to vector<16xi32>
    %and3A_181 = arith.constant 65535 : i32
    %and3A_182 = vector.broadcast %and3A_181 : i32 to vector<16xi32>
    %and3A_183 = arith.andi %get3A_180, %and3A_182 : vector<16xi32>
    %swap3A_184 = arith.constant 32 : index
    %swap3A_185 = tpu.vector_load %arg12[%swap3A_184] {strides = array<i32>} : memref<128xi32, #tpu.memory_space<vmem>>, vector<16xi32>,
    %swap3A_186 = vector.shape_cast %swap3A_185 : vector<16xi32> to vector<16xi32>
    %swap3A_187 = vector.shape_cast %and3A_183 : vector<16xi32> to vector<16xi32>
    tpu.vector_store %arg12[%swap3A_184], %swap3A_187 {strides = array<i32>} : memref<128xi32, #tpu.memory_space<vmem>>, vector<16xi32>,
    %get3A_188 = arith.constant 1 : i32
    %get3A_189 = arith.index_cast %get3A_188 : i32 to index
    %get3A_190 = arith.constant 48 : index
    %get3A_191 = tpu.vector_load %arg10[%get3A_189, %get3A_190] {strides = array<i32>} : memref<80x128xi32, #tpu.memory_space<vmem>>, vector<1x16xi32>,
    %get3A_192 = vector.shape_cast %get3A_191 : vector<1x16xi32> to vector<16xi32>
    %and3A_193 = arith.constant 65535 : i32
    %and3A_194 = vector.broadcast %and3A_193 : i32 to vector<16xi32>
    %and3A_195 = arith.andi %get3A_192, %and3A_194 : vector<16xi32>
    %swap3A_196 = arith.constant 48 : index
    %swap3A_197 = tpu.vector_load %arg12[%swap3A_196] {strides = array<i32>} : memref<128xi32, #tpu.memory_space<vmem>>, vector<16xi32>,
    %swap3A_198 = vector.shape_cast %swap3A_197 : vector<16xi32> to vector<16xi32>
    %swap3A_199 = vector.shape_cast %and3A_195 : vector<16xi32> to vector<16xi32>
    tpu.vector_store %arg12[%swap3A_196], %swap3A_199 {strides = array<i32>} : memref<128xi32, #tpu.memory_space<vmem>>, vector<16xi32>,
    %get3A_200 = arith.constant 1 : i32
    %get3A_201 = arith.index_cast %get3A_200 : i32 to index
    %get3A_202 = arith.constant 64 : index
    %get3A_203 = tpu.vector_load %arg10[%get3A_201, %get3A_202] {strides = array<i32>} : memref<80x128xi32, #tpu.memory_space<vmem>>, vector<1x16xi32>,
    %get3A_204 = vector.shape_cast %get3A_203 : vector<1x16xi32> to vector<16xi32>
    %and3A_205 = arith.constant 65535 : i32
    %and3A_206 = vector.broadcast %and3A_205 : i32 to vector<16xi32>
    %and3A_207 = arith.andi %get3A_204, %and3A_206 : vector<16xi32>
    %swap3A_208 = arith.constant 64 : index
    %swap3A_209 = tpu.vector_load %arg12[%swap3A_208] {strides = array<i32>} : memref<128xi32, #tpu.memory_space<vmem>>, vector<16xi32>,
    %swap3A_210 = vector.shape_cast %swap3A_209 : vector<16xi32> to vector<16xi32>
    %swap3A_211 = vector.shape_cast %and3A_207 : vector<16xi32> to vector<16xi32>
    tpu.vector_store %arg12[%swap3A_208], %swap3A_211 {strides = array<i32>} : memref<128xi32, #tpu.memory_space<vmem>>, vector<16xi32>,
    %get3A_212 = arith.constant 1 : i32
    %get3A_213 = arith.index_cast %get3A_212 : i32 to index
    %get3A_214 = arith.constant 80 : index
    %get3A_215 = tpu.vector_load %arg10[%get3A_213, %get3A_214] {strides = array<i32>} : memref<80x128xi32, #tpu.memory_space<vmem>>, vector<1x16xi32>,
    %get3A_216 = vector.shape_cast %get3A_215 : vector<1x16xi32> to vector<16xi32>
    %and3A_217 = arith.constant 65535 : i32
    %and3A_218 = vector.broadcast %and3A_217 : i32 to vector<16xi32>
    %and3A_219 = arith.andi %get3A_216, %and3A_218 : vector<16xi32>
    %swap3A_220 = arith.constant 80 : index
    %swap3A_221 = tpu.vector_load %arg12[%swap3A_220] {strides = array<i32>} : memref<128xi32, #tpu.memory_space<vmem>>, vector<16xi32>,
    %swap3A_222 = vector.shape_cast %swap3A_221 : vector<16xi32> to vector<16xi32>
    %swap3A_223 = vector.shape_cast %and3A_219 : vector<16xi32> to vector<16xi32>
    tpu.vector_store %arg12[%swap3A_220], %swap3A_223 {strides = array<i32>} : memref<128xi32, #tpu.memory_space<vmem>>, vector<16xi32>,
    %get3A_224 = arith.constant 1 : i32
    %get3A_225 = arith.index_cast %get3A_224 : i32 to index
    %get3A_226 = arith.constant 96 : index
    %get3A_227 = tpu.vector_load %arg10[%get3A_225, %get3A_226] {strides = array<i32>} : memref<80x128xi32, #tpu.memory_space<vmem>>, vector<1x16xi32>,
    %get3A_228 = vector.shape_cast %get3A_227 : vector<1x16xi32> to vector<16xi32>
    %and3A_229 = arith.constant 65535 : i32
    %and3A_230 = vector.broadcast %and3A_229 : i32 to vector<16xi32>
    %and3A_231 = arith.andi %get3A_228, %and3A_230 : vector<16xi32>
    %swap3A_232 = arith.constant 96 : index
    %swap3A_233 = tpu.vector_load %arg12[%swap3A_232] {strides = array<i32>} : memref<128xi32, #tpu.memory_space<vmem>>, vector<16xi32>,
    %swap3A_234 = vector.shape_cast %swap3A_233 : vector<16xi32> to vector<16xi32>
    %swap3A_235 = vector.shape_cast %and3A_231 : vector<16xi32> to vector<16xi32>
    tpu.vector_store %arg12[%swap3A_232], %swap3A_235 {strides = array<i32>} : memref<128xi32, #tpu.memory_space<vmem>>, vector<16xi32>,
    %get3A_236 = arith.constant 1 : i32
    %get3A_237 = arith.index_cast %get3A_236 : i32 to index
    %get3A_238 = arith.constant 112 : index
    %get3A_239 = tpu.vector_load %arg10[%get3A_237, %get3A_238] {strides = array<i32>} : memref<80x128xi32, #tpu.memory_space<vmem>>, vector<1x16xi32>,
    %get3A_240 = vector.shape_cast %get3A_239 : vector<1x16xi32> to vector<16xi32>
    %and3A_241 = arith.constant 65535 : i32
    %and3A_242 = vector.broadcast %and3A_241 : i32 to vector<16xi32>
    %and3A_243 = arith.andi %get3A_240, %and3A_242 : vector<16xi32>
    %swap3A_244 = arith.constant 112 : index
    %swap3A_245 = tpu.vector_load %arg12[%swap3A_244] {strides = array<i32>} : memref<128xi32, #tpu.memory_space<vmem>>, vector<16xi32>,
    %swap3A_246 = vector.shape_cast %swap3A_245 : vector<16xi32> to vector<16xi32>
    %swap3A_247 = vector.shape_cast %and3A_243 : vector<16xi32> to vector<16xi32>
    tpu.vector_store %arg12[%swap3A_244], %swap3A_247 {strides = array<i32>} : memref<128xi32, #tpu.memory_space<vmem>>, vector<16xi32>,
    %dma_start3A = arith.constant 0 : i32
    %dma_start3A_248 = arith.constant 0 : i32
    %dma_start3A_249 = tpu.memref_slice %arg2[%dma_start3A, %dma_start3A_248] : memref<10000x128xf32, #tpu.memory_space<hbm>> -> memref<10000x128xf32, #tpu.memory_space<hbm>>
    tpu.enqueue_indirect_dma source(%dma_start3A_249 : memref<10000x128xf32, #tpu.memory_space<hbm>>) target(%arg14 : memref<128x128xf32, #tpu.memory_space<vmem>>) offsets(%arg11 : memref<128xi32, #tpu.memory_space<vmem>>) semaphore(%arg19 : memref<!tpu.dma_semaphore, #tpu.memory_space<semaphore_mem>>)
    %dma_start3A_250 = arith.constant 0 : i32
    %dma_start3A_251 = arith.constant 0 : i32
    %dma_start3A_252 = tpu.memref_slice %arg2[%dma_start3A_250, %dma_start3A_251] : memref<10000x128xf32, #tpu.memory_space<hbm>> -> memref<10000x128xf32, #tpu.memory_space<hbm>>
    tpu.enqueue_indirect_dma source(%dma_start3A_252 : memref<10000x128xf32, #tpu.memory_space<hbm>>) target(%arg15 : memref<128x128xf32, #tpu.memory_space<vmem>>) offsets(%arg12 : memref<128xi32, #tpu.memory_space<vmem>>) semaphore(%arg20 : memref<!tpu.dma_semaphore, #tpu.memory_space<semaphore_mem>>)
    %barrier3A = arith.constant 0 : index
    tpu.barrier barrier_id(%barrier3A)
    %scan3A = arith.constant 0 : i32
    %scan3A_253 = arith.constant 0 : i32
    %scan3A_254 = arith.constant 39 : i32
    %scan3A_255 = arith.addi %scan3A_253, %scan3A_254 : i32
    %scan3A_256 = arith.constant 1 : i32
    scf.for %scan3A_487 = %scan3A_253 to %scan3A_255 step %scan3A_256  : i32 {
      %mul3A_488 = arith.constant 2 : i32
      %mul3A_489 = arith.muli %mul3A_488, %scan3A_487 : i32
      %dma_wait3A_490 = arith.constant 0 : i32
      %dma_wait3A_491 = arith.constant 0 : i32
      %dma_wait3A_492 = tpu.memref_slice %arg2[%dma_wait3A_490, %dma_wait3A_491] : memref<10000x128xf32, #tpu.memory_space<hbm>> -> memref<128x128xf32, #tpu.memory_space<hbm>>
      %dma_wait3A_493 = arith.constant 0 : i32
      %dma_wait3A_494 = arith.constant 0 : i32
      %dma_wait3A_495 = tpu.memref_slice %arg2[%dma_wait3A_493, %dma_wait3A_494] : memref<10000x128xf32, #tpu.memory_space<hbm>> -> memref<128x128xf32, #tpu.memory_space<hbm>>
      tpu.wait_dma2 semaphore(%arg19 : memref<!tpu.dma_semaphore, #tpu.memory_space<semaphore_mem>>) src(%dma_wait3A_495 : memref<128x128xf32, #tpu.memory_space<hbm>>) dst(%arg14 : memref<128x128xf32, #tpu.memory_space<vmem>>)
      %get3A_496 = arith.index_cast %mul3A_489 : i32 to index
      %get3A_497 = arith.constant 0 : index
      %get3A_498 = tpu.vector_load %arg10[%get3A_496, %get3A_497] {strides = array<i32>} : memref<80x128xi32, #tpu.memory_space<vmem>>, vector<1x16xi32>,
      %get3A_499 = vector.shape_cast %get3A_498 : vector<1x16xi32> to vector<16xi32>
      %shift_right_logical3A_500 = arith.constant 16 : i32
      %shift_right_logical3A_501 = vector.broadcast %shift_right_logical3A_500 : i32 to vector<16xi32>
      %shift_right_logical3A_502 = arith.shrui %get3A_499, %shift_right_logical3A_501 : vector<16xi32>
      %swap3A_503 = arith.constant 0 : index
      %swap3A_504 = tpu.vector_load %arg13[%swap3A_503] {strides = array<i32>} : memref<128xi32, #tpu.memory_space<vmem>>, vector<16xi32>,
      %swap3A_505 = vector.shape_cast %swap3A_504 : vector<16xi32> to vector<16xi32>
      %swap3A_506 = vector.shape_cast %shift_right_logical3A_502 : vector<16xi32> to vector<16xi32>
      tpu.vector_store %arg13[%swap3A_503], %swap3A_506 {strides = array<i32>} : memref<128xi32, #tpu.memory_space<vmem>>, vector<16xi32>,
      %get3A_507 = arith.index_cast %mul3A_489 : i32 to index
      %get3A_508 = arith.constant 16 : index
      %get3A_509 = tpu.vector_load %arg10[%get3A_507, %get3A_508] {strides = array<i32>} : memref<80x128xi32, #tpu.memory_space<vmem>>, vector<1x16xi32>,
      %get3A_510 = vector.shape_cast %get3A_509 : vector<1x16xi32> to vector<16xi32>
      %shift_right_logical3A_511 = arith.constant 16 : i32
      %shift_right_logical3A_512 = vector.broadcast %shift_right_logical3A_511 : i32 to vector<16xi32>
      %shift_right_logical3A_513 = arith.shrui %get3A_510, %shift_right_logical3A_512 : vector<16xi32>
      %swap3A_514 = arith.constant 16 : index
      %swap3A_515 = tpu.vector_load %arg13[%swap3A_514] {strides = array<i32>} : memref<128xi32, #tpu.memory_space<vmem>>, vector<16xi32>,
      %swap3A_516 = vector.shape_cast %swap3A_515 : vector<16xi32> to vector<16xi32>
      %swap3A_517 = vector.shape_cast %shift_right_logical3A_513 : vector<16xi32> to vector<16xi32>
      tpu.vector_store %arg13[%swap3A_514], %swap3A_517 {strides = array<i32>} : memref<128xi32, #tpu.memory_space<vmem>>, vector<16xi32>,
      %get3A_518 = arith.index_cast %mul3A_489 : i32 to index
      %get3A_519 = arith.constant 32 : index
      %get3A_520 = tpu.vector_load %arg10[%get3A_518, %get3A_519] {strides = array<i32>} : memref<80x128xi32, #tpu.memory_space<vmem>>, vector<1x16xi32>,
      %get3A_521 = vector.shape_cast %get3A_520 : vector<1x16xi32> to vector<16xi32>
      %shift_right_logical3A_522 = arith.constant 16 : i32
      %shift_right_logical3A_523 = vector.broadcast %shift_right_logical3A_522 : i32 to vector<16xi32>
      %shift_right_logical3A_524 = arith.shrui %get3A_521, %shift_right_logical3A_523 : vector<16xi32>
      %swap3A_525 = arith.constant 32 : index
      %swap3A_526 = tpu.vector_load %arg13[%swap3A_525] {strides = array<i32>} : memref<128xi32, #tpu.memory_space<vmem>>, vector<16xi32>,
      %swap3A_527 = vector.shape_cast %swap3A_526 : vector<16xi32> to vector<16xi32>
      %swap3A_528 = vector.shape_cast %shift_right_logical3A_524 : vector<16xi32> to vector<16xi32>
      tpu.vector_store %arg13[%swap3A_525], %swap3A_528 {strides = array<i32>} : memref<128xi32, #tpu.memory_space<vmem>>, vector<16xi32>,
      %get3A_529 = arith.index_cast %mul3A_489 : i32 to index
      %get3A_530 = arith.constant 48 : index
      %get3A_531 = tpu.vector_load %arg10[%get3A_529, %get3A_530] {strides = array<i32>} : memref<80x128xi32, #tpu.memory_space<vmem>>, vector<1x16xi32>,
      %get3A_532 = vector.shape_cast %get3A_531 : vector<1x16xi32> to vector<16xi32>
      %shift_right_logical3A_533 = arith.constant 16 : i32
      %shift_right_logical3A_534 = vector.broadcast %shift_right_logical3A_533 : i32 to vector<16xi32>
      %shift_right_logical3A_535 = arith.shrui %get3A_532, %shift_right_logical3A_534 : vector<16xi32>
      %swap3A_536 = arith.constant 48 : index
      %swap3A_537 = tpu.vector_load %arg13[%swap3A_536] {strides = array<i32>} : memref<128xi32, #tpu.memory_space<vmem>>, vector<16xi32>,
      %swap3A_538 = vector.shape_cast %swap3A_537 : vector<16xi32> to vector<16xi32>
      %swap3A_539 = vector.shape_cast %shift_right_logical3A_535 : vector<16xi32> to vector<16xi32>
      tpu.vector_store %arg13[%swap3A_536], %swap3A_539 {strides = array<i32>} : memref<128xi32, #tpu.memory_space<vmem>>, vector<16xi32>,
      %get3A_540 = arith.index_cast %mul3A_489 : i32 to index
      %get3A_541 = arith.constant 64 : index
      %get3A_542 = tpu.vector_load %arg10[%get3A_540, %get3A_541] {strides = array<i32>} : memref<80x128xi32, #tpu.memory_space<vmem>>, vector<1x16xi32>,
      %get3A_543 = vector.shape_cast %get3A_542 : vector<1x16xi32> to vector<16xi32>
      %shift_right_logical3A_544 = arith.constant 16 : i32
      %shift_right_logical3A_545 = vector.broadcast %shift_right_logical3A_544 : i32 to vector<16xi32>
      %shift_right_logical3A_546 = arith.shrui %get3A_543, %shift_right_logical3A_545 : vector<16xi32>
      %swap3A_547 = arith.constant 64 : index
      %swap3A_548 = tpu.vector_load %arg13[%swap3A_547] {strides = array<i32>} : memref<128xi32, #tpu.memory_space<vmem>>, vector<16xi32>,
      %swap3A_549 = vector.shape_cast %swap3A_548 : vector<16xi32> to vector<16xi32>
      %swap3A_550 = vector.shape_cast %shift_right_logical3A_546 : vector<16xi32> to vector<16xi32>
      tpu.vector_store %arg13[%swap3A_547], %swap3A_550 {strides = array<i32>} : memref<128xi32, #tpu.memory_space<vmem>>, vector<16xi32>,
      %get3A_551 = arith.index_cast %mul3A_489 : i32 to index
      %get3A_552 = arith.constant 80 : index
      %get3A_553 = tpu.vector_load %arg10[%get3A_551, %get3A_552] {strides = array<i32>} : memref<80x128xi32, #tpu.memory_space<vmem>>, vector<1x16xi32>,
      %get3A_554 = vector.shape_cast %get3A_553 : vector<1x16xi32> to vector<16xi32>
      %shift_right_logical3A_555 = arith.constant 16 : i32
      %shift_right_logical3A_556 = vector.broadcast %shift_right_logical3A_555 : i32 to vector<16xi32>
      %shift_right_logical3A_557 = arith.shrui %get3A_554, %shift_right_logical3A_556 : vector<16xi32>
      %swap3A_558 = arith.constant 80 : index
      %swap3A_559 = tpu.vector_load %arg13[%swap3A_558] {strides = array<i32>} : memref<128xi32, #tpu.memory_space<vmem>>, vector<16xi32>,
      %swap3A_560 = vector.shape_cast %swap3A_559 : vector<16xi32> to vector<16xi32>
      %swap3A_561 = vector.shape_cast %shift_right_logical3A_557 : vector<16xi32> to vector<16xi32>
      tpu.vector_store %arg13[%swap3A_558], %swap3A_561 {strides = array<i32>} : memref<128xi32, #tpu.memory_space<vmem>>, vector<16xi32>,
      %get3A_562 = arith.index_cast %mul3A_489 : i32 to index
      %get3A_563 = arith.constant 96 : index
      %get3A_564 = tpu.vector_load %arg10[%get3A_562, %get3A_563] {strides = array<i32>} : memref<80x128xi32, #tpu.memory_space<vmem>>, vector<1x16xi32>,
      %get3A_565 = vector.shape_cast %get3A_564 : vector<1x16xi32> to vector<16xi32>
      %shift_right_logical3A_566 = arith.constant 16 : i32
      %shift_right_logical3A_567 = vector.broadcast %shift_right_logical3A_566 : i32 to vector<16xi32>
      %shift_right_logical3A_568 = arith.shrui %get3A_565, %shift_right_logical3A_567 : vector<16xi32>
      %swap3A_569 = arith.constant 96 : index
      %swap3A_570 = tpu.vector_load %arg13[%swap3A_569] {strides = array<i32>} : memref<128xi32, #tpu.memory_space<vmem>>, vector<16xi32>,
      %swap3A_571 = vector.shape_cast %swap3A_570 : vector<16xi32> to vector<16xi32>
      %swap3A_572 = vector.shape_cast %shift_right_logical3A_568 : vector<16xi32> to vector<16xi32>
      tpu.vector_store %arg13[%swap3A_569], %swap3A_572 {strides = array<i32>} : memref<128xi32, #tpu.memory_space<vmem>>, vector<16xi32>,
      %get3A_573 = arith.index_cast %mul3A_489 : i32 to index
      %get3A_574 = arith.constant 112 : index
      %get3A_575 = tpu.vector_load %arg10[%get3A_573, %get3A_574] {strides = array<i32>} : memref<80x128xi32, #tpu.memory_space<vmem>>, vector<1x16xi32>,
      %get3A_576 = vector.shape_cast %get3A_575 : vector<1x16xi32> to vector<16xi32>
      %shift_right_logical3A_577 = arith.constant 16 : i32
      %shift_right_logical3A_578 = vector.broadcast %shift_right_logical3A_577 : i32 to vector<16xi32>
      %shift_right_logical3A_579 = arith.shrui %get3A_576, %shift_right_logical3A_578 : vector<16xi32>
      %swap3A_580 = arith.constant 112 : index
      %swap3A_581 = tpu.vector_load %arg13[%swap3A_580] {strides = array<i32>} : memref<128xi32, #tpu.memory_space<vmem>>, vector<16xi32>,
      %swap3A_582 = vector.shape_cast %swap3A_581 : vector<16xi32> to vector<16xi32>
      %swap3A_583 = vector.shape_cast %shift_right_logical3A_579 : vector<16xi32> to vector<16xi32>
      tpu.vector_store %arg13[%swap3A_580], %swap3A_583 {strides = array<i32>} : memref<128xi32, #tpu.memory_space<vmem>>, vector<16xi32>,
      "tpu.region"() ({
        %run_scoped3A = tpu.sem_alloc : memref<!tpu.dma_semaphore, #tpu.memory_space<semaphore_mem>>
        %dma_start3A_868 = arith.constant 0 : i32
        %dma_start3A_869 = arith.constant 0 : i32
        %dma_start3A_870 = tpu.memref_slice %arg17[%dma_start3A_868, %dma_start3A_869] : memref<10256x128xf32, #tpu.memory_space<vmem_shared>> -> memref<10256x128xf32, #tpu.memory_space<vmem_shared>>
        tpu.enqueue_indirect_dma source(%arg14 : memref<128x128xf32, #tpu.memory_space<vmem>>) target(%dma_start3A_870 : memref<10256x128xf32, #tpu.memory_space<vmem_shared>>) offsets(%arg13 : memref<128xi32, #tpu.memory_space<vmem>>) semaphore(%run_scoped3A : memref<!tpu.dma_semaphore, #tpu.memory_space<semaphore_mem>>) {add = true}
        %dma_wait3A_871 = arith.constant 0 : i32
        %dma_wait3A_872 = arith.constant 0 : i32
        %dma_wait3A_873 = tpu.memref_slice %arg17[%dma_wait3A_871, %dma_wait3A_872] : memref<10256x128xf32, #tpu.memory_space<vmem_shared>> -> memref<10256x128xf32, #tpu.memory_space<vmem_shared>>
        tpu.wait_indirect_dma semaphore(%run_scoped3A : memref<!tpu.dma_semaphore, #tpu.memory_space<semaphore_mem>>) src(%arg14 : memref<128x128xf32, #tpu.memory_space<vmem>>) dst(%dma_wait3A_873 : memref<10256x128xf32, #tpu.memory_space<vmem_shared>>)
        tpu.yield
      }) : () -> ()
      "tpu.region"() ({
        %run_scoped3A = tpu.sem_alloc : memref<!tpu.dma_semaphore, #tpu.memory_space<semaphore_mem>>
        %dma_start3A_868 = arith.constant 0 : i32
        %dma_start3A_869 = tpu.memref_slice %arg18[%dma_start3A_868] : memref<10256xf32, #tpu.memory_space<vmem_shared>> -> memref<10256xf32, #tpu.memory_space<vmem_shared>>
        tpu.enqueue_indirect_dma source(%arg16 : memref<128xf32, #tpu.memory_space<vmem>>) target(%dma_start3A_869 : memref<10256xf32, #tpu.memory_space<vmem_shared>>) offsets(%arg13 : memref<128xi32, #tpu.memory_space<vmem>>) semaphore(%run_scoped3A : memref<!tpu.dma_semaphore, #tpu.memory_space<semaphore_mem>>) {add = true}
        %dma_wait3A_870 = arith.constant 0 : i32
        %dma_wait3A_871 = tpu.memref_slice %arg18[%dma_wait3A_870] : memref<10256xf32, #tpu.memory_space<vmem_shared>> -> memref<10256xf32, #tpu.memory_space<vmem_shared>>
        tpu.wait_indirect_dma semaphore(%run_scoped3A : memref<!tpu.dma_semaphore, #tpu.memory_space<semaphore_mem>>) src(%arg16 : memref<128xf32, #tpu.memory_space<vmem>>) dst(%dma_wait3A_871 : memref<10256xf32, #tpu.memory_space<vmem_shared>>)
        tpu.yield
      }) : () -> ()
      %add3A_584 = arith.constant 2 : i32
      %add3A_585 = arith.addi %mul3A_489, %add3A_584 : i32
      %get3A_586 = arith.index_cast %add3A_585 : i32 to index
      %get3A_587 = arith.constant 0 : index
      %get3A_588 = tpu.vector_load %arg10[%get3A_586, %get3A_587] {strides = array<i32>} : memref<80x128xi32, #tpu.memory_space<vmem>>, vector<1x16xi32>,
      %get3A_589 = vector.shape_cast %get3A_588 : vector<1x16xi32> to vector<16xi32>
      %and3A_590 = arith.constant 65535 : i32
      %and3A_591 = vector.broadcast %and3A_590 : i32 to vector<16xi32>
      %and3A_592 = arith.andi %get3A_589, %and3A_591 : vector<16xi32>
      %swap3A_593 = arith.constant 0 : index
      %swap3A_594 = tpu.vector_load %arg11[%swap3A_593] {strides = array<i32>} : memref<128xi32, #tpu.memory_space<vmem>>, vector<16xi32>,
      %swap3A_595 = vector.shape_cast %swap3A_594 : vector<16xi32> to vector<16xi32>
      %swap3A_596 = vector.shape_cast %and3A_592 : vector<16xi32> to vector<16xi32>
      tpu.vector_store %arg11[%swap3A_593], %swap3A_596 {strides = array<i32>} : memref<128xi32, #tpu.memory_space<vmem>>, vector<16xi32>,
      %get3A_597 = arith.index_cast %add3A_585 : i32 to index
      %get3A_598 = arith.constant 16 : index
      %get3A_599 = tpu.vector_load %arg10[%get3A_597, %get3A_598] {strides = array<i32>} : memref<80x128xi32, #tpu.memory_space<vmem>>, vector<1x16xi32>,
      %get3A_600 = vector.shape_cast %get3A_599 : vector<1x16xi32> to vector<16xi32>
      %and3A_601 = arith.constant 65535 : i32
      %and3A_602 = vector.broadcast %and3A_601 : i32 to vector<16xi32>
      %and3A_603 = arith.andi %get3A_600, %and3A_602 : vector<16xi32>
      %swap3A_604 = arith.constant 16 : index
      %swap3A_605 = tpu.vector_load %arg11[%swap3A_604] {strides = array<i32>} : memref<128xi32, #tpu.memory_space<vmem>>, vector<16xi32>,
      %swap3A_606 = vector.shape_cast %swap3A_605 : vector<16xi32> to vector<16xi32>
      %swap3A_607 = vector.shape_cast %and3A_603 : vector<16xi32> to vector<16xi32>
      tpu.vector_store %arg11[%swap3A_604], %swap3A_607 {strides = array<i32>} : memref<128xi32, #tpu.memory_space<vmem>>, vector<16xi32>,
      %get3A_608 = arith.index_cast %add3A_585 : i32 to index
      %get3A_609 = arith.constant 32 : index
      %get3A_610 = tpu.vector_load %arg10[%get3A_608, %get3A_609] {strides = array<i32>} : memref<80x128xi32, #tpu.memory_space<vmem>>, vector<1x16xi32>,
      %get3A_611 = vector.shape_cast %get3A_610 : vector<1x16xi32> to vector<16xi32>
      %and3A_612 = arith.constant 65535 : i32
      %and3A_613 = vector.broadcast %and3A_612 : i32 to vector<16xi32>
      %and3A_614 = arith.andi %get3A_611, %and3A_613 : vector<16xi32>
      %swap3A_615 = arith.constant 32 : index
      %swap3A_616 = tpu.vector_load %arg11[%swap3A_615] {strides = array<i32>} : memref<128xi32, #tpu.memory_space<vmem>>, vector<16xi32>,
      %swap3A_617 = vector.shape_cast %swap3A_616 : vector<16xi32> to vector<16xi32>
      %swap3A_618 = vector.shape_cast %and3A_614 : vector<16xi32> to vector<16xi32>
      tpu.vector_store %arg11[%swap3A_615], %swap3A_618 {strides = array<i32>} : memref<128xi32, #tpu.memory_space<vmem>>, vector<16xi32>,
      %get3A_619 = arith.index_cast %add3A_585 : i32 to index
      %get3A_620 = arith.constant 48 : index
      %get3A_621 = tpu.vector_load %arg10[%get3A_619, %get3A_620] {strides = array<i32>} : memref<80x128xi32, #tpu.memory_space<vmem>>, vector<1x16xi32>,
      %get3A_622 = vector.shape_cast %get3A_621 : vector<1x16xi32> to vector<16xi32>
      %and3A_623 = arith.constant 65535 : i32
      %and3A_624 = vector.broadcast %and3A_623 : i32 to vector<16xi32>
      %and3A_625 = arith.andi %get3A_622, %and3A_624 : vector<16xi32>
      %swap3A_626 = arith.constant 48 : index
      %swap3A_627 = tpu.vector_load %arg11[%swap3A_626] {strides = array<i32>} : memref<128xi32, #tpu.memory_space<vmem>>, vector<16xi32>,
      %swap3A_628 = vector.shape_cast %swap3A_627 : vector<16xi32> to vector<16xi32>
      %swap3A_629 = vector.shape_cast %and3A_625 : vector<16xi32> to vector<16xi32>
      tpu.vector_store %arg11[%swap3A_626], %swap3A_629 {strides = array<i32>} : memref<128xi32, #tpu.memory_space<vmem>>, vector<16xi32>,
      %get3A_630 = arith.index_cast %add3A_585 : i32 to index
      %get3A_631 = arith.constant 64 : index
      %get3A_632 = tpu.vector_load %arg10[%get3A_630, %get3A_631] {strides = array<i32>} : memref<80x128xi32, #tpu.memory_space<vmem>>, vector<1x16xi32>,
      %get3A_633 = vector.shape_cast %get3A_632 : vector<1x16xi32> to vector<16xi32>
      %and3A_634 = arith.constant 65535 : i32
      %and3A_635 = vector.broadcast %and3A_634 : i32 to vector<16xi32>
      %and3A_636 = arith.andi %get3A_633, %and3A_635 : vector<16xi32>
      %swap3A_637 = arith.constant 64 : index
      %swap3A_638 = tpu.vector_load %arg11[%swap3A_637] {strides = array<i32>} : memref<128xi32, #tpu.memory_space<vmem>>, vector<16xi32>,
      %swap3A_639 = vector.shape_cast %swap3A_638 : vector<16xi32> to vector<16xi32>
      %swap3A_640 = vector.shape_cast %and3A_636 : vector<16xi32> to vector<16xi32>
      tpu.vector_store %arg11[%swap3A_637], %swap3A_640 {strides = array<i32>} : memref<128xi32, #tpu.memory_space<vmem>>, vector<16xi32>,
      %get3A_641 = arith.index_cast %add3A_585 : i32 to index
      %get3A_642 = arith.constant 80 : index
      %get3A_643 = tpu.vector_load %arg10[%get3A_641, %get3A_642] {strides = array<i32>} : memref<80x128xi32, #tpu.memory_space<vmem>>, vector<1x16xi32>,
      %get3A_644 = vector.shape_cast %get3A_643 : vector<1x16xi32> to vector<16xi32>
      %and3A_645 = arith.constant 65535 : i32
      %and3A_646 = vector.broadcast %and3A_645 : i32 to vector<16xi32>
      %and3A_647 = arith.andi %get3A_644, %and3A_646 : vector<16xi32>
      %swap3A_648 = arith.constant 80 : index
      %swap3A_649 = tpu.vector_load %arg11[%swap3A_648] {strides = array<i32>} : memref<128xi32, #tpu.memory_space<vmem>>, vector<16xi32>,
      %swap3A_650 = vector.shape_cast %swap3A_649 : vector<16xi32> to vector<16xi32>
      %swap3A_651 = vector.shape_cast %and3A_647 : vector<16xi32> to vector<16xi32>
      tpu.vector_store %arg11[%swap3A_648], %swap3A_651 {strides = array<i32>} : memref<128xi32, #tpu.memory_space<vmem>>, vector<16xi32>,
      %get3A_652 = arith.index_cast %add3A_585 : i32 to index
      %get3A_653 = arith.constant 96 : index
      %get3A_654 = tpu.vector_load %arg10[%get3A_652, %get3A_653] {strides = array<i32>} : memref<80x128xi32, #tpu.memory_space<vmem>>, vector<1x16xi32>,
      %get3A_655 = vector.shape_cast %get3A_654 : vector<1x16xi32> to vector<16xi32>
      %and3A_656 = arith.constant 65535 : i32
      %and3A_657 = vector.broadcast %and3A_656 : i32 to vector<16xi32>
      %and3A_658 = arith.andi %get3A_655, %and3A_657 : vector<16xi32>
      %swap3A_659 = arith.constant 96 : index
      %swap3A_660 = tpu.vector_load %arg11[%swap3A_659] {strides = array<i32>} : memref<128xi32, #tpu.memory_space<vmem>>, vector<16xi32>,
      %swap3A_661 = vector.shape_cast %swap3A_660 : vector<16xi32> to vector<16xi32>
      %swap3A_662 = vector.shape_cast %and3A_658 : vector<16xi32> to vector<16xi32>
      tpu.vector_store %arg11[%swap3A_659], %swap3A_662 {strides = array<i32>} : memref<128xi32, #tpu.memory_space<vmem>>, vector<16xi32>,
      %get3A_663 = arith.index_cast %add3A_585 : i32 to index
      %get3A_664 = arith.constant 112 : index
      %get3A_665 = tpu.vector_load %arg10[%get3A_663, %get3A_664] {strides = array<i32>} : memref<80x128xi32, #tpu.memory_space<vmem>>, vector<1x16xi32>,
      %get3A_666 = vector.shape_cast %get3A_665 : vector<1x16xi32> to vector<16xi32>
      %and3A_667 = arith.constant 65535 : i32
      %and3A_668 = vector.broadcast %and3A_667 : i32 to vector<16xi32>
      %and3A_669 = arith.andi %get3A_666, %and3A_668 : vector<16xi32>
      %swap3A_670 = arith.constant 112 : index
      %swap3A_671 = tpu.vector_load %arg11[%swap3A_670] {strides = array<i32>} : memref<128xi32, #tpu.memory_space<vmem>>, vector<16xi32>,
      %swap3A_672 = vector.shape_cast %swap3A_671 : vector<16xi32> to vector<16xi32>
      %swap3A_673 = vector.shape_cast %and3A_669 : vector<16xi32> to vector<16xi32>
      tpu.vector_store %arg11[%swap3A_670], %swap3A_673 {strides = array<i32>} : memref<128xi32, #tpu.memory_space<vmem>>, vector<16xi32>,
      %dma_start3A_674 = arith.constant 0 : i32
      %dma_start3A_675 = arith.constant 0 : i32
      %dma_start3A_676 = tpu.memref_slice %arg2[%dma_start3A_674, %dma_start3A_675] : memref<10000x128xf32, #tpu.memory_space<hbm>> -> memref<10000x128xf32, #tpu.memory_space<hbm>>
      tpu.enqueue_indirect_dma source(%dma_start3A_676 : memref<10000x128xf32, #tpu.memory_space<hbm>>) target(%arg14 : memref<128x128xf32, #tpu.memory_space<vmem>>) offsets(%arg11 : memref<128xi32, #tpu.memory_space<vmem>>) semaphore(%arg19 : memref<!tpu.dma_semaphore, #tpu.memory_space<semaphore_mem>>)
      %mul3A_677 = arith.constant 2 : i32
      %mul3A_678 = arith.muli %mul3A_677, %scan3A_487 : i32
      %add3A_679 = arith.constant 1 : i32
      %add3A_680 = arith.addi %mul3A_678, %add3A_679 : i32
      %dma_wait3A_681 = arith.constant 0 : i32
      %dma_wait3A_682 = arith.constant 0 : i32
      %dma_wait3A_683 = tpu.memref_slice %arg2[%dma_wait3A_681, %dma_wait3A_682] : memref<10000x128xf32, #tpu.memory_space<hbm>> -> memref<128x128xf32, #tpu.memory_space<hbm>>
      %dma_wait3A_684 = arith.constant 0 : i32
      %dma_wait3A_685 = arith.constant 0 : i32
      %dma_wait3A_686 = tpu.memref_slice %arg2[%dma_wait3A_684, %dma_wait3A_685] : memref<10000x128xf32, #tpu.memory_space<hbm>> -> memref<128x128xf32, #tpu.memory_space<hbm>>
      tpu.wait_dma2 semaphore(%arg20 : memref<!tpu.dma_semaphore, #tpu.memory_space<semaphore_mem>>) src(%dma_wait3A_686 : memref<128x128xf32, #tpu.memory_space<hbm>>) dst(%arg15 : memref<128x128xf32, #tpu.memory_space<vmem>>)
      %get3A_687 = arith.index_cast %add3A_680 : i32 to index
      %get3A_688 = arith.constant 0 : index
      %get3A_689 = tpu.vector_load %arg10[%get3A_687, %get3A_688] {strides = array<i32>} : memref<80x128xi32, #tpu.memory_space<vmem>>, vector<1x16xi32>,
      %get3A_690 = vector.shape_cast %get3A_689 : vector<1x16xi32> to vector<16xi32>
      %shift_right_logical3A_691 = arith.constant 16 : i32
      %shift_right_logical3A_692 = vector.broadcast %shift_right_logical3A_691 : i32 to vector<16xi32>
      %shift_right_logical3A_693 = arith.shrui %get3A_690, %shift_right_logical3A_692 : vector<16xi32>
      %swap3A_694 = arith.constant 0 : index
      %swap3A_695 = tpu.vector_load %arg13[%swap3A_694] {strides = array<i32>} : memref<128xi32, #tpu.memory_space<vmem>>, vector<16xi32>,
      %swap3A_696 = vector.shape_cast %swap3A_695 : vector<16xi32> to vector<16xi32>
      %swap3A_697 = vector.shape_cast %shift_right_logical3A_693 : vector<16xi32> to vector<16xi32>
      tpu.vector_store %arg13[%swap3A_694], %swap3A_697 {strides = array<i32>} : memref<128xi32, #tpu.memory_space<vmem>>, vector<16xi32>,
      %get3A_698 = arith.index_cast %add3A_680 : i32 to index
      %get3A_699 = arith.constant 16 : index
      %get3A_700 = tpu.vector_load %arg10[%get3A_698, %get3A_699] {strides = array<i32>} : memref<80x128xi32, #tpu.memory_space<vmem>>, vector<1x16xi32>,
      %get3A_701 = vector.shape_cast %get3A_700 : vector<1x16xi32> to vector<16xi32>
      %shift_right_logical3A_702 = arith.constant 16 : i32
      %shift_right_logical3A_703 = vector.broadcast %shift_right_logical3A_702 : i32 to vector<16xi32>
      %shift_right_logical3A_704 = arith.shrui %get3A_701, %shift_right_logical3A_703 : vector<16xi32>
      %swap3A_705 = arith.constant 16 : index
      %swap3A_706 = tpu.vector_load %arg13[%swap3A_705] {strides = array<i32>} : memref<128xi32, #tpu.memory_space<vmem>>, vector<16xi32>,
      %swap3A_707 = vector.shape_cast %swap3A_706 : vector<16xi32> to vector<16xi32>
      %swap3A_708 = vector.shape_cast %shift_right_logical3A_704 : vector<16xi32> to vector<16xi32>
      tpu.vector_store %arg13[%swap3A_705], %swap3A_708 {strides = array<i32>} : memref<128xi32, #tpu.memory_space<vmem>>, vector<16xi32>,
      %get3A_709 = arith.index_cast %add3A_680 : i32 to index
      %get3A_710 = arith.constant 32 : index
      %get3A_711 = tpu.vector_load %arg10[%get3A_709, %get3A_710] {strides = array<i32>} : memref<80x128xi32, #tpu.memory_space<vmem>>, vector<1x16xi32>,
      %get3A_712 = vector.shape_cast %get3A_711 : vector<1x16xi32> to vector<16xi32>
      %shift_right_logical3A_713 = arith.constant 16 : i32
      %shift_right_logical3A_714 = vector.broadcast %shift_right_logical3A_713 : i32 to vector<16xi32>
      %shift_right_logical3A_715 = arith.shrui %get3A_712, %shift_right_logical3A_714 : vector<16xi32>
      %swap3A_716 = arith.constant 32 : index
      %swap3A_717 = tpu.vector_load %arg13[%swap3A_716] {strides = array<i32>} : memref<128xi32, #tpu.memory_space<vmem>>, vector<16xi32>,
      %swap3A_718 = vector.shape_cast %swap3A_717 : vector<16xi32> to vector<16xi32>
      %swap3A_719 = vector.shape_cast %shift_right_logical3A_715 : vector<16xi32> to vector<16xi32>
      tpu.vector_store %arg13[%swap3A_716], %swap3A_719 {strides = array<i32>} : memref<128xi32, #tpu.memory_space<vmem>>, vector<16xi32>,
      %get3A_720 = arith.index_cast %add3A_680 : i32 to index
      %get3A_721 = arith.constant 48 : index
      %get3A_722 = tpu.vector_load %arg10[%get3A_720, %get3A_721] {strides = array<i32>} : memref<80x128xi32, #tpu.memory_space<vmem>>, vector<1x16xi32>,
      %get3A_723 = vector.shape_cast %get3A_722 : vector<1x16xi32> to vector<16xi32>
      %shift_right_logical3A_724 = arith.constant 16 : i32
      %shift_right_logical3A_725 = vector.broadcast %shift_right_logical3A_724 : i32 to vector<16xi32>
      %shift_right_logical3A_726 = arith.shrui %get3A_723, %shift_right_logical3A_725 : vector<16xi32>
      %swap3A_727 = arith.constant 48 : index
      %swap3A_728 = tpu.vector_load %arg13[%swap3A_727] {strides = array<i32>} : memref<128xi32, #tpu.memory_space<vmem>>, vector<16xi32>,
      %swap3A_729 = vector.shape_cast %swap3A_728 : vector<16xi32> to vector<16xi32>
      %swap3A_730 = vector.shape_cast %shift_right_logical3A_726 : vector<16xi32> to vector<16xi32>
      tpu.vector_store %arg13[%swap3A_727], %swap3A_730 {strides = array<i32>} : memref<128xi32, #tpu.memory_space<vmem>>, vector<16xi32>,
      %get3A_731 = arith.index_cast %add3A_680 : i32 to index
      %get3A_732 = arith.constant 64 : index
      %get3A_733 = tpu.vector_load %arg10[%get3A_731, %get3A_732] {strides = array<i32>} : memref<80x128xi32, #tpu.memory_space<vmem>>, vector<1x16xi32>,
      %get3A_734 = vector.shape_cast %get3A_733 : vector<1x16xi32> to vector<16xi32>
      %shift_right_logical3A_735 = arith.constant 16 : i32
      %shift_right_logical3A_736 = vector.broadcast %shift_right_logical3A_735 : i32 to vector<16xi32>
      %shift_right_logical3A_737 = arith.shrui %get3A_734, %shift_right_logical3A_736 : vector<16xi32>
      %swap3A_738 = arith.constant 64 : index
      %swap3A_739 = tpu.vector_load %arg13[%swap3A_738] {strides = array<i32>} : memref<128xi32, #tpu.memory_space<vmem>>, vector<16xi32>,
      %swap3A_740 = vector.shape_cast %swap3A_739 : vector<16xi32> to vector<16xi32>
      %swap3A_741 = vector.shape_cast %shift_right_logical3A_737 : vector<16xi32> to vector<16xi32>
      tpu.vector_store %arg13[%swap3A_738], %swap3A_741 {strides = array<i32>} : memref<128xi32, #tpu.memory_space<vmem>>, vector<16xi32>,
      %get3A_742 = arith.index_cast %add3A_680 : i32 to index
      %get3A_743 = arith.constant 80 : index
      %get3A_744 = tpu.vector_load %arg10[%get3A_742, %get3A_743] {strides = array<i32>} : memref<80x128xi32, #tpu.memory_space<vmem>>, vector<1x16xi32>,
      %get3A_745 = vector.shape_cast %get3A_744 : vector<1x16xi32> to vector<16xi32>
      %shift_right_logical3A_746 = arith.constant 16 : i32
      %shift_right_logical3A_747 = vector.broadcast %shift_right_logical3A_746 : i32 to vector<16xi32>
      %shift_right_logical3A_748 = arith.shrui %get3A_745, %shift_right_logical3A_747 : vector<16xi32>
      %swap3A_749 = arith.constant 80 : index
      %swap3A_750 = tpu.vector_load %arg13[%swap3A_749] {strides = array<i32>} : memref<128xi32, #tpu.memory_space<vmem>>, vector<16xi32>,
      %swap3A_751 = vector.shape_cast %swap3A_750 : vector<16xi32> to vector<16xi32>
      %swap3A_752 = vector.shape_cast %shift_right_logical3A_748 : vector<16xi32> to vector<16xi32>
      tpu.vector_store %arg13[%swap3A_749], %swap3A_752 {strides = array<i32>} : memref<128xi32, #tpu.memory_space<vmem>>, vector<16xi32>,
      %get3A_753 = arith.index_cast %add3A_680 : i32 to index
      %get3A_754 = arith.constant 96 : index
      %get3A_755 = tpu.vector_load %arg10[%get3A_753, %get3A_754] {strides = array<i32>} : memref<80x128xi32, #tpu.memory_space<vmem>>, vector<1x16xi32>,
      %get3A_756 = vector.shape_cast %get3A_755 : vector<1x16xi32> to vector<16xi32>
      %shift_right_logical3A_757 = arith.constant 16 : i32
      %shift_right_logical3A_758 = vector.broadcast %shift_right_logical3A_757 : i32 to vector<16xi32>
      %shift_right_logical3A_759 = arith.shrui %get3A_756, %shift_right_logical3A_758 : vector<16xi32>
      %swap3A_760 = arith.constant 96 : index
      %swap3A_761 = tpu.vector_load %arg13[%swap3A_760] {strides = array<i32>} : memref<128xi32, #tpu.memory_space<vmem>>, vector<16xi32>,
      %swap3A_762 = vector.shape_cast %swap3A_761 : vector<16xi32> to vector<16xi32>
      %swap3A_763 = vector.shape_cast %shift_right_logical3A_759 : vector<16xi32> to vector<16xi32>
      tpu.vector_store %arg13[%swap3A_760], %swap3A_763 {strides = array<i32>} : memref<128xi32, #tpu.memory_space<vmem>>, vector<16xi32>,
      %get3A_764 = arith.index_cast %add3A_680 : i32 to index
      %get3A_765 = arith.constant 112 : index
      %get3A_766 = tpu.vector_load %arg10[%get3A_764, %get3A_765] {strides = array<i32>} : memref<80x128xi32, #tpu.memory_space<vmem>>, vector<1x16xi32>,
      %get3A_767 = vector.shape_cast %get3A_766 : vector<1x16xi32> to vector<16xi32>
      %shift_right_logical3A_768 = arith.constant 16 : i32
      %shift_right_logical3A_769 = vector.broadcast %shift_right_logical3A_768 : i32 to vector<16xi32>
      %shift_right_logical3A_770 = arith.shrui %get3A_767, %shift_right_logical3A_769 : vector<16xi32>
      %swap3A_771 = arith.constant 112 : index
      %swap3A_772 = tpu.vector_load %arg13[%swap3A_771] {strides = array<i32>} : memref<128xi32, #tpu.memory_space<vmem>>, vector<16xi32>,
      %swap3A_773 = vector.shape_cast %swap3A_772 : vector<16xi32> to vector<16xi32>
      %swap3A_774 = vector.shape_cast %shift_right_logical3A_770 : vector<16xi32> to vector<16xi32>
      tpu.vector_store %arg13[%swap3A_771], %swap3A_774 {strides = array<i32>} : memref<128xi32, #tpu.memory_space<vmem>>, vector<16xi32>,
      "tpu.region"() ({
        %run_scoped3A = tpu.sem_alloc : memref<!tpu.dma_semaphore, #tpu.memory_space<semaphore_mem>>
        %dma_start3A_868 = arith.constant 0 : i32
        %dma_start3A_869 = arith.constant 0 : i32
        %dma_start3A_870 = tpu.memref_slice %arg17[%dma_start3A_868, %dma_start3A_869] : memref<10256x128xf32, #tpu.memory_space<vmem_shared>> -> memref<10256x128xf32, #tpu.memory_space<vmem_shared>>
        tpu.enqueue_indirect_dma source(%arg15 : memref<128x128xf32, #tpu.memory_space<vmem>>) target(%dma_start3A_870 : memref<10256x128xf32, #tpu.memory_space<vmem_shared>>) offsets(%arg13 : memref<128xi32, #tpu.memory_space<vmem>>) semaphore(%run_scoped3A : memref<!tpu.dma_semaphore, #tpu.memory_space<semaphore_mem>>) {add = true}
        %dma_wait3A_871 = arith.constant 0 : i32
        %dma_wait3A_872 = arith.constant 0 : i32
        %dma_wait3A_873 = tpu.memref_slice %arg17[%dma_wait3A_871, %dma_wait3A_872] : memref<10256x128xf32, #tpu.memory_space<vmem_shared>> -> memref<10256x128xf32, #tpu.memory_space<vmem_shared>>
        tpu.wait_indirect_dma semaphore(%run_scoped3A : memref<!tpu.dma_semaphore, #tpu.memory_space<semaphore_mem>>) src(%arg15 : memref<128x128xf32, #tpu.memory_space<vmem>>) dst(%dma_wait3A_873 : memref<10256x128xf32, #tpu.memory_space<vmem_shared>>)
        tpu.yield
      }) : () -> ()
      "tpu.region"() ({
        %run_scoped3A = tpu.sem_alloc : memref<!tpu.dma_semaphore, #tpu.memory_space<semaphore_mem>>
        %dma_start3A_868 = arith.constant 0 : i32
        %dma_start3A_869 = tpu.memref_slice %arg18[%dma_start3A_868] : memref<10256xf32, #tpu.memory_space<vmem_shared>> -> memref<10256xf32, #tpu.memory_space<vmem_shared>>
        tpu.enqueue_indirect_dma source(%arg16 : memref<128xf32, #tpu.memory_space<vmem>>) target(%dma_start3A_869 : memref<10256xf32, #tpu.memory_space<vmem_shared>>) offsets(%arg13 : memref<128xi32, #tpu.memory_space<vmem>>) semaphore(%run_scoped3A : memref<!tpu.dma_semaphore, #tpu.memory_space<semaphore_mem>>) {add = true}
        %dma_wait3A_870 = arith.constant 0 : i32
        %dma_wait3A_871 = tpu.memref_slice %arg18[%dma_wait3A_870] : memref<10256xf32, #tpu.memory_space<vmem_shared>> -> memref<10256xf32, #tpu.memory_space<vmem_shared>>
        tpu.wait_indirect_dma semaphore(%run_scoped3A : memref<!tpu.dma_semaphore, #tpu.memory_space<semaphore_mem>>) src(%arg16 : memref<128xf32, #tpu.memory_space<vmem>>) dst(%dma_wait3A_871 : memref<10256xf32, #tpu.memory_space<vmem_shared>>)
        tpu.yield
      }) : () -> ()
      %add3A_775 = arith.constant 2 : i32
      %add3A_776 = arith.addi %add3A_680, %add3A_775 : i32
      %get3A_777 = arith.index_cast %add3A_776 : i32 to index
      %get3A_778 = arith.constant 0 : index
      %get3A_779 = tpu.vector_load %arg10[%get3A_777, %get3A_778] {strides = array<i32>} : memref<80x128xi32, #tpu.memory_space<vmem>>, vector<1x16xi32>,
      %get3A_780 = vector.shape_cast %get3A_779 : vector<1x16xi32> to vector<16xi32>
      %and3A_781 = arith.constant 65535 : i32
      %and3A_782 = vector.broadcast %and3A_781 : i32 to vector<16xi32>
      %and3A_783 = arith.andi %get3A_780, %and3A_782 : vector<16xi32>
      %swap3A_784 = arith.constant 0 : index
      %swap3A_785 = tpu.vector_load %arg12[%swap3A_784] {strides = array<i32>} : memref<128xi32, #tpu.memory_space<vmem>>, vector<16xi32>,
      %swap3A_786 = vector.shape_cast %swap3A_785 : vector<16xi32> to vector<16xi32>
      %swap3A_787 = vector.shape_cast %and3A_783 : vector<16xi32> to vector<16xi32>
      tpu.vector_store %arg12[%swap3A_784], %swap3A_787 {strides = array<i32>} : memref<128xi32, #tpu.memory_space<vmem>>, vector<16xi32>,
      %get3A_788 = arith.index_cast %add3A_776 : i32 to index
      %get3A_789 = arith.constant 16 : index
      %get3A_790 = tpu.vector_load %arg10[%get3A_788, %get3A_789] {strides = array<i32>} : memref<80x128xi32, #tpu.memory_space<vmem>>, vector<1x16xi32>,
      %get3A_791 = vector.shape_cast %get3A_790 : vector<1x16xi32> to vector<16xi32>
      %and3A_792 = arith.constant 65535 : i32
      %and3A_793 = vector.broadcast %and3A_792 : i32 to vector<16xi32>
      %and3A_794 = arith.andi %get3A_791, %and3A_793 : vector<16xi32>
      %swap3A_795 = arith.constant 16 : index
      %swap3A_796 = tpu.vector_load %arg12[%swap3A_795] {strides = array<i32>} : memref<128xi32, #tpu.memory_space<vmem>>, vector<16xi32>,
      %swap3A_797 = vector.shape_cast %swap3A_796 : vector<16xi32> to vector<16xi32>
      %swap3A_798 = vector.shape_cast %and3A_794 : vector<16xi32> to vector<16xi32>
      tpu.vector_store %arg12[%swap3A_795], %swap3A_798 {strides = array<i32>} : memref<128xi32, #tpu.memory_space<vmem>>, vector<16xi32>,
      %get3A_799 = arith.index_cast %add3A_776 : i32 to index
      %get3A_800 = arith.constant 32 : index
      %get3A_801 = tpu.vector_load %arg10[%get3A_799, %get3A_800] {strides = array<i32>} : memref<80x128xi32, #tpu.memory_space<vmem>>, vector<1x16xi32>,
      %get3A_802 = vector.shape_cast %get3A_801 : vector<1x16xi32> to vector<16xi32>
      %and3A_803 = arith.constant 65535 : i32
      %and3A_804 = vector.broadcast %and3A_803 : i32 to vector<16xi32>
      %and3A_805 = arith.andi %get3A_802, %and3A_804 : vector<16xi32>
      %swap3A_806 = arith.constant 32 : index
      %swap3A_807 = tpu.vector_load %arg12[%swap3A_806] {strides = array<i32>} : memref<128xi32, #tpu.memory_space<vmem>>, vector<16xi32>,
      %swap3A_808 = vector.shape_cast %swap3A_807 : vector<16xi32> to vector<16xi32>
      %swap3A_809 = vector.shape_cast %and3A_805 : vector<16xi32> to vector<16xi32>
      tpu.vector_store %arg12[%swap3A_806], %swap3A_809 {strides = array<i32>} : memref<128xi32, #tpu.memory_space<vmem>>, vector<16xi32>,
      %get3A_810 = arith.index_cast %add3A_776 : i32 to index
      %get3A_811 = arith.constant 48 : index
      %get3A_812 = tpu.vector_load %arg10[%get3A_810, %get3A_811] {strides = array<i32>} : memref<80x128xi32, #tpu.memory_space<vmem>>, vector<1x16xi32>,
      %get3A_813 = vector.shape_cast %get3A_812 : vector<1x16xi32> to vector<16xi32>
      %and3A_814 = arith.constant 65535 : i32
      %and3A_815 = vector.broadcast %and3A_814 : i32 to vector<16xi32>
      %and3A_816 = arith.andi %get3A_813, %and3A_815 : vector<16xi32>
      %swap3A_817 = arith.constant 48 : index
      %swap3A_818 = tpu.vector_load %arg12[%swap3A_817] {strides = array<i32>} : memref<128xi32, #tpu.memory_space<vmem>>, vector<16xi32>,
      %swap3A_819 = vector.shape_cast %swap3A_818 : vector<16xi32> to vector<16xi32>
      %swap3A_820 = vector.shape_cast %and3A_816 : vector<16xi32> to vector<16xi32>
      tpu.vector_store %arg12[%swap3A_817], %swap3A_820 {strides = array<i32>} : memref<128xi32, #tpu.memory_space<vmem>>, vector<16xi32>,
      %get3A_821 = arith.index_cast %add3A_776 : i32 to index
      %get3A_822 = arith.constant 64 : index
      %get3A_823 = tpu.vector_load %arg10[%get3A_821, %get3A_822] {strides = array<i32>} : memref<80x128xi32, #tpu.memory_space<vmem>>, vector<1x16xi32>,
      %get3A_824 = vector.shape_cast %get3A_823 : vector<1x16xi32> to vector<16xi32>
      %and3A_825 = arith.constant 65535 : i32
      %and3A_826 = vector.broadcast %and3A_825 : i32 to vector<16xi32>
      %and3A_827 = arith.andi %get3A_824, %and3A_826 : vector<16xi32>
      %swap3A_828 = arith.constant 64 : index
      %swap3A_829 = tpu.vector_load %arg12[%swap3A_828] {strides = array<i32>} : memref<128xi32, #tpu.memory_space<vmem>>, vector<16xi32>,
      %swap3A_830 = vector.shape_cast %swap3A_829 : vector<16xi32> to vector<16xi32>
      %swap3A_831 = vector.shape_cast %and3A_827 : vector<16xi32> to vector<16xi32>
      tpu.vector_store %arg12[%swap3A_828], %swap3A_831 {strides = array<i32>} : memref<128xi32, #tpu.memory_space<vmem>>, vector<16xi32>,
      %get3A_832 = arith.index_cast %add3A_776 : i32 to index
      %get3A_833 = arith.constant 80 : index
      %get3A_834 = tpu.vector_load %arg10[%get3A_832, %get3A_833] {strides = array<i32>} : memref<80x128xi32, #tpu.memory_space<vmem>>, vector<1x16xi32>,
      %get3A_835 = vector.shape_cast %get3A_834 : vector<1x16xi32> to vector<16xi32>
      %and3A_836 = arith.constant 65535 : i32
      %and3A_837 = vector.broadcast %and3A_836 : i32 to vector<16xi32>
      %and3A_838 = arith.andi %get3A_835, %and3A_837 : vector<16xi32>
      %swap3A_839 = arith.constant 80 : index
      %swap3A_840 = tpu.vector_load %arg12[%swap3A_839] {strides = array<i32>} : memref<128xi32, #tpu.memory_space<vmem>>, vector<16xi32>,
      %swap3A_841 = vector.shape_cast %swap3A_840 : vector<16xi32> to vector<16xi32>
      %swap3A_842 = vector.shape_cast %and3A_838 : vector<16xi32> to vector<16xi32>
      tpu.vector_store %arg12[%swap3A_839], %swap3A_842 {strides = array<i32>} : memref<128xi32, #tpu.memory_space<vmem>>, vector<16xi32>,
      %get3A_843 = arith.index_cast %add3A_776 : i32 to index
      %get3A_844 = arith.constant 96 : index
      %get3A_845 = tpu.vector_load %arg10[%get3A_843, %get3A_844] {strides = array<i32>} : memref<80x128xi32, #tpu.memory_space<vmem>>, vector<1x16xi32>,
      %get3A_846 = vector.shape_cast %get3A_845 : vector<1x16xi32> to vector<16xi32>
      %and3A_847 = arith.constant 65535 : i32
      %and3A_848 = vector.broadcast %and3A_847 : i32 to vector<16xi32>
      %and3A_849 = arith.andi %get3A_846, %and3A_848 : vector<16xi32>
      %swap3A_850 = arith.constant 96 : index
      %swap3A_851 = tpu.vector_load %arg12[%swap3A_850] {strides = array<i32>} : memref<128xi32, #tpu.memory_space<vmem>>, vector<16xi32>,
      %swap3A_852 = vector.shape_cast %swap3A_851 : vector<16xi32> to vector<16xi32>
      %swap3A_853 = vector.shape_cast %and3A_849 : vector<16xi32> to vector<16xi32>
      tpu.vector_store %arg12[%swap3A_850], %swap3A_853 {strides = array<i32>} : memref<128xi32, #tpu.memory_space<vmem>>, vector<16xi32>,
      %get3A_854 = arith.index_cast %add3A_776 : i32 to index
      %get3A_855 = arith.constant 112 : index
      %get3A_856 = tpu.vector_load %arg10[%get3A_854, %get3A_855] {strides = array<i32>} : memref<80x128xi32, #tpu.memory_space<vmem>>, vector<1x16xi32>,
      %get3A_857 = vector.shape_cast %get3A_856 : vector<1x16xi32> to vector<16xi32>
      %and3A_858 = arith.constant 65535 : i32
      %and3A_859 = vector.broadcast %and3A_858 : i32 to vector<16xi32>
      %and3A_860 = arith.andi %get3A_857, %and3A_859 : vector<16xi32>
      %swap3A_861 = arith.constant 112 : index
      %swap3A_862 = tpu.vector_load %arg12[%swap3A_861] {strides = array<i32>} : memref<128xi32, #tpu.memory_space<vmem>>, vector<16xi32>,
      %swap3A_863 = vector.shape_cast %swap3A_862 : vector<16xi32> to vector<16xi32>
      %swap3A_864 = vector.shape_cast %and3A_860 : vector<16xi32> to vector<16xi32>
      tpu.vector_store %arg12[%swap3A_861], %swap3A_864 {strides = array<i32>} : memref<128xi32, #tpu.memory_space<vmem>>, vector<16xi32>,
      %dma_start3A_865 = arith.constant 0 : i32
      %dma_start3A_866 = arith.constant 0 : i32
      %dma_start3A_867 = tpu.memref_slice %arg2[%dma_start3A_865, %dma_start3A_866] : memref<10000x128xf32, #tpu.memory_space<hbm>> -> memref<10000x128xf32, #tpu.memory_space<hbm>>
      tpu.enqueue_indirect_dma source(%dma_start3A_867 : memref<10000x128xf32, #tpu.memory_space<hbm>>) target(%arg15 : memref<128x128xf32, #tpu.memory_space<vmem>>) offsets(%arg12 : memref<128xi32, #tpu.memory_space<vmem>>) semaphore(%arg20 : memref<!tpu.dma_semaphore, #tpu.memory_space<semaphore_mem>>)
    }
    %scan3A_257 = arith.constant 39 : i32
    %dma_wait3A = arith.constant 0 : i32
    %dma_wait3A_258 = arith.constant 0 : i32
    %dma_wait3A_259 = tpu.memref_slice %arg2[%dma_wait3A, %dma_wait3A_258] : memref<10000x128xf32, #tpu.memory_space<hbm>> -> memref<128x128xf32, #tpu.memory_space<hbm>>
    %dma_wait3A_260 = arith.constant 0 : i32
    %dma_wait3A_261 = arith.constant 0 : i32
    %dma_wait3A_262 = tpu.memref_slice %arg2[%dma_wait3A_260, %dma_wait3A_261] : memref<10000x128xf32, #tpu.memory_space<hbm>> -> memref<128x128xf32, #tpu.memory_space<hbm>>
    tpu.wait_dma2 semaphore(%arg19 : memref<!tpu.dma_semaphore, #tpu.memory_space<semaphore_mem>>) src(%dma_wait3A_262 : memref<128x128xf32, #tpu.memory_space<hbm>>) dst(%arg14 : memref<128x128xf32, #tpu.memory_space<vmem>>)
    %get3A_263 = arith.constant 78 : i32
    %get3A_264 = arith.index_cast %get3A_263 : i32 to index
    %get3A_265 = arith.constant 0 : index
    %get3A_266 = tpu.vector_load %arg10[%get3A_264, %get3A_265] {strides = array<i32>} : memref<80x128xi32, #tpu.memory_space<vmem>>, vector<1x16xi32>,
    %get3A_267 = vector.shape_cast %get3A_266 : vector<1x16xi32> to vector<16xi32>
    %shift_right_logical3A = arith.constant 16 : i32
    %shift_right_logical3A_268 = vector.broadcast %shift_right_logical3A : i32 to vector<16xi32>
    %shift_right_logical3A_269 = arith.shrui %get3A_267, %shift_right_logical3A_268 : vector<16xi32>
    %swap3A_270 = arith.constant 0 : index
    %swap3A_271 = tpu.vector_load %arg13[%swap3A_270] {strides = array<i32>} : memref<128xi32, #tpu.memory_space<vmem>>, vector<16xi32>,
    %swap3A_272 = vector.shape_cast %swap3A_271 : vector<16xi32> to vector<16xi32>
    %swap3A_273 = vector.shape_cast %shift_right_logical3A_269 : vector<16xi32> to vector<16xi32>
    tpu.vector_store %arg13[%swap3A_270], %swap3A_273 {strides = array<i32>} : memref<128xi32, #tpu.memory_space<vmem>>, vector<16xi32>,
    %get3A_274 = arith.constant 78 : i32
    %get3A_275 = arith.index_cast %get3A_274 : i32 to index
    %get3A_276 = arith.constant 16 : index
    %get3A_277 = tpu.vector_load %arg10[%get3A_275, %get3A_276] {strides = array<i32>} : memref<80x128xi32, #tpu.memory_space<vmem>>, vector<1x16xi32>,
    %get3A_278 = vector.shape_cast %get3A_277 : vector<1x16xi32> to vector<16xi32>
    %shift_right_logical3A_279 = arith.constant 16 : i32
    %shift_right_logical3A_280 = vector.broadcast %shift_right_logical3A_279 : i32 to vector<16xi32>
    %shift_right_logical3A_281 = arith.shrui %get3A_278, %shift_right_logical3A_280 : vector<16xi32>
    %swap3A_282 = arith.constant 16 : index
    %swap3A_283 = tpu.vector_load %arg13[%swap3A_282] {strides = array<i32>} : memref<128xi32, #tpu.memory_space<vmem>>, vector<16xi32>,
    %swap3A_284 = vector.shape_cast %swap3A_283 : vector<16xi32> to vector<16xi32>
    %swap3A_285 = vector.shape_cast %shift_right_logical3A_281 : vector<16xi32> to vector<16xi32>
    tpu.vector_store %arg13[%swap3A_282], %swap3A_285 {strides = array<i32>} : memref<128xi32, #tpu.memory_space<vmem>>, vector<16xi32>,
    %get3A_286 = arith.constant 78 : i32
    %get3A_287 = arith.index_cast %get3A_286 : i32 to index
    %get3A_288 = arith.constant 32 : index
    %get3A_289 = tpu.vector_load %arg10[%get3A_287, %get3A_288] {strides = array<i32>} : memref<80x128xi32, #tpu.memory_space<vmem>>, vector<1x16xi32>,
    %get3A_290 = vector.shape_cast %get3A_289 : vector<1x16xi32> to vector<16xi32>
    %shift_right_logical3A_291 = arith.constant 16 : i32
    %shift_right_logical3A_292 = vector.broadcast %shift_right_logical3A_291 : i32 to vector<16xi32>
    %shift_right_logical3A_293 = arith.shrui %get3A_290, %shift_right_logical3A_292 : vector<16xi32>
    %swap3A_294 = arith.constant 32 : index
    %swap3A_295 = tpu.vector_load %arg13[%swap3A_294] {strides = array<i32>} : memref<128xi32, #tpu.memory_space<vmem>>, vector<16xi32>,
    %swap3A_296 = vector.shape_cast %swap3A_295 : vector<16xi32> to vector<16xi32>
    %swap3A_297 = vector.shape_cast %shift_right_logical3A_293 : vector<16xi32> to vector<16xi32>
    tpu.vector_store %arg13[%swap3A_294], %swap3A_297 {strides = array<i32>} : memref<128xi32, #tpu.memory_space<vmem>>, vector<16xi32>,
    %get3A_298 = arith.constant 78 : i32
    %get3A_299 = arith.index_cast %get3A_298 : i32 to index
    %get3A_300 = arith.constant 48 : index
    %get3A_301 = tpu.vector_load %arg10[%get3A_299, %get3A_300] {strides = array<i32>} : memref<80x128xi32, #tpu.memory_space<vmem>>, vector<1x16xi32>,
    %get3A_302 = vector.shape_cast %get3A_301 : vector<1x16xi32> to vector<16xi32>
    %shift_right_logical3A_303 = arith.constant 16 : i32
    %shift_right_logical3A_304 = vector.broadcast %shift_right_logical3A_303 : i32 to vector<16xi32>
    %shift_right_logical3A_305 = arith.shrui %get3A_302, %shift_right_logical3A_304 : vector<16xi32>
    %swap3A_306 = arith.constant 48 : index
    %swap3A_307 = tpu.vector_load %arg13[%swap3A_306] {strides = array<i32>} : memref<128xi32, #tpu.memory_space<vmem>>, vector<16xi32>,
    %swap3A_308 = vector.shape_cast %swap3A_307 : vector<16xi32> to vector<16xi32>
    %swap3A_309 = vector.shape_cast %shift_right_logical3A_305 : vector<16xi32> to vector<16xi32>
    tpu.vector_store %arg13[%swap3A_306], %swap3A_309 {strides = array<i32>} : memref<128xi32, #tpu.memory_space<vmem>>, vector<16xi32>,
    %get3A_310 = arith.constant 78 : i32
    %get3A_311 = arith.index_cast %get3A_310 : i32 to index
    %get3A_312 = arith.constant 64 : index
    %get3A_313 = tpu.vector_load %arg10[%get3A_311, %get3A_312] {strides = array<i32>} : memref<80x128xi32, #tpu.memory_space<vmem>>, vector<1x16xi32>,
    %get3A_314 = vector.shape_cast %get3A_313 : vector<1x16xi32> to vector<16xi32>
    %shift_right_logical3A_315 = arith.constant 16 : i32
    %shift_right_logical3A_316 = vector.broadcast %shift_right_logical3A_315 : i32 to vector<16xi32>
    %shift_right_logical3A_317 = arith.shrui %get3A_314, %shift_right_logical3A_316 : vector<16xi32>
    %swap3A_318 = arith.constant 64 : index
    %swap3A_319 = tpu.vector_load %arg13[%swap3A_318] {strides = array<i32>} : memref<128xi32, #tpu.memory_space<vmem>>, vector<16xi32>,
    %swap3A_320 = vector.shape_cast %swap3A_319 : vector<16xi32> to vector<16xi32>
    %swap3A_321 = vector.shape_cast %shift_right_logical3A_317 : vector<16xi32> to vector<16xi32>
    tpu.vector_store %arg13[%swap3A_318], %swap3A_321 {strides = array<i32>} : memref<128xi32, #tpu.memory_space<vmem>>, vector<16xi32>,
    %get3A_322 = arith.constant 78 : i32
    %get3A_323 = arith.index_cast %get3A_322 : i32 to index
    %get3A_324 = arith.constant 80 : index
    %get3A_325 = tpu.vector_load %arg10[%get3A_323, %get3A_324] {strides = array<i32>} : memref<80x128xi32, #tpu.memory_space<vmem>>, vector<1x16xi32>,
    %get3A_326 = vector.shape_cast %get3A_325 : vector<1x16xi32> to vector<16xi32>
    %shift_right_logical3A_327 = arith.constant 16 : i32
    %shift_right_logical3A_328 = vector.broadcast %shift_right_logical3A_327 : i32 to vector<16xi32>
    %shift_right_logical3A_329 = arith.shrui %get3A_326, %shift_right_logical3A_328 : vector<16xi32>
    %swap3A_330 = arith.constant 80 : index
    %swap3A_331 = tpu.vector_load %arg13[%swap3A_330] {strides = array<i32>} : memref<128xi32, #tpu.memory_space<vmem>>, vector<16xi32>,
    %swap3A_332 = vector.shape_cast %swap3A_331 : vector<16xi32> to vector<16xi32>
    %swap3A_333 = vector.shape_cast %shift_right_logical3A_329 : vector<16xi32> to vector<16xi32>
    tpu.vector_store %arg13[%swap3A_330], %swap3A_333 {strides = array<i32>} : memref<128xi32, #tpu.memory_space<vmem>>, vector<16xi32>,
    %get3A_334 = arith.constant 78 : i32
    %get3A_335 = arith.index_cast %get3A_334 : i32 to index
    %get3A_336 = arith.constant 96 : index
    %get3A_337 = tpu.vector_load %arg10[%get3A_335, %get3A_336] {strides = array<i32>} : memref<80x128xi32, #tpu.memory_space<vmem>>, vector<1x16xi32>,
    %get3A_338 = vector.shape_cast %get3A_337 : vector<1x16xi32> to vector<16xi32>
    %shift_right_logical3A_339 = arith.constant 16 : i32
    %shift_right_logical3A_340 = vector.broadcast %shift_right_logical3A_339 : i32 to vector<16xi32>
    %shift_right_logical3A_341 = arith.shrui %get3A_338, %shift_right_logical3A_340 : vector<16xi32>
    %swap3A_342 = arith.constant 96 : index
    %swap3A_343 = tpu.vector_load %arg13[%swap3A_342] {strides = array<i32>} : memref<128xi32, #tpu.memory_space<vmem>>, vector<16xi32>,
    %swap3A_344 = vector.shape_cast %swap3A_343 : vector<16xi32> to vector<16xi32>
    %swap3A_345 = vector.shape_cast %shift_right_logical3A_341 : vector<16xi32> to vector<16xi32>
    tpu.vector_store %arg13[%swap3A_342], %swap3A_345 {strides = array<i32>} : memref<128xi32, #tpu.memory_space<vmem>>, vector<16xi32>,
    %get3A_346 = arith.constant 78 : i32
    %get3A_347 = arith.index_cast %get3A_346 : i32 to index
    %get3A_348 = arith.constant 112 : index
    %get3A_349 = tpu.vector_load %arg10[%get3A_347, %get3A_348] {strides = array<i32>} : memref<80x128xi32, #tpu.memory_space<vmem>>, vector<1x16xi32>,
    %get3A_350 = vector.shape_cast %get3A_349 : vector<1x16xi32> to vector<16xi32>
    %shift_right_logical3A_351 = arith.constant 16 : i32
    %shift_right_logical3A_352 = vector.broadcast %shift_right_logical3A_351 : i32 to vector<16xi32>
    %shift_right_logical3A_353 = arith.shrui %get3A_350, %shift_right_logical3A_352 : vector<16xi32>
    %swap3A_354 = arith.constant 112 : index
    %swap3A_355 = tpu.vector_load %arg13[%swap3A_354] {strides = array<i32>} : memref<128xi32, #tpu.memory_space<vmem>>, vector<16xi32>,
    %swap3A_356 = vector.shape_cast %swap3A_355 : vector<16xi32> to vector<16xi32>
    %swap3A_357 = vector.shape_cast %shift_right_logical3A_353 : vector<16xi32> to vector<16xi32>
    tpu.vector_store %arg13[%swap3A_354], %swap3A_357 {strides = array<i32>} : memref<128xi32, #tpu.memory_space<vmem>>, vector<16xi32>,
    "tpu.region"() ({
      %run_scoped3A = tpu.sem_alloc : memref<!tpu.dma_semaphore, #tpu.memory_space<semaphore_mem>>
      %dma_start3A_487 = arith.constant 0 : i32
      %dma_start3A_488 = arith.constant 0 : i32
      %dma_start3A_489 = tpu.memref_slice %arg17[%dma_start3A_487, %dma_start3A_488] : memref<10256x128xf32, #tpu.memory_space<vmem_shared>> -> memref<10256x128xf32, #tpu.memory_space<vmem_shared>>
      tpu.enqueue_indirect_dma source(%arg14 : memref<128x128xf32, #tpu.memory_space<vmem>>) target(%dma_start3A_489 : memref<10256x128xf32, #tpu.memory_space<vmem_shared>>) offsets(%arg13 : memref<128xi32, #tpu.memory_space<vmem>>) semaphore(%run_scoped3A : memref<!tpu.dma_semaphore, #tpu.memory_space<semaphore_mem>>) {add = true}
      %dma_wait3A_490 = arith.constant 0 : i32
      %dma_wait3A_491 = arith.constant 0 : i32
      %dma_wait3A_492 = tpu.memref_slice %arg17[%dma_wait3A_490, %dma_wait3A_491] : memref<10256x128xf32, #tpu.memory_space<vmem_shared>> -> memref<10256x128xf32, #tpu.memory_space<vmem_shared>>
      tpu.wait_indirect_dma semaphore(%run_scoped3A : memref<!tpu.dma_semaphore, #tpu.memory_space<semaphore_mem>>) src(%arg14 : memref<128x128xf32, #tpu.memory_space<vmem>>) dst(%dma_wait3A_492 : memref<10256x128xf32, #tpu.memory_space<vmem_shared>>)
      tpu.yield
    }) : () -> ()
    "tpu.region"() ({
      %run_scoped3A = tpu.sem_alloc : memref<!tpu.dma_semaphore, #tpu.memory_space<semaphore_mem>>
      %dma_start3A_487 = arith.constant 0 : i32
      %dma_start3A_488 = tpu.memref_slice %arg18[%dma_start3A_487] : memref<10256xf32, #tpu.memory_space<vmem_shared>> -> memref<10256xf32, #tpu.memory_space<vmem_shared>>
      tpu.enqueue_indirect_dma source(%arg16 : memref<128xf32, #tpu.memory_space<vmem>>) target(%dma_start3A_488 : memref<10256xf32, #tpu.memory_space<vmem_shared>>) offsets(%arg13 : memref<128xi32, #tpu.memory_space<vmem>>) semaphore(%run_scoped3A : memref<!tpu.dma_semaphore, #tpu.memory_space<semaphore_mem>>) {add = true}
      %dma_wait3A_489 = arith.constant 0 : i32
      %dma_wait3A_490 = tpu.memref_slice %arg18[%dma_wait3A_489] : memref<10256xf32, #tpu.memory_space<vmem_shared>> -> memref<10256xf32, #tpu.memory_space<vmem_shared>>
      tpu.wait_indirect_dma semaphore(%run_scoped3A : memref<!tpu.dma_semaphore, #tpu.memory_space<semaphore_mem>>) src(%arg16 : memref<128xf32, #tpu.memory_space<vmem>>) dst(%dma_wait3A_490 : memref<10256xf32, #tpu.memory_space<vmem_shared>>)
      tpu.yield
    }) : () -> ()
    %dma_wait3A_358 = arith.constant 0 : i32
    %dma_wait3A_359 = arith.constant 0 : i32
    %dma_wait3A_360 = tpu.memref_slice %arg2[%dma_wait3A_358, %dma_wait3A_359] : memref<10000x128xf32, #tpu.memory_space<hbm>> -> memref<128x128xf32, #tpu.memory_space<hbm>>
    %dma_wait3A_361 = arith.constant 0 : i32
    %dma_wait3A_362 = arith.constant 0 : i32
    %dma_wait3A_363 = tpu.memref_slice %arg2[%dma_wait3A_361, %dma_wait3A_362] : memref<10000x128xf32, #tpu.memory_space<hbm>> -> memref<128x128xf32, #tpu.memory_space<hbm>>
    tpu.wait_dma2 semaphore(%arg20 : memref<!tpu.dma_semaphore, #tpu.memory_space<semaphore_mem>>) src(%dma_wait3A_363 : memref<128x128xf32, #tpu.memory_space<hbm>>) dst(%arg15 : memref<128x128xf32, #tpu.memory_space<vmem>>)
    %get3A_364 = arith.constant 79 : i32
    %get3A_365 = arith.index_cast %get3A_364 : i32 to index
    %get3A_366 = arith.constant 0 : index
    %get3A_367 = tpu.vector_load %arg10[%get3A_365, %get3A_366] {strides = array<i32>} : memref<80x128xi32, #tpu.memory_space<vmem>>, vector<1x16xi32>,
    %get3A_368 = vector.shape_cast %get3A_367 : vector<1x16xi32> to vector<16xi32>
    %shift_right_logical3A_369 = arith.constant 16 : i32
    %shift_right_logical3A_370 = vector.broadcast %shift_right_logical3A_369 : i32 to vector<16xi32>
    %shift_right_logical3A_371 = arith.shrui %get3A_368, %shift_right_logical3A_370 : vector<16xi32>
    %swap3A_372 = arith.constant 0 : index
    %swap3A_373 = tpu.vector_load %arg13[%swap3A_372] {strides = array<i32>} : memref<128xi32, #tpu.memory_space<vmem>>, vector<16xi32>,
    %swap3A_374 = vector.shape_cast %swap3A_373 : vector<16xi32> to vector<16xi32>
    %swap3A_375 = vector.shape_cast %shift_right_logical3A_371 : vector<16xi32> to vector<16xi32>
    tpu.vector_store %arg13[%swap3A_372], %swap3A_375 {strides = array<i32>} : memref<128xi32, #tpu.memory_space<vmem>>, vector<16xi32>,
    %get3A_376 = arith.constant 79 : i32
    %get3A_377 = arith.index_cast %get3A_376 : i32 to index
    %get3A_378 = arith.constant 16 : index
    %get3A_379 = tpu.vector_load %arg10[%get3A_377, %get3A_378] {strides = array<i32>} : memref<80x128xi32, #tpu.memory_space<vmem>>, vector<1x16xi32>,
    %get3A_380 = vector.shape_cast %get3A_379 : vector<1x16xi32> to vector<16xi32>
    %shift_right_logical3A_381 = arith.constant 16 : i32
    %shift_right_logical3A_382 = vector.broadcast %shift_right_logical3A_381 : i32 to vector<16xi32>
    %shift_right_logical3A_383 = arith.shrui %get3A_380, %shift_right_logical3A_382 : vector<16xi32>
    %swap3A_384 = arith.constant 16 : index
    %swap3A_385 = tpu.vector_load %arg13[%swap3A_384] {strides = array<i32>} : memref<128xi32, #tpu.memory_space<vmem>>, vector<16xi32>,
    %swap3A_386 = vector.shape_cast %swap3A_385 : vector<16xi32> to vector<16xi32>
    %swap3A_387 = vector.shape_cast %shift_right_logical3A_383 : vector<16xi32> to vector<16xi32>
    tpu.vector_store %arg13[%swap3A_384], %swap3A_387 {strides = array<i32>} : memref<128xi32, #tpu.memory_space<vmem>>, vector<16xi32>,
    %get3A_388 = arith.constant 79 : i32
    %get3A_389 = arith.index_cast %get3A_388 : i32 to index
    %get3A_390 = arith.constant 32 : index
    %get3A_391 = tpu.vector_load %arg10[%get3A_389, %get3A_390] {strides = array<i32>} : memref<80x128xi32, #tpu.memory_space<vmem>>, vector<1x16xi32>,
    %get3A_392 = vector.shape_cast %get3A_391 : vector<1x16xi32> to vector<16xi32>
    %shift_right_logical3A_393 = arith.constant 16 : i32
    %shift_right_logical3A_394 = vector.broadcast %shift_right_logical3A_393 : i32 to vector<16xi32>
    %shift_right_logical3A_395 = arith.shrui %get3A_392, %shift_right_logical3A_394 : vector<16xi32>
    %swap3A_396 = arith.constant 32 : index
    %swap3A_397 = tpu.vector_load %arg13[%swap3A_396] {strides = array<i32>} : memref<128xi32, #tpu.memory_space<vmem>>, vector<16xi32>,
    %swap3A_398 = vector.shape_cast %swap3A_397 : vector<16xi32> to vector<16xi32>
    %swap3A_399 = vector.shape_cast %shift_right_logical3A_395 : vector<16xi32> to vector<16xi32>
    tpu.vector_store %arg13[%swap3A_396], %swap3A_399 {strides = array<i32>} : memref<128xi32, #tpu.memory_space<vmem>>, vector<16xi32>,
    %get3A_400 = arith.constant 79 : i32
    %get3A_401 = arith.index_cast %get3A_400 : i32 to index
    %get3A_402 = arith.constant 48 : index
    %get3A_403 = tpu.vector_load %arg10[%get3A_401, %get3A_402] {strides = array<i32>} : memref<80x128xi32, #tpu.memory_space<vmem>>, vector<1x16xi32>,
    %get3A_404 = vector.shape_cast %get3A_403 : vector<1x16xi32> to vector<16xi32>
    %shift_right_logical3A_405 = arith.constant 16 : i32
    %shift_right_logical3A_406 = vector.broadcast %shift_right_logical3A_405 : i32 to vector<16xi32>
    %shift_right_logical3A_407 = arith.shrui %get3A_404, %shift_right_logical3A_406 : vector<16xi32>
    %swap3A_408 = arith.constant 48 : index
    %swap3A_409 = tpu.vector_load %arg13[%swap3A_408] {strides = array<i32>} : memref<128xi32, #tpu.memory_space<vmem>>, vector<16xi32>,
    %swap3A_410 = vector.shape_cast %swap3A_409 : vector<16xi32> to vector<16xi32>
    %swap3A_411 = vector.shape_cast %shift_right_logical3A_407 : vector<16xi32> to vector<16xi32>
    tpu.vector_store %arg13[%swap3A_408], %swap3A_411 {strides = array<i32>} : memref<128xi32, #tpu.memory_space<vmem>>, vector<16xi32>,
    %get3A_412 = arith.constant 79 : i32
    %get3A_413 = arith.index_cast %get3A_412 : i32 to index
    %get3A_414 = arith.constant 64 : index
    %get3A_415 = tpu.vector_load %arg10[%get3A_413, %get3A_414] {strides = array<i32>} : memref<80x128xi32, #tpu.memory_space<vmem>>, vector<1x16xi32>,
    %get3A_416 = vector.shape_cast %get3A_415 : vector<1x16xi32> to vector<16xi32>
    %shift_right_logical3A_417 = arith.constant 16 : i32
    %shift_right_logical3A_418 = vector.broadcast %shift_right_logical3A_417 : i32 to vector<16xi32>
    %shift_right_logical3A_419 = arith.shrui %get3A_416, %shift_right_logical3A_418 : vector<16xi32>
    %swap3A_420 = arith.constant 64 : index
    %swap3A_421 = tpu.vector_load %arg13[%swap3A_420] {strides = array<i32>} : memref<128xi32, #tpu.memory_space<vmem>>, vector<16xi32>,
    %swap3A_422 = vector.shape_cast %swap3A_421 : vector<16xi32> to vector<16xi32>
    %swap3A_423 = vector.shape_cast %shift_right_logical3A_419 : vector<16xi32> to vector<16xi32>
    tpu.vector_store %arg13[%swap3A_420], %swap3A_423 {strides = array<i32>} : memref<128xi32, #tpu.memory_space<vmem>>, vector<16xi32>,
    %get3A_424 = arith.constant 79 : i32
    %get3A_425 = arith.index_cast %get3A_424 : i32 to index
    %get3A_426 = arith.constant 80 : index
    %get3A_427 = tpu.vector_load %arg10[%get3A_425, %get3A_426] {strides = array<i32>} : memref<80x128xi32, #tpu.memory_space<vmem>>, vector<1x16xi32>,
    %get3A_428 = vector.shape_cast %get3A_427 : vector<1x16xi32> to vector<16xi32>
    %shift_right_logical3A_429 = arith.constant 16 : i32
    %shift_right_logical3A_430 = vector.broadcast %shift_right_logical3A_429 : i32 to vector<16xi32>
    %shift_right_logical3A_431 = arith.shrui %get3A_428, %shift_right_logical3A_430 : vector<16xi32>
    %swap3A_432 = arith.constant 80 : index
    %swap3A_433 = tpu.vector_load %arg13[%swap3A_432] {strides = array<i32>} : memref<128xi32, #tpu.memory_space<vmem>>, vector<16xi32>,
    %swap3A_434 = vector.shape_cast %swap3A_433 : vector<16xi32> to vector<16xi32>
    %swap3A_435 = vector.shape_cast %shift_right_logical3A_431 : vector<16xi32> to vector<16xi32>
    tpu.vector_store %arg13[%swap3A_432], %swap3A_435 {strides = array<i32>} : memref<128xi32, #tpu.memory_space<vmem>>, vector<16xi32>,
    %get3A_436 = arith.constant 79 : i32
    %get3A_437 = arith.index_cast %get3A_436 : i32 to index
    %get3A_438 = arith.constant 96 : index
    %get3A_439 = tpu.vector_load %arg10[%get3A_437, %get3A_438] {strides = array<i32>} : memref<80x128xi32, #tpu.memory_space<vmem>>, vector<1x16xi32>,
    %get3A_440 = vector.shape_cast %get3A_439 : vector<1x16xi32> to vector<16xi32>
    %shift_right_logical3A_441 = arith.constant 16 : i32
    %shift_right_logical3A_442 = vector.broadcast %shift_right_logical3A_441 : i32 to vector<16xi32>
    %shift_right_logical3A_443 = arith.shrui %get3A_440, %shift_right_logical3A_442 : vector<16xi32>
    %swap3A_444 = arith.constant 96 : index
    %swap3A_445 = tpu.vector_load %arg13[%swap3A_444] {strides = array<i32>} : memref<128xi32, #tpu.memory_space<vmem>>, vector<16xi32>,
    %swap3A_446 = vector.shape_cast %swap3A_445 : vector<16xi32> to vector<16xi32>
    %swap3A_447 = vector.shape_cast %shift_right_logical3A_443 : vector<16xi32> to vector<16xi32>
    tpu.vector_store %arg13[%swap3A_444], %swap3A_447 {strides = array<i32>} : memref<128xi32, #tpu.memory_space<vmem>>, vector<16xi32>,
    %get3A_448 = arith.constant 79 : i32
    %get3A_449 = arith.index_cast %get3A_448 : i32 to index
    %get3A_450 = arith.constant 112 : index
    %get3A_451 = tpu.vector_load %arg10[%get3A_449, %get3A_450] {strides = array<i32>} : memref<80x128xi32, #tpu.memory_space<vmem>>, vector<1x16xi32>,
    %get3A_452 = vector.shape_cast %get3A_451 : vector<1x16xi32> to vector<16xi32>
    %shift_right_logical3A_453 = arith.constant 16 : i32
    %shift_right_logical3A_454 = vector.broadcast %shift_right_logical3A_453 : i32 to vector<16xi32>
    %shift_right_logical3A_455 = arith.shrui %get3A_452, %shift_right_logical3A_454 : vector<16xi32>
    %swap3A_456 = arith.constant 112 : index
    %swap3A_457 = tpu.vector_load %arg13[%swap3A_456] {strides = array<i32>} : memref<128xi32, #tpu.memory_space<vmem>>, vector<16xi32>,
    %swap3A_458 = vector.shape_cast %swap3A_457 : vector<16xi32> to vector<16xi32>
    %swap3A_459 = vector.shape_cast %shift_right_logical3A_455 : vector<16xi32> to vector<16xi32>
    tpu.vector_store %arg13[%swap3A_456], %swap3A_459 {strides = array<i32>} : memref<128xi32, #tpu.memory_space<vmem>>, vector<16xi32>,
    "tpu.region"() ({
      %run_scoped3A = tpu.sem_alloc : memref<!tpu.dma_semaphore, #tpu.memory_space<semaphore_mem>>
      %dma_start3A_487 = arith.constant 0 : i32
      %dma_start3A_488 = arith.constant 0 : i32
      %dma_start3A_489 = tpu.memref_slice %arg17[%dma_start3A_487, %dma_start3A_488] : memref<10256x128xf32, #tpu.memory_space<vmem_shared>> -> memref<10256x128xf32, #tpu.memory_space<vmem_shared>>
      tpu.enqueue_indirect_dma source(%arg15 : memref<128x128xf32, #tpu.memory_space<vmem>>) target(%dma_start3A_489 : memref<10256x128xf32, #tpu.memory_space<vmem_shared>>) offsets(%arg13 : memref<128xi32, #tpu.memory_space<vmem>>) semaphore(%run_scoped3A : memref<!tpu.dma_semaphore, #tpu.memory_space<semaphore_mem>>) {add = true}
      %dma_wait3A_490 = arith.constant 0 : i32
      %dma_wait3A_491 = arith.constant 0 : i32
      %dma_wait3A_492 = tpu.memref_slice %arg17[%dma_wait3A_490, %dma_wait3A_491] : memref<10256x128xf32, #tpu.memory_space<vmem_shared>> -> memref<10256x128xf32, #tpu.memory_space<vmem_shared>>
      tpu.wait_indirect_dma semaphore(%run_scoped3A : memref<!tpu.dma_semaphore, #tpu.memory_space<semaphore_mem>>) src(%arg15 : memref<128x128xf32, #tpu.memory_space<vmem>>) dst(%dma_wait3A_492 : memref<10256x128xf32, #tpu.memory_space<vmem_shared>>)
      tpu.yield
    }) : () -> ()
    "tpu.region"() ({
      %run_scoped3A = tpu.sem_alloc : memref<!tpu.dma_semaphore, #tpu.memory_space<semaphore_mem>>
      %dma_start3A_487 = arith.constant 0 : i32
      %dma_start3A_488 = tpu.memref_slice %arg18[%dma_start3A_487] : memref<10256xf32, #tpu.memory_space<vmem_shared>> -> memref<10256xf32, #tpu.memory_space<vmem_shared>>
      tpu.enqueue_indirect_dma source(%arg16 : memref<128xf32, #tpu.memory_space<vmem>>) target(%dma_start3A_488 : memref<10256xf32, #tpu.memory_space<vmem_shared>>) offsets(%arg13 : memref<128xi32, #tpu.memory_space<vmem>>) semaphore(%run_scoped3A : memref<!tpu.dma_semaphore, #tpu.memory_space<semaphore_mem>>) {add = true}
      %dma_wait3A_489 = arith.constant 0 : i32
      %dma_wait3A_490 = tpu.memref_slice %arg18[%dma_wait3A_489] : memref<10256xf32, #tpu.memory_space<vmem_shared>> -> memref<10256xf32, #tpu.memory_space<vmem_shared>>
      tpu.wait_indirect_dma semaphore(%run_scoped3A : memref<!tpu.dma_semaphore, #tpu.memory_space<semaphore_mem>>) src(%arg16 : memref<128xf32, #tpu.memory_space<vmem>>) dst(%dma_wait3A_490 : memref<10256xf32, #tpu.memory_space<vmem_shared>>)
      tpu.yield
    }) : () -> ()
    %barrier3A_460 = arith.constant 0 : index
    tpu.barrier barrier_id(%barrier3A_460)
    %eq3A_461 = arith.constant 0 : i32
    %eq3A_462 = arith.cmpi eq, %arg0, %eq3A_461 : i32
    %convert_element_type3A_463 = arith.extui %eq3A_462 : i1 to i32
    %cond3A_464 = arith.constant 0 : i32
    %cond3A_465 = arith.cmpi ne, %convert_element_type3A_463, %cond3A_464 : i32
    scf.if %cond3A_465 {
      %mul3A_487 = arith.constant 624 : i32
      %mul3A_488 = arith.muli %arg1, %mul3A_487 : i32
      %mul3A_489 = arith.constant 624 : i32
      %mul3A_490 = arith.muli %arg1, %mul3A_489 : i32
      "tpu.region"() ({
        %run_scoped3A = tpu.sem_alloc : memref<!tpu.dma_semaphore, #tpu.memory_space<semaphore_mem>>
        %dma_start3A_496 = arith.constant 0 : i32
        %dma_start3A_497 = tpu.memref_slice %arg6[%mul3A_490, %dma_start3A_496] : memref<10000x128xf32, #tpu.memory_space<hbm>> -> memref<624x128xf32, #tpu.memory_space<hbm>>
        %dma_start3A_498 = arith.constant 0 : i32
        %dma_start3A_499 = tpu.memref_slice %arg17[%mul3A_488, %dma_start3A_498] : memref<10256x128xf32, #tpu.memory_space<vmem_shared>> -> memref<624x128xf32, #tpu.memory_space<vmem_shared>>
        tpu.enqueue_dma source(%dma_start3A_499 : memref<624x128xf32, #tpu.memory_space<vmem_shared>>) target(%dma_start3A_497 : memref<624x128xf32, #tpu.memory_space<hbm>>) target_semaphore(%run_scoped3A : memref<!tpu.dma_semaphore, #tpu.memory_space<semaphore_mem>>)
        %dma_wait3A_500 = arith.constant 0 : i32
        %dma_wait3A_501 = tpu.memref_slice %arg6[%mul3A_490, %dma_wait3A_500] : memref<10000x128xf32, #tpu.memory_space<hbm>> -> memref<624x128xf32, #tpu.memory_space<hbm>>
        %dma_wait3A_502 = arith.constant 0 : i32
        %dma_wait3A_503 = tpu.memref_slice %arg17[%mul3A_488, %dma_wait3A_502] : memref<10256x128xf32, #tpu.memory_space<vmem_shared>> -> memref<624x128xf32, #tpu.memory_space<vmem_shared>>
        tpu.wait_dma2 semaphore(%run_scoped3A : memref<!tpu.dma_semaphore, #tpu.memory_space<semaphore_mem>>) src(%dma_wait3A_503 : memref<624x128xf32, #tpu.memory_space<vmem_shared>>) dst(%dma_wait3A_501 : memref<624x128xf32, #tpu.memory_space<hbm>>)
        tpu.yield
      }) : () -> ()
      %eq3A_491 = arith.constant 15 : i32
      %eq3A_492 = arith.cmpi eq, %arg1, %eq3A_491 : i32
      %convert_element_type3A_493 = arith.extui %eq3A_492 : i1 to i32
      %cond3A_494 = arith.constant 0 : i32
      %cond3A_495 = arith.cmpi ne, %convert_element_type3A_493, %cond3A_494 : i32
      scf.if %cond3A_495 {
        "tpu.region"() ({
          %run_scoped3A = tpu.sem_alloc : memref<!tpu.dma_semaphore, #tpu.memory_space<semaphore_mem>>
          %dma_start3A_496 = arith.constant 9984 : i32
          %dma_start3A_497 = arith.constant 0 : i32
          %dma_start3A_498 = tpu.memref_slice %arg6[%dma_start3A_496, %dma_start3A_497] : memref<10000x128xf32, #tpu.memory_space<hbm>> -> memref<16x128xf32, #tpu.memory_space<hbm>>
          %dma_start3A_499 = arith.constant 9984 : i32
          %dma_start3A_500 = arith.constant 0 : i32
          %dma_start3A_501 = tpu.memref_slice %arg17[%dma_start3A_499, %dma_start3A_500] : memref<10256x128xf32, #tpu.memory_space<vmem_shared>> -> memref<16x128xf32, #tpu.memory_space<vmem_shared>>
          tpu.enqueue_dma source(%dma_start3A_501 : memref<16x128xf32, #tpu.memory_space<vmem_shared>>) target(%dma_start3A_498 : memref<16x128xf32, #tpu.memory_space<hbm>>) target_semaphore(%run_scoped3A : memref<!tpu.dma_semaphore, #tpu.memory_space<semaphore_mem>>)
          %dma_wait3A_502 = arith.constant 9984 : i32
          %dma_wait3A_503 = arith.constant 0 : i32
          %dma_wait3A_504 = tpu.memref_slice %arg6[%dma_wait3A_502, %dma_wait3A_503] : memref<10000x128xf32, #tpu.memory_space<hbm>> -> memref<16x128xf32, #tpu.memory_space<hbm>>
          %dma_wait3A_505 = arith.constant 9984 : i32
          %dma_wait3A_506 = arith.constant 0 : i32
          %dma_wait3A_507 = tpu.memref_slice %arg17[%dma_wait3A_505, %dma_wait3A_506] : memref<10256x128xf32, #tpu.memory_space<vmem_shared>> -> memref<16x128xf32, #tpu.memory_space<vmem_shared>>
          tpu.wait_dma2 semaphore(%run_scoped3A : memref<!tpu.dma_semaphore, #tpu.memory_space<semaphore_mem>>) src(%dma_wait3A_507 : memref<16x128xf32, #tpu.memory_space<vmem_shared>>) dst(%dma_wait3A_504 : memref<16x128xf32, #tpu.memory_space<hbm>>)
          tpu.yield
        }) : () -> ()
      } else {
      }
    } else {
    }
    %eq3A_466 = arith.constant 1 : i32
    %eq3A_467 = arith.cmpi eq, %arg0, %eq3A_466 : i32
    %convert_element_type3A_468 = arith.extui %eq3A_467 : i1 to i32
    %cond3A_469 = arith.constant 0 : i32
    %cond3A_470 = arith.cmpi ne, %convert_element_type3A_468, %cond3A_469 : i32
    scf.if %cond3A_470 {
      %mul3A_487 = arith.constant 624 : i32
      %mul3A_488 = arith.muli %arg1, %mul3A_487 : i32
      %mul3A_489 = arith.constant 624 : i32
      %mul3A_490 = arith.muli %arg1, %mul3A_489 : i32
      "tpu.region"() ({
        %run_scoped3A = tpu.sem_alloc : memref<!tpu.dma_semaphore, #tpu.memory_space<semaphore_mem>>
        %dma_start3A_496 = arith.constant 0 : i32
        %dma_start3A_497 = tpu.memref_slice %arg7[%mul3A_490, %dma_start3A_496] : memref<10000x128xf32, #tpu.memory_space<hbm>> -> memref<624x128xf32, #tpu.memory_space<hbm>>
        %dma_start3A_498 = arith.constant 0 : i32
        %dma_start3A_499 = tpu.memref_slice %arg17[%mul3A_488, %dma_start3A_498] : memref<10256x128xf32, #tpu.memory_space<vmem_shared>> -> memref<624x128xf32, #tpu.memory_space<vmem_shared>>
        tpu.enqueue_dma source(%dma_start3A_499 : memref<624x128xf32, #tpu.memory_space<vmem_shared>>) target(%dma_start3A_497 : memref<624x128xf32, #tpu.memory_space<hbm>>) target_semaphore(%run_scoped3A : memref<!tpu.dma_semaphore, #tpu.memory_space<semaphore_mem>>)
        %dma_wait3A_500 = arith.constant 0 : i32
        %dma_wait3A_501 = tpu.memref_slice %arg7[%mul3A_490, %dma_wait3A_500] : memref<10000x128xf32, #tpu.memory_space<hbm>> -> memref<624x128xf32, #tpu.memory_space<hbm>>
        %dma_wait3A_502 = arith.constant 0 : i32
        %dma_wait3A_503 = tpu.memref_slice %arg17[%mul3A_488, %dma_wait3A_502] : memref<10256x128xf32, #tpu.memory_space<vmem_shared>> -> memref<624x128xf32, #tpu.memory_space<vmem_shared>>
        tpu.wait_dma2 semaphore(%run_scoped3A : memref<!tpu.dma_semaphore, #tpu.memory_space<semaphore_mem>>) src(%dma_wait3A_503 : memref<624x128xf32, #tpu.memory_space<vmem_shared>>) dst(%dma_wait3A_501 : memref<624x128xf32, #tpu.memory_space<hbm>>)
        tpu.yield
      }) : () -> ()
      %eq3A_491 = arith.constant 15 : i32
      %eq3A_492 = arith.cmpi eq, %arg1, %eq3A_491 : i32
      %convert_element_type3A_493 = arith.extui %eq3A_492 : i1 to i32
      %cond3A_494 = arith.constant 0 : i32
      %cond3A_495 = arith.cmpi ne, %convert_element_type3A_493, %cond3A_494 : i32
      scf.if %cond3A_495 {
        "tpu.region"() ({
          %run_scoped3A = tpu.sem_alloc : memref<!tpu.dma_semaphore, #tpu.memory_space<semaphore_mem>>
          %dma_start3A_496 = arith.constant 9984 : i32
          %dma_start3A_497 = arith.constant 0 : i32
          %dma_start3A_498 = tpu.memref_slice %arg7[%dma_start3A_496, %dma_start3A_497] : memref<10000x128xf32, #tpu.memory_space<hbm>> -> memref<16x128xf32, #tpu.memory_space<hbm>>
          %dma_start3A_499 = arith.constant 9984 : i32
          %dma_start3A_500 = arith.constant 0 : i32
          %dma_start3A_501 = tpu.memref_slice %arg17[%dma_start3A_499, %dma_start3A_500] : memref<10256x128xf32, #tpu.memory_space<vmem_shared>> -> memref<16x128xf32, #tpu.memory_space<vmem_shared>>
          tpu.enqueue_dma source(%dma_start3A_501 : memref<16x128xf32, #tpu.memory_space<vmem_shared>>) target(%dma_start3A_498 : memref<16x128xf32, #tpu.memory_space<hbm>>) target_semaphore(%run_scoped3A : memref<!tpu.dma_semaphore, #tpu.memory_space<semaphore_mem>>)
          %dma_wait3A_502 = arith.constant 9984 : i32
          %dma_wait3A_503 = arith.constant 0 : i32
          %dma_wait3A_504 = tpu.memref_slice %arg7[%dma_wait3A_502, %dma_wait3A_503] : memref<10000x128xf32, #tpu.memory_space<hbm>> -> memref<16x128xf32, #tpu.memory_space<hbm>>
          %dma_wait3A_505 = arith.constant 9984 : i32
          %dma_wait3A_506 = arith.constant 0 : i32
          %dma_wait3A_507 = tpu.memref_slice %arg17[%dma_wait3A_505, %dma_wait3A_506] : memref<10256x128xf32, #tpu.memory_space<vmem_shared>> -> memref<16x128xf32, #tpu.memory_space<vmem_shared>>
          tpu.wait_dma2 semaphore(%run_scoped3A : memref<!tpu.dma_semaphore, #tpu.memory_space<semaphore_mem>>) src(%dma_wait3A_507 : memref<16x128xf32, #tpu.memory_space<vmem_shared>>) dst(%dma_wait3A_504 : memref<16x128xf32, #tpu.memory_space<hbm>>)
          tpu.yield
        }) : () -> ()
      } else {
      }
    } else {
    }
    %eq3A_471 = arith.constant 0 : i32
    %eq3A_472 = arith.cmpi eq, %arg0, %eq3A_471 : i32
    %eq3A_473 = arith.constant 0 : i32
    %eq3A_474 = arith.cmpi eq, %arg1, %eq3A_473 : i32
    %and3A_475 = arith.andi %eq3A_472, %eq3A_474 : i1
    %convert_element_type3A_476 = arith.extui %and3A_475 : i1 to i32
    %cond3A_477 = arith.constant 0 : i32
    %cond3A_478 = arith.cmpi ne, %convert_element_type3A_476, %cond3A_477 : i32
    scf.if %cond3A_478 {
      "tpu.region"() ({
        %run_scoped3A = tpu.sem_alloc : memref<!tpu.dma_semaphore, #tpu.memory_space<semaphore_mem>>
        tpu.enqueue_dma source(%arg18 : memref<10256xf32, #tpu.memory_space<vmem_shared>>) target(%arg8 : memref<10256xf32, #tpu.memory_space<hbm>>) target_semaphore(%run_scoped3A : memref<!tpu.dma_semaphore, #tpu.memory_space<semaphore_mem>>)
        tpu.wait_dma2 semaphore(%run_scoped3A : memref<!tpu.dma_semaphore, #tpu.memory_space<semaphore_mem>>) src(%arg18 : memref<10256xf32, #tpu.memory_space<vmem_shared>>) dst(%arg8 : memref<10256xf32, #tpu.memory_space<hbm>>)
        tpu.yield
      }) : () -> ()
    } else {
    }
    %eq3A_479 = arith.constant 1 : i32
    %eq3A_480 = arith.cmpi eq, %arg0, %eq3A_479 : i32
    %eq3A_481 = arith.constant 0 : i32
    %eq3A_482 = arith.cmpi eq, %arg1, %eq3A_481 : i32
    %and3A_483 = arith.andi %eq3A_480, %eq3A_482 : i1
    %convert_element_type3A_484 = arith.extui %and3A_483 : i1 to i32
    %cond3A_485 = arith.constant 0 : i32
    %cond3A_486 = arith.cmpi ne, %convert_element_type3A_484, %cond3A_485 : i32
    scf.if %cond3A_486 {
      "tpu.region"() ({
        %run_scoped3A = tpu.sem_alloc : memref<!tpu.dma_semaphore, #tpu.memory_space<semaphore_mem>>
        tpu.enqueue_dma source(%arg18 : memref<10256xf32, #tpu.memory_space<vmem_shared>>) target(%arg9 : memref<10256xf32, #tpu.memory_space<hbm>>) target_semaphore(%run_scoped3A : memref<!tpu.dma_semaphore, #tpu.memory_space<semaphore_mem>>)
        tpu.wait_dma2 semaphore(%run_scoped3A : memref<!tpu.dma_semaphore, #tpu.memory_space<semaphore_mem>>) src(%arg18 : memref<10256xf32, #tpu.memory_space<vmem_shared>>) dst(%arg9 : memref<10256xf32, #tpu.memory_space<hbm>>)
        tpu.yield
      }) : () -> ()
    } else {
    }
    return
  }
}

#map = affine_map<(d0, d1) -> (0, 0)>
#map1 = affine_map<(d0, d1) -> (0, 0, 0)>
module attributes {stable_mosaic.version = 14 : i64} {
  func.func @_sc_agg_body(%arg0: i32, %arg1: i32, %arg2: memref<10000x128xf32, #tpu.memory_space<hbm>>, %arg3: memref<32x80x128xi32, #tpu.memory_space<hbm>>, %arg4: memref<10256x128xf32, #tpu.memory_space<hbm>>, %arg5: memref<10000x128xf32, #tpu.memory_space<hbm>>, %arg6: memref<10000x128xf32, #tpu.memory_space<hbm>>, %arg7: memref<80x128xi32, #tpu.memory_space<vmem>>, %arg8: memref<128xi32, #tpu.memory_space<vmem>>, %arg9: memref<128xi32, #tpu.memory_space<vmem>>, %arg10: memref<128xi32, #tpu.memory_space<vmem>>, %arg11: memref<128x128xf32, #tpu.memory_space<vmem>>, %arg12: memref<128x128xf32, #tpu.memory_space<vmem>>, %arg13: memref<10256x128xf32, #tpu.memory_space<vmem_shared>>, %arg14: memref<!tpu.dma_semaphore, #tpu.memory_space<semaphore_mem>>, %arg15: memref<!tpu.dma_semaphore, #tpu.memory_space<semaphore_mem>>) attributes {dimension_semantics = [#tpu.dimension_semantics<core_parallel>, #tpu.dimension_semantics<subcore_parallel>], iteration_bounds = array<i64: 2, 16>, scalar_prefetch = 0 : i64, scratch_operands = 9 : i64, tpu.core_type = #tpu.core_type<sc_vector_subcore>, window_params = [{transform_indices = #map}, {transform_indices = #map1}, {transform_indices = #map}, {transform_indices = #map}, {transform_indices = #map}]} {
    %mul3A = arith.constant 16 : i32
    %mul3A_0 = arith.muli %arg0, %mul3A : i32
    %add3A = arith.addi %mul3A_0, %arg1 : i32
    %mul3A_1 = arith.constant 624 : i32
    %mul3A_2 = arith.muli %arg1, %mul3A_1 : i32
    %mul3A_3 = arith.constant 624 : i32
    %mul3A_4 = arith.muli %arg1, %mul3A_3 : i32
    "tpu.region"() ({
      %run_scoped3A = tpu.sem_alloc : memref<!tpu.dma_semaphore, #tpu.memory_space<semaphore_mem>>
      %dma_start3A_419 = arith.constant 0 : i32
      %dma_start3A_420 = tpu.memref_slice %arg13[%mul3A_4, %dma_start3A_419] : memref<10256x128xf32, #tpu.memory_space<vmem_shared>> -> memref<624x128xf32, #tpu.memory_space<vmem_shared>>
      %dma_start3A_421 = arith.constant 0 : i32
      %dma_start3A_422 = tpu.memref_slice %arg4[%mul3A_2, %dma_start3A_421] : memref<10256x128xf32, #tpu.memory_space<hbm>> -> memref<624x128xf32, #tpu.memory_space<hbm>>
      tpu.enqueue_dma source(%dma_start3A_422 : memref<624x128xf32, #tpu.memory_space<hbm>>) target(%dma_start3A_420 : memref<624x128xf32, #tpu.memory_space<vmem_shared>>) target_semaphore(%run_scoped3A : memref<!tpu.dma_semaphore, #tpu.memory_space<semaphore_mem>>)
      %dma_wait3A_423 = arith.constant 0 : i32
      %dma_wait3A_424 = tpu.memref_slice %arg13[%mul3A_4, %dma_wait3A_423] : memref<10256x128xf32, #tpu.memory_space<vmem_shared>> -> memref<624x128xf32, #tpu.memory_space<vmem_shared>>
      %dma_wait3A_425 = arith.constant 0 : i32
      %dma_wait3A_426 = tpu.memref_slice %arg4[%mul3A_2, %dma_wait3A_425] : memref<10256x128xf32, #tpu.memory_space<hbm>> -> memref<624x128xf32, #tpu.memory_space<hbm>>
      tpu.wait_dma2 semaphore(%run_scoped3A : memref<!tpu.dma_semaphore, #tpu.memory_space<semaphore_mem>>) src(%dma_wait3A_426 : memref<624x128xf32, #tpu.memory_space<hbm>>) dst(%dma_wait3A_424 : memref<624x128xf32, #tpu.memory_space<vmem_shared>>)
      tpu.yield
    }) : () -> ()
    %eq3A = arith.constant 15 : i32
    %eq3A_5 = arith.cmpi eq, %arg1, %eq3A : i32
    %convert_element_type3A = arith.extui %eq3A_5 : i1 to i32
    %cond3A = arith.constant 0 : i32
    %cond3A_6 = arith.cmpi ne, %convert_element_type3A, %cond3A : i32
    scf.if %cond3A_6 {
      "tpu.region"() ({
        %run_scoped3A = tpu.sem_alloc : memref<!tpu.dma_semaphore, #tpu.memory_space<semaphore_mem>>
        %dma_start3A_419 = arith.constant 9984 : i32
        %dma_start3A_420 = arith.constant 0 : i32
        %dma_start3A_421 = tpu.memref_slice %arg13[%dma_start3A_419, %dma_start3A_420] : memref<10256x128xf32, #tpu.memory_space<vmem_shared>> -> memref<272x128xf32, #tpu.memory_space<vmem_shared>>
        %dma_start3A_422 = arith.constant 9984 : i32
        %dma_start3A_423 = arith.constant 0 : i32
        %dma_start3A_424 = tpu.memref_slice %arg4[%dma_start3A_422, %dma_start3A_423] : memref<10256x128xf32, #tpu.memory_space<hbm>> -> memref<272x128xf32, #tpu.memory_space<hbm>>
        tpu.enqueue_dma source(%dma_start3A_424 : memref<272x128xf32, #tpu.memory_space<hbm>>) target(%dma_start3A_421 : memref<272x128xf32, #tpu.memory_space<vmem_shared>>) target_semaphore(%run_scoped3A : memref<!tpu.dma_semaphore, #tpu.memory_space<semaphore_mem>>)
        %dma_wait3A_425 = arith.constant 9984 : i32
        %dma_wait3A_426 = arith.constant 0 : i32
        %dma_wait3A_427 = tpu.memref_slice %arg13[%dma_wait3A_425, %dma_wait3A_426] : memref<10256x128xf32, #tpu.memory_space<vmem_shared>> -> memref<272x128xf32, #tpu.memory_space<vmem_shared>>
        %dma_wait3A_428 = arith.constant 9984 : i32
        %dma_wait3A_429 = arith.constant 0 : i32
        %dma_wait3A_430 = tpu.memref_slice %arg4[%dma_wait3A_428, %dma_wait3A_429] : memref<10256x128xf32, #tpu.memory_space<hbm>> -> memref<272x128xf32, #tpu.memory_space<hbm>>
        tpu.wait_dma2 semaphore(%run_scoped3A : memref<!tpu.dma_semaphore, #tpu.memory_space<semaphore_mem>>) src(%dma_wait3A_430 : memref<272x128xf32, #tpu.memory_space<hbm>>) dst(%dma_wait3A_427 : memref<272x128xf32, #tpu.memory_space<vmem_shared>>)
        tpu.yield
      }) : () -> ()
    } else {
    }
    "tpu.region"() ({
      %run_scoped3A = tpu.sem_alloc : memref<!tpu.dma_semaphore, #tpu.memory_space<semaphore_mem>>
      %dma_start3A_419 = arith.constant 0 : i32
      %dma_start3A_420 = arith.constant 0 : i32
      %dma_start3A_421 = tpu.memref_slice %arg3[%add3A, %dma_start3A_419, %dma_start3A_420] : memref<32x80x128xi32, #tpu.memory_space<hbm>> -> memref<1x80x128xi32, #tpu.memory_space<hbm>>
      %dma_start3A_422 = tpu.memref_squeeze %dma_start3A_421 : memref<1x80x128xi32, #tpu.memory_space<hbm>> -> memref<80x128xi32, #tpu.memory_space<hbm>>
      %dma_start3A_423 = arith.constant 0 : i32
      %dma_start3A_424 = arith.constant 0 : i32
      %dma_start3A_425 = tpu.memref_slice %arg3[%add3A, %dma_start3A_423, %dma_start3A_424] : memref<32x80x128xi32, #tpu.memory_space<hbm>> -> memref<1x80x128xi32, #tpu.memory_space<hbm>>
      %dma_start3A_426 = tpu.memref_squeeze %dma_start3A_425 : memref<1x80x128xi32, #tpu.memory_space<hbm>> -> memref<80x128xi32, #tpu.memory_space<hbm>>
      tpu.enqueue_dma source(%dma_start3A_426 : memref<80x128xi32, #tpu.memory_space<hbm>>) target(%arg7 : memref<80x128xi32, #tpu.memory_space<vmem>>) target_semaphore(%run_scoped3A : memref<!tpu.dma_semaphore, #tpu.memory_space<semaphore_mem>>)
      %dma_wait3A_427 = arith.constant 0 : i32
      %dma_wait3A_428 = arith.constant 0 : i32
      %dma_wait3A_429 = tpu.memref_slice %arg3[%add3A, %dma_wait3A_427, %dma_wait3A_428] : memref<32x80x128xi32, #tpu.memory_space<hbm>> -> memref<1x80x128xi32, #tpu.memory_space<hbm>>
      %dma_wait3A_430 = tpu.memref_squeeze %dma_wait3A_429 : memref<1x80x128xi32, #tpu.memory_space<hbm>> -> memref<80x128xi32, #tpu.memory_space<hbm>>
      %dma_wait3A_431 = arith.constant 0 : i32
      %dma_wait3A_432 = arith.constant 0 : i32
      %dma_wait3A_433 = tpu.memref_slice %arg3[%add3A, %dma_wait3A_431, %dma_wait3A_432] : memref<32x80x128xi32, #tpu.memory_space<hbm>> -> memref<1x80x128xi32, #tpu.memory_space<hbm>>
      %dma_wait3A_434 = tpu.memref_squeeze %dma_wait3A_433 : memref<1x80x128xi32, #tpu.memory_space<hbm>> -> memref<80x128xi32, #tpu.memory_space<hbm>>
      tpu.wait_dma2 semaphore(%run_scoped3A : memref<!tpu.dma_semaphore, #tpu.memory_space<semaphore_mem>>) src(%dma_wait3A_434 : memref<80x128xi32, #tpu.memory_space<hbm>>) dst(%arg7 : memref<80x128xi32, #tpu.memory_space<vmem>>)
      tpu.yield
    }) : () -> ()
    %get3A = arith.constant 0 : i32
    %get3A_7 = arith.index_cast %get3A : i32 to index
    %get3A_8 = arith.constant 0 : index
    %get3A_9 = tpu.vector_load %arg7[%get3A_7, %get3A_8] {strides = array<i32>} : memref<80x128xi32, #tpu.memory_space<vmem>>, vector<1x16xi32>,
    %get3A_10 = vector.shape_cast %get3A_9 : vector<1x16xi32> to vector<16xi32>
    %and3A = arith.constant 65535 : i32
    %and3A_11 = vector.broadcast %and3A : i32 to vector<16xi32>
    %and3A_12 = arith.andi %get3A_10, %and3A_11 : vector<16xi32>
    %swap3A = arith.constant 0 : index
    %swap3A_13 = tpu.vector_load %arg8[%swap3A] {strides = array<i32>} : memref<128xi32, #tpu.memory_space<vmem>>, vector<16xi32>,
    %swap3A_14 = vector.shape_cast %swap3A_13 : vector<16xi32> to vector<16xi32>
    %swap3A_15 = vector.shape_cast %and3A_12 : vector<16xi32> to vector<16xi32>
    tpu.vector_store %arg8[%swap3A], %swap3A_15 {strides = array<i32>} : memref<128xi32, #tpu.memory_space<vmem>>, vector<16xi32>,
    %get3A_16 = arith.constant 0 : i32
    %get3A_17 = arith.index_cast %get3A_16 : i32 to index
    %get3A_18 = arith.constant 16 : index
    %get3A_19 = tpu.vector_load %arg7[%get3A_17, %get3A_18] {strides = array<i32>} : memref<80x128xi32, #tpu.memory_space<vmem>>, vector<1x16xi32>,
    %get3A_20 = vector.shape_cast %get3A_19 : vector<1x16xi32> to vector<16xi32>
    %and3A_21 = arith.constant 65535 : i32
    %and3A_22 = vector.broadcast %and3A_21 : i32 to vector<16xi32>
    %and3A_23 = arith.andi %get3A_20, %and3A_22 : vector<16xi32>
    %swap3A_24 = arith.constant 16 : index
    %swap3A_25 = tpu.vector_load %arg8[%swap3A_24] {strides = array<i32>} : memref<128xi32, #tpu.memory_space<vmem>>, vector<16xi32>,
    %swap3A_26 = vector.shape_cast %swap3A_25 : vector<16xi32> to vector<16xi32>
    %swap3A_27 = vector.shape_cast %and3A_23 : vector<16xi32> to vector<16xi32>
    tpu.vector_store %arg8[%swap3A_24], %swap3A_27 {strides = array<i32>} : memref<128xi32, #tpu.memory_space<vmem>>, vector<16xi32>,
    %get3A_28 = arith.constant 0 : i32
    %get3A_29 = arith.index_cast %get3A_28 : i32 to index
    %get3A_30 = arith.constant 32 : index
    %get3A_31 = tpu.vector_load %arg7[%get3A_29, %get3A_30] {strides = array<i32>} : memref<80x128xi32, #tpu.memory_space<vmem>>, vector<1x16xi32>,
    %get3A_32 = vector.shape_cast %get3A_31 : vector<1x16xi32> to vector<16xi32>
    %and3A_33 = arith.constant 65535 : i32
    %and3A_34 = vector.broadcast %and3A_33 : i32 to vector<16xi32>
    %and3A_35 = arith.andi %get3A_32, %and3A_34 : vector<16xi32>
    %swap3A_36 = arith.constant 32 : index
    %swap3A_37 = tpu.vector_load %arg8[%swap3A_36] {strides = array<i32>} : memref<128xi32, #tpu.memory_space<vmem>>, vector<16xi32>,
    %swap3A_38 = vector.shape_cast %swap3A_37 : vector<16xi32> to vector<16xi32>
    %swap3A_39 = vector.shape_cast %and3A_35 : vector<16xi32> to vector<16xi32>
    tpu.vector_store %arg8[%swap3A_36], %swap3A_39 {strides = array<i32>} : memref<128xi32, #tpu.memory_space<vmem>>, vector<16xi32>,
    %get3A_40 = arith.constant 0 : i32
    %get3A_41 = arith.index_cast %get3A_40 : i32 to index
    %get3A_42 = arith.constant 48 : index
    %get3A_43 = tpu.vector_load %arg7[%get3A_41, %get3A_42] {strides = array<i32>} : memref<80x128xi32, #tpu.memory_space<vmem>>, vector<1x16xi32>,
    %get3A_44 = vector.shape_cast %get3A_43 : vector<1x16xi32> to vector<16xi32>
    %and3A_45 = arith.constant 65535 : i32
    %and3A_46 = vector.broadcast %and3A_45 : i32 to vector<16xi32>
    %and3A_47 = arith.andi %get3A_44, %and3A_46 : vector<16xi32>
    %swap3A_48 = arith.constant 48 : index
    %swap3A_49 = tpu.vector_load %arg8[%swap3A_48] {strides = array<i32>} : memref<128xi32, #tpu.memory_space<vmem>>, vector<16xi32>,
    %swap3A_50 = vector.shape_cast %swap3A_49 : vector<16xi32> to vector<16xi32>
    %swap3A_51 = vector.shape_cast %and3A_47 : vector<16xi32> to vector<16xi32>
    tpu.vector_store %arg8[%swap3A_48], %swap3A_51 {strides = array<i32>} : memref<128xi32, #tpu.memory_space<vmem>>, vector<16xi32>,
    %get3A_52 = arith.constant 0 : i32
    %get3A_53 = arith.index_cast %get3A_52 : i32 to index
    %get3A_54 = arith.constant 64 : index
    %get3A_55 = tpu.vector_load %arg7[%get3A_53, %get3A_54] {strides = array<i32>} : memref<80x128xi32, #tpu.memory_space<vmem>>, vector<1x16xi32>,
    %get3A_56 = vector.shape_cast %get3A_55 : vector<1x16xi32> to vector<16xi32>
    %and3A_57 = arith.constant 65535 : i32
    %and3A_58 = vector.broadcast %and3A_57 : i32 to vector<16xi32>
    %and3A_59 = arith.andi %get3A_56, %and3A_58 : vector<16xi32>
    %swap3A_60 = arith.constant 64 : index
    %swap3A_61 = tpu.vector_load %arg8[%swap3A_60] {strides = array<i32>} : memref<128xi32, #tpu.memory_space<vmem>>, vector<16xi32>,
    %swap3A_62 = vector.shape_cast %swap3A_61 : vector<16xi32> to vector<16xi32>
    %swap3A_63 = vector.shape_cast %and3A_59 : vector<16xi32> to vector<16xi32>
    tpu.vector_store %arg8[%swap3A_60], %swap3A_63 {strides = array<i32>} : memref<128xi32, #tpu.memory_space<vmem>>, vector<16xi32>,
    %get3A_64 = arith.constant 0 : i32
    %get3A_65 = arith.index_cast %get3A_64 : i32 to index
    %get3A_66 = arith.constant 80 : index
    %get3A_67 = tpu.vector_load %arg7[%get3A_65, %get3A_66] {strides = array<i32>} : memref<80x128xi32, #tpu.memory_space<vmem>>, vector<1x16xi32>,
    %get3A_68 = vector.shape_cast %get3A_67 : vector<1x16xi32> to vector<16xi32>
    %and3A_69 = arith.constant 65535 : i32
    %and3A_70 = vector.broadcast %and3A_69 : i32 to vector<16xi32>
    %and3A_71 = arith.andi %get3A_68, %and3A_70 : vector<16xi32>
    %swap3A_72 = arith.constant 80 : index
    %swap3A_73 = tpu.vector_load %arg8[%swap3A_72] {strides = array<i32>} : memref<128xi32, #tpu.memory_space<vmem>>, vector<16xi32>,
    %swap3A_74 = vector.shape_cast %swap3A_73 : vector<16xi32> to vector<16xi32>
    %swap3A_75 = vector.shape_cast %and3A_71 : vector<16xi32> to vector<16xi32>
    tpu.vector_store %arg8[%swap3A_72], %swap3A_75 {strides = array<i32>} : memref<128xi32, #tpu.memory_space<vmem>>, vector<16xi32>,
    %get3A_76 = arith.constant 0 : i32
    %get3A_77 = arith.index_cast %get3A_76 : i32 to index
    %get3A_78 = arith.constant 96 : index
    %get3A_79 = tpu.vector_load %arg7[%get3A_77, %get3A_78] {strides = array<i32>} : memref<80x128xi32, #tpu.memory_space<vmem>>, vector<1x16xi32>,
    %get3A_80 = vector.shape_cast %get3A_79 : vector<1x16xi32> to vector<16xi32>
    %and3A_81 = arith.constant 65535 : i32
    %and3A_82 = vector.broadcast %and3A_81 : i32 to vector<16xi32>
    %and3A_83 = arith.andi %get3A_80, %and3A_82 : vector<16xi32>
    %swap3A_84 = arith.constant 96 : index
    %swap3A_85 = tpu.vector_load %arg8[%swap3A_84] {strides = array<i32>} : memref<128xi32, #tpu.memory_space<vmem>>, vector<16xi32>,
    %swap3A_86 = vector.shape_cast %swap3A_85 : vector<16xi32> to vector<16xi32>
    %swap3A_87 = vector.shape_cast %and3A_83 : vector<16xi32> to vector<16xi32>
    tpu.vector_store %arg8[%swap3A_84], %swap3A_87 {strides = array<i32>} : memref<128xi32, #tpu.memory_space<vmem>>, vector<16xi32>,
    %get3A_88 = arith.constant 0 : i32
    %get3A_89 = arith.index_cast %get3A_88 : i32 to index
    %get3A_90 = arith.constant 112 : index
    %get3A_91 = tpu.vector_load %arg7[%get3A_89, %get3A_90] {strides = array<i32>} : memref<80x128xi32, #tpu.memory_space<vmem>>, vector<1x16xi32>,
    %get3A_92 = vector.shape_cast %get3A_91 : vector<1x16xi32> to vector<16xi32>
    %and3A_93 = arith.constant 65535 : i32
    %and3A_94 = vector.broadcast %and3A_93 : i32 to vector<16xi32>
    %and3A_95 = arith.andi %get3A_92, %and3A_94 : vector<16xi32>
    %swap3A_96 = arith.constant 112 : index
    %swap3A_97 = tpu.vector_load %arg8[%swap3A_96] {strides = array<i32>} : memref<128xi32, #tpu.memory_space<vmem>>, vector<16xi32>,
    %swap3A_98 = vector.shape_cast %swap3A_97 : vector<16xi32> to vector<16xi32>
    %swap3A_99 = vector.shape_cast %and3A_95 : vector<16xi32> to vector<16xi32>
    tpu.vector_store %arg8[%swap3A_96], %swap3A_99 {strides = array<i32>} : memref<128xi32, #tpu.memory_space<vmem>>, vector<16xi32>,
    %get3A_100 = arith.constant 1 : i32
    %get3A_101 = arith.index_cast %get3A_100 : i32 to index
    %get3A_102 = arith.constant 0 : index
    %get3A_103 = tpu.vector_load %arg7[%get3A_101, %get3A_102] {strides = array<i32>} : memref<80x128xi32, #tpu.memory_space<vmem>>, vector<1x16xi32>,
    %get3A_104 = vector.shape_cast %get3A_103 : vector<1x16xi32> to vector<16xi32>
    %and3A_105 = arith.constant 65535 : i32
    %and3A_106 = vector.broadcast %and3A_105 : i32 to vector<16xi32>
    %and3A_107 = arith.andi %get3A_104, %and3A_106 : vector<16xi32>
    %swap3A_108 = arith.constant 0 : index
    %swap3A_109 = tpu.vector_load %arg9[%swap3A_108] {strides = array<i32>} : memref<128xi32, #tpu.memory_space<vmem>>, vector<16xi32>,
    %swap3A_110 = vector.shape_cast %swap3A_109 : vector<16xi32> to vector<16xi32>
    %swap3A_111 = vector.shape_cast %and3A_107 : vector<16xi32> to vector<16xi32>
    tpu.vector_store %arg9[%swap3A_108], %swap3A_111 {strides = array<i32>} : memref<128xi32, #tpu.memory_space<vmem>>, vector<16xi32>,
    %get3A_112 = arith.constant 1 : i32
    %get3A_113 = arith.index_cast %get3A_112 : i32 to index
    %get3A_114 = arith.constant 16 : index
    %get3A_115 = tpu.vector_load %arg7[%get3A_113, %get3A_114] {strides = array<i32>} : memref<80x128xi32, #tpu.memory_space<vmem>>, vector<1x16xi32>,
    %get3A_116 = vector.shape_cast %get3A_115 : vector<1x16xi32> to vector<16xi32>
    %and3A_117 = arith.constant 65535 : i32
    %and3A_118 = vector.broadcast %and3A_117 : i32 to vector<16xi32>
    %and3A_119 = arith.andi %get3A_116, %and3A_118 : vector<16xi32>
    %swap3A_120 = arith.constant 16 : index
    %swap3A_121 = tpu.vector_load %arg9[%swap3A_120] {strides = array<i32>} : memref<128xi32, #tpu.memory_space<vmem>>, vector<16xi32>,
    %swap3A_122 = vector.shape_cast %swap3A_121 : vector<16xi32> to vector<16xi32>
    %swap3A_123 = vector.shape_cast %and3A_119 : vector<16xi32> to vector<16xi32>
    tpu.vector_store %arg9[%swap3A_120], %swap3A_123 {strides = array<i32>} : memref<128xi32, #tpu.memory_space<vmem>>, vector<16xi32>,
    %get3A_124 = arith.constant 1 : i32
    %get3A_125 = arith.index_cast %get3A_124 : i32 to index
    %get3A_126 = arith.constant 32 : index
    %get3A_127 = tpu.vector_load %arg7[%get3A_125, %get3A_126] {strides = array<i32>} : memref<80x128xi32, #tpu.memory_space<vmem>>, vector<1x16xi32>,
    %get3A_128 = vector.shape_cast %get3A_127 : vector<1x16xi32> to vector<16xi32>
    %and3A_129 = arith.constant 65535 : i32
    %and3A_130 = vector.broadcast %and3A_129 : i32 to vector<16xi32>
    %and3A_131 = arith.andi %get3A_128, %and3A_130 : vector<16xi32>
    %swap3A_132 = arith.constant 32 : index
    %swap3A_133 = tpu.vector_load %arg9[%swap3A_132] {strides = array<i32>} : memref<128xi32, #tpu.memory_space<vmem>>, vector<16xi32>,
    %swap3A_134 = vector.shape_cast %swap3A_133 : vector<16xi32> to vector<16xi32>
    %swap3A_135 = vector.shape_cast %and3A_131 : vector<16xi32> to vector<16xi32>
    tpu.vector_store %arg9[%swap3A_132], %swap3A_135 {strides = array<i32>} : memref<128xi32, #tpu.memory_space<vmem>>, vector<16xi32>,
    %get3A_136 = arith.constant 1 : i32
    %get3A_137 = arith.index_cast %get3A_136 : i32 to index
    %get3A_138 = arith.constant 48 : index
    %get3A_139 = tpu.vector_load %arg7[%get3A_137, %get3A_138] {strides = array<i32>} : memref<80x128xi32, #tpu.memory_space<vmem>>, vector<1x16xi32>,
    %get3A_140 = vector.shape_cast %get3A_139 : vector<1x16xi32> to vector<16xi32>
    %and3A_141 = arith.constant 65535 : i32
    %and3A_142 = vector.broadcast %and3A_141 : i32 to vector<16xi32>
    %and3A_143 = arith.andi %get3A_140, %and3A_142 : vector<16xi32>
    %swap3A_144 = arith.constant 48 : index
    %swap3A_145 = tpu.vector_load %arg9[%swap3A_144] {strides = array<i32>} : memref<128xi32, #tpu.memory_space<vmem>>, vector<16xi32>,
    %swap3A_146 = vector.shape_cast %swap3A_145 : vector<16xi32> to vector<16xi32>
    %swap3A_147 = vector.shape_cast %and3A_143 : vector<16xi32> to vector<16xi32>
    tpu.vector_store %arg9[%swap3A_144], %swap3A_147 {strides = array<i32>} : memref<128xi32, #tpu.memory_space<vmem>>, vector<16xi32>,
    %get3A_148 = arith.constant 1 : i32
    %get3A_149 = arith.index_cast %get3A_148 : i32 to index
    %get3A_150 = arith.constant 64 : index
    %get3A_151 = tpu.vector_load %arg7[%get3A_149, %get3A_150] {strides = array<i32>} : memref<80x128xi32, #tpu.memory_space<vmem>>, vector<1x16xi32>,
    %get3A_152 = vector.shape_cast %get3A_151 : vector<1x16xi32> to vector<16xi32>
    %and3A_153 = arith.constant 65535 : i32
    %and3A_154 = vector.broadcast %and3A_153 : i32 to vector<16xi32>
    %and3A_155 = arith.andi %get3A_152, %and3A_154 : vector<16xi32>
    %swap3A_156 = arith.constant 64 : index
    %swap3A_157 = tpu.vector_load %arg9[%swap3A_156] {strides = array<i32>} : memref<128xi32, #tpu.memory_space<vmem>>, vector<16xi32>,
    %swap3A_158 = vector.shape_cast %swap3A_157 : vector<16xi32> to vector<16xi32>
    %swap3A_159 = vector.shape_cast %and3A_155 : vector<16xi32> to vector<16xi32>
    tpu.vector_store %arg9[%swap3A_156], %swap3A_159 {strides = array<i32>} : memref<128xi32, #tpu.memory_space<vmem>>, vector<16xi32>,
    %get3A_160 = arith.constant 1 : i32
    %get3A_161 = arith.index_cast %get3A_160 : i32 to index
    %get3A_162 = arith.constant 80 : index
    %get3A_163 = tpu.vector_load %arg7[%get3A_161, %get3A_162] {strides = array<i32>} : memref<80x128xi32, #tpu.memory_space<vmem>>, vector<1x16xi32>,
    %get3A_164 = vector.shape_cast %get3A_163 : vector<1x16xi32> to vector<16xi32>
    %and3A_165 = arith.constant 65535 : i32
    %and3A_166 = vector.broadcast %and3A_165 : i32 to vector<16xi32>
    %and3A_167 = arith.andi %get3A_164, %and3A_166 : vector<16xi32>
    %swap3A_168 = arith.constant 80 : index
    %swap3A_169 = tpu.vector_load %arg9[%swap3A_168] {strides = array<i32>} : memref<128xi32, #tpu.memory_space<vmem>>, vector<16xi32>,
    %swap3A_170 = vector.shape_cast %swap3A_169 : vector<16xi32> to vector<16xi32>
    %swap3A_171 = vector.shape_cast %and3A_167 : vector<16xi32> to vector<16xi32>
    tpu.vector_store %arg9[%swap3A_168], %swap3A_171 {strides = array<i32>} : memref<128xi32, #tpu.memory_space<vmem>>, vector<16xi32>,
    %get3A_172 = arith.constant 1 : i32
    %get3A_173 = arith.index_cast %get3A_172 : i32 to index
    %get3A_174 = arith.constant 96 : index
    %get3A_175 = tpu.vector_load %arg7[%get3A_173, %get3A_174] {strides = array<i32>} : memref<80x128xi32, #tpu.memory_space<vmem>>, vector<1x16xi32>,
    %get3A_176 = vector.shape_cast %get3A_175 : vector<1x16xi32> to vector<16xi32>
    %and3A_177 = arith.constant 65535 : i32
    %and3A_178 = vector.broadcast %and3A_177 : i32 to vector<16xi32>
    %and3A_179 = arith.andi %get3A_176, %and3A_178 : vector<16xi32>
    %swap3A_180 = arith.constant 96 : index
    %swap3A_181 = tpu.vector_load %arg9[%swap3A_180] {strides = array<i32>} : memref<128xi32, #tpu.memory_space<vmem>>, vector<16xi32>,
    %swap3A_182 = vector.shape_cast %swap3A_181 : vector<16xi32> to vector<16xi32>
    %swap3A_183 = vector.shape_cast %and3A_179 : vector<16xi32> to vector<16xi32>
    tpu.vector_store %arg9[%swap3A_180], %swap3A_183 {strides = array<i32>} : memref<128xi32, #tpu.memory_space<vmem>>, vector<16xi32>,
    %get3A_184 = arith.constant 1 : i32
    %get3A_185 = arith.index_cast %get3A_184 : i32 to index
    %get3A_186 = arith.constant 112 : index
    %get3A_187 = tpu.vector_load %arg7[%get3A_185, %get3A_186] {strides = array<i32>} : memref<80x128xi32, #tpu.memory_space<vmem>>, vector<1x16xi32>,
    %get3A_188 = vector.shape_cast %get3A_187 : vector<1x16xi32> to vector<16xi32>
    %and3A_189 = arith.constant 65535 : i32
    %and3A_190 = vector.broadcast %and3A_189 : i32 to vector<16xi32>
    %and3A_191 = arith.andi %get3A_188, %and3A_190 : vector<16xi32>
    %swap3A_192 = arith.constant 112 : index
    %swap3A_193 = tpu.vector_load %arg9[%swap3A_192] {strides = array<i32>} : memref<128xi32, #tpu.memory_space<vmem>>, vector<16xi32>,
    %swap3A_194 = vector.shape_cast %swap3A_193 : vector<16xi32> to vector<16xi32>
    %swap3A_195 = vector.shape_cast %and3A_191 : vector<16xi32> to vector<16xi32>
    tpu.vector_store %arg9[%swap3A_192], %swap3A_195 {strides = array<i32>} : memref<128xi32, #tpu.memory_space<vmem>>, vector<16xi32>,
    %dma_start3A = arith.constant 0 : i32
    %dma_start3A_196 = arith.constant 0 : i32
    %dma_start3A_197 = tpu.memref_slice %arg2[%dma_start3A, %dma_start3A_196] : memref<10000x128xf32, #tpu.memory_space<hbm>> -> memref<10000x128xf32, #tpu.memory_space<hbm>>
    tpu.enqueue_indirect_dma source(%dma_start3A_197 : memref<10000x128xf32, #tpu.memory_space<hbm>>) target(%arg11 : memref<128x128xf32, #tpu.memory_space<vmem>>) offsets(%arg8 : memref<128xi32, #tpu.memory_space<vmem>>) semaphore(%arg14 : memref<!tpu.dma_semaphore, #tpu.memory_space<semaphore_mem>>)
    %dma_start3A_198 = arith.constant 0 : i32
    %dma_start3A_199 = arith.constant 0 : i32
    %dma_start3A_200 = tpu.memref_slice %arg2[%dma_start3A_198, %dma_start3A_199] : memref<10000x128xf32, #tpu.memory_space<hbm>> -> memref<10000x128xf32, #tpu.memory_space<hbm>>
    tpu.enqueue_indirect_dma source(%dma_start3A_200 : memref<10000x128xf32, #tpu.memory_space<hbm>>) target(%arg12 : memref<128x128xf32, #tpu.memory_space<vmem>>) offsets(%arg9 : memref<128xi32, #tpu.memory_space<vmem>>) semaphore(%arg15 : memref<!tpu.dma_semaphore, #tpu.memory_space<semaphore_mem>>)
    %barrier3A = arith.constant 0 : index
    tpu.barrier barrier_id(%barrier3A)
    %scan3A = arith.constant 0 : i32
    %scan3A_201 = arith.constant 0 : i32
    %scan3A_202 = arith.constant 39 : i32
    %scan3A_203 = arith.addi %scan3A_201, %scan3A_202 : i32
    %scan3A_204 = arith.constant 1 : i32
    scf.for %scan3A_419 = %scan3A_201 to %scan3A_203 step %scan3A_204  : i32 {
      %mul3A_420 = arith.constant 2 : i32
      %mul3A_421 = arith.muli %mul3A_420, %scan3A_419 : i32
      %dma_wait3A_422 = arith.constant 0 : i32
      %dma_wait3A_423 = arith.constant 0 : i32
      %dma_wait3A_424 = tpu.memref_slice %arg2[%dma_wait3A_422, %dma_wait3A_423] : memref<10000x128xf32, #tpu.memory_space<hbm>> -> memref<128x128xf32, #tpu.memory_space<hbm>>
      %dma_wait3A_425 = arith.constant 0 : i32
      %dma_wait3A_426 = arith.constant 0 : i32
      %dma_wait3A_427 = tpu.memref_slice %arg2[%dma_wait3A_425, %dma_wait3A_426] : memref<10000x128xf32, #tpu.memory_space<hbm>> -> memref<128x128xf32, #tpu.memory_space<hbm>>
      tpu.wait_dma2 semaphore(%arg14 : memref<!tpu.dma_semaphore, #tpu.memory_space<semaphore_mem>>) src(%dma_wait3A_427 : memref<128x128xf32, #tpu.memory_space<hbm>>) dst(%arg11 : memref<128x128xf32, #tpu.memory_space<vmem>>)
      %get3A_428 = arith.index_cast %mul3A_421 : i32 to index
      %get3A_429 = arith.constant 0 : index
      %get3A_430 = tpu.vector_load %arg7[%get3A_428, %get3A_429] {strides = array<i32>} : memref<80x128xi32, #tpu.memory_space<vmem>>, vector<1x16xi32>,
      %get3A_431 = vector.shape_cast %get3A_430 : vector<1x16xi32> to vector<16xi32>
      %shift_right_logical3A_432 = arith.constant 16 : i32
      %shift_right_logical3A_433 = vector.broadcast %shift_right_logical3A_432 : i32 to vector<16xi32>
      %shift_right_logical3A_434 = arith.shrui %get3A_431, %shift_right_logical3A_433 : vector<16xi32>
      %swap3A_435 = arith.constant 0 : index
      %swap3A_436 = tpu.vector_load %arg10[%swap3A_435] {strides = array<i32>} : memref<128xi32, #tpu.memory_space<vmem>>, vector<16xi32>,
      %swap3A_437 = vector.shape_cast %swap3A_436 : vector<16xi32> to vector<16xi32>
      %swap3A_438 = vector.shape_cast %shift_right_logical3A_434 : vector<16xi32> to vector<16xi32>
      tpu.vector_store %arg10[%swap3A_435], %swap3A_438 {strides = array<i32>} : memref<128xi32, #tpu.memory_space<vmem>>, vector<16xi32>,
      %get3A_439 = arith.index_cast %mul3A_421 : i32 to index
      %get3A_440 = arith.constant 16 : index
      %get3A_441 = tpu.vector_load %arg7[%get3A_439, %get3A_440] {strides = array<i32>} : memref<80x128xi32, #tpu.memory_space<vmem>>, vector<1x16xi32>,
      %get3A_442 = vector.shape_cast %get3A_441 : vector<1x16xi32> to vector<16xi32>
      %shift_right_logical3A_443 = arith.constant 16 : i32
      %shift_right_logical3A_444 = vector.broadcast %shift_right_logical3A_443 : i32 to vector<16xi32>
      %shift_right_logical3A_445 = arith.shrui %get3A_442, %shift_right_logical3A_444 : vector<16xi32>
      %swap3A_446 = arith.constant 16 : index
      %swap3A_447 = tpu.vector_load %arg10[%swap3A_446] {strides = array<i32>} : memref<128xi32, #tpu.memory_space<vmem>>, vector<16xi32>,
      %swap3A_448 = vector.shape_cast %swap3A_447 : vector<16xi32> to vector<16xi32>
      %swap3A_449 = vector.shape_cast %shift_right_logical3A_445 : vector<16xi32> to vector<16xi32>
      tpu.vector_store %arg10[%swap3A_446], %swap3A_449 {strides = array<i32>} : memref<128xi32, #tpu.memory_space<vmem>>, vector<16xi32>,
      %get3A_450 = arith.index_cast %mul3A_421 : i32 to index
      %get3A_451 = arith.constant 32 : index
      %get3A_452 = tpu.vector_load %arg7[%get3A_450, %get3A_451] {strides = array<i32>} : memref<80x128xi32, #tpu.memory_space<vmem>>, vector<1x16xi32>,
      %get3A_453 = vector.shape_cast %get3A_452 : vector<1x16xi32> to vector<16xi32>
      %shift_right_logical3A_454 = arith.constant 16 : i32
      %shift_right_logical3A_455 = vector.broadcast %shift_right_logical3A_454 : i32 to vector<16xi32>
      %shift_right_logical3A_456 = arith.shrui %get3A_453, %shift_right_logical3A_455 : vector<16xi32>
      %swap3A_457 = arith.constant 32 : index
      %swap3A_458 = tpu.vector_load %arg10[%swap3A_457] {strides = array<i32>} : memref<128xi32, #tpu.memory_space<vmem>>, vector<16xi32>,
      %swap3A_459 = vector.shape_cast %swap3A_458 : vector<16xi32> to vector<16xi32>
      %swap3A_460 = vector.shape_cast %shift_right_logical3A_456 : vector<16xi32> to vector<16xi32>
      tpu.vector_store %arg10[%swap3A_457], %swap3A_460 {strides = array<i32>} : memref<128xi32, #tpu.memory_space<vmem>>, vector<16xi32>,
      %get3A_461 = arith.index_cast %mul3A_421 : i32 to index
      %get3A_462 = arith.constant 48 : index
      %get3A_463 = tpu.vector_load %arg7[%get3A_461, %get3A_462] {strides = array<i32>} : memref<80x128xi32, #tpu.memory_space<vmem>>, vector<1x16xi32>,
      %get3A_464 = vector.shape_cast %get3A_463 : vector<1x16xi32> to vector<16xi32>
      %shift_right_logical3A_465 = arith.constant 16 : i32
      %shift_right_logical3A_466 = vector.broadcast %shift_right_logical3A_465 : i32 to vector<16xi32>
      %shift_right_logical3A_467 = arith.shrui %get3A_464, %shift_right_logical3A_466 : vector<16xi32>
      %swap3A_468 = arith.constant 48 : index
      %swap3A_469 = tpu.vector_load %arg10[%swap3A_468] {strides = array<i32>} : memref<128xi32, #tpu.memory_space<vmem>>, vector<16xi32>,
      %swap3A_470 = vector.shape_cast %swap3A_469 : vector<16xi32> to vector<16xi32>
      %swap3A_471 = vector.shape_cast %shift_right_logical3A_467 : vector<16xi32> to vector<16xi32>
      tpu.vector_store %arg10[%swap3A_468], %swap3A_471 {strides = array<i32>} : memref<128xi32, #tpu.memory_space<vmem>>, vector<16xi32>,
      %get3A_472 = arith.index_cast %mul3A_421 : i32 to index
      %get3A_473 = arith.constant 64 : index
      %get3A_474 = tpu.vector_load %arg7[%get3A_472, %get3A_473] {strides = array<i32>} : memref<80x128xi32, #tpu.memory_space<vmem>>, vector<1x16xi32>,
      %get3A_475 = vector.shape_cast %get3A_474 : vector<1x16xi32> to vector<16xi32>
      %shift_right_logical3A_476 = arith.constant 16 : i32
      %shift_right_logical3A_477 = vector.broadcast %shift_right_logical3A_476 : i32 to vector<16xi32>
      %shift_right_logical3A_478 = arith.shrui %get3A_475, %shift_right_logical3A_477 : vector<16xi32>
      %swap3A_479 = arith.constant 64 : index
      %swap3A_480 = tpu.vector_load %arg10[%swap3A_479] {strides = array<i32>} : memref<128xi32, #tpu.memory_space<vmem>>, vector<16xi32>,
      %swap3A_481 = vector.shape_cast %swap3A_480 : vector<16xi32> to vector<16xi32>
      %swap3A_482 = vector.shape_cast %shift_right_logical3A_478 : vector<16xi32> to vector<16xi32>
      tpu.vector_store %arg10[%swap3A_479], %swap3A_482 {strides = array<i32>} : memref<128xi32, #tpu.memory_space<vmem>>, vector<16xi32>,
      %get3A_483 = arith.index_cast %mul3A_421 : i32 to index
      %get3A_484 = arith.constant 80 : index
      %get3A_485 = tpu.vector_load %arg7[%get3A_483, %get3A_484] {strides = array<i32>} : memref<80x128xi32, #tpu.memory_space<vmem>>, vector<1x16xi32>,
      %get3A_486 = vector.shape_cast %get3A_485 : vector<1x16xi32> to vector<16xi32>
      %shift_right_logical3A_487 = arith.constant 16 : i32
      %shift_right_logical3A_488 = vector.broadcast %shift_right_logical3A_487 : i32 to vector<16xi32>
      %shift_right_logical3A_489 = arith.shrui %get3A_486, %shift_right_logical3A_488 : vector<16xi32>
      %swap3A_490 = arith.constant 80 : index
      %swap3A_491 = tpu.vector_load %arg10[%swap3A_490] {strides = array<i32>} : memref<128xi32, #tpu.memory_space<vmem>>, vector<16xi32>,
      %swap3A_492 = vector.shape_cast %swap3A_491 : vector<16xi32> to vector<16xi32>
      %swap3A_493 = vector.shape_cast %shift_right_logical3A_489 : vector<16xi32> to vector<16xi32>
      tpu.vector_store %arg10[%swap3A_490], %swap3A_493 {strides = array<i32>} : memref<128xi32, #tpu.memory_space<vmem>>, vector<16xi32>,
      %get3A_494 = arith.index_cast %mul3A_421 : i32 to index
      %get3A_495 = arith.constant 96 : index
      %get3A_496 = tpu.vector_load %arg7[%get3A_494, %get3A_495] {strides = array<i32>} : memref<80x128xi32, #tpu.memory_space<vmem>>, vector<1x16xi32>,
      %get3A_497 = vector.shape_cast %get3A_496 : vector<1x16xi32> to vector<16xi32>
      %shift_right_logical3A_498 = arith.constant 16 : i32
      %shift_right_logical3A_499 = vector.broadcast %shift_right_logical3A_498 : i32 to vector<16xi32>
      %shift_right_logical3A_500 = arith.shrui %get3A_497, %shift_right_logical3A_499 : vector<16xi32>
      %swap3A_501 = arith.constant 96 : index
      %swap3A_502 = tpu.vector_load %arg10[%swap3A_501] {strides = array<i32>} : memref<128xi32, #tpu.memory_space<vmem>>, vector<16xi32>,
      %swap3A_503 = vector.shape_cast %swap3A_502 : vector<16xi32> to vector<16xi32>
      %swap3A_504 = vector.shape_cast %shift_right_logical3A_500 : vector<16xi32> to vector<16xi32>
      tpu.vector_store %arg10[%swap3A_501], %swap3A_504 {strides = array<i32>} : memref<128xi32, #tpu.memory_space<vmem>>, vector<16xi32>,
      %get3A_505 = arith.index_cast %mul3A_421 : i32 to index
      %get3A_506 = arith.constant 112 : index
      %get3A_507 = tpu.vector_load %arg7[%get3A_505, %get3A_506] {strides = array<i32>} : memref<80x128xi32, #tpu.memory_space<vmem>>, vector<1x16xi32>,
      %get3A_508 = vector.shape_cast %get3A_507 : vector<1x16xi32> to vector<16xi32>
      %shift_right_logical3A_509 = arith.constant 16 : i32
      %shift_right_logical3A_510 = vector.broadcast %shift_right_logical3A_509 : i32 to vector<16xi32>
      %shift_right_logical3A_511 = arith.shrui %get3A_508, %shift_right_logical3A_510 : vector<16xi32>
      %swap3A_512 = arith.constant 112 : index
      %swap3A_513 = tpu.vector_load %arg10[%swap3A_512] {strides = array<i32>} : memref<128xi32, #tpu.memory_space<vmem>>, vector<16xi32>,
      %swap3A_514 = vector.shape_cast %swap3A_513 : vector<16xi32> to vector<16xi32>
      %swap3A_515 = vector.shape_cast %shift_right_logical3A_511 : vector<16xi32> to vector<16xi32>
      tpu.vector_store %arg10[%swap3A_512], %swap3A_515 {strides = array<i32>} : memref<128xi32, #tpu.memory_space<vmem>>, vector<16xi32>,
      "tpu.region"() ({
        %run_scoped3A = tpu.sem_alloc : memref<!tpu.dma_semaphore, #tpu.memory_space<semaphore_mem>>
        %dma_start3A_800 = arith.constant 0 : i32
        %dma_start3A_801 = arith.constant 0 : i32
        %dma_start3A_802 = tpu.memref_slice %arg13[%dma_start3A_800, %dma_start3A_801] : memref<10256x128xf32, #tpu.memory_space<vmem_shared>> -> memref<10256x128xf32, #tpu.memory_space<vmem_shared>>
        tpu.enqueue_indirect_dma source(%arg11 : memref<128x128xf32, #tpu.memory_space<vmem>>) target(%dma_start3A_802 : memref<10256x128xf32, #tpu.memory_space<vmem_shared>>) offsets(%arg10 : memref<128xi32, #tpu.memory_space<vmem>>) semaphore(%run_scoped3A : memref<!tpu.dma_semaphore, #tpu.memory_space<semaphore_mem>>) {add = true}
        %dma_wait3A_803 = arith.constant 0 : i32
        %dma_wait3A_804 = arith.constant 0 : i32
        %dma_wait3A_805 = tpu.memref_slice %arg13[%dma_wait3A_803, %dma_wait3A_804] : memref<10256x128xf32, #tpu.memory_space<vmem_shared>> -> memref<10256x128xf32, #tpu.memory_space<vmem_shared>>
        tpu.wait_indirect_dma semaphore(%run_scoped3A : memref<!tpu.dma_semaphore, #tpu.memory_space<semaphore_mem>>) src(%arg11 : memref<128x128xf32, #tpu.memory_space<vmem>>) dst(%dma_wait3A_805 : memref<10256x128xf32, #tpu.memory_space<vmem_shared>>)
        tpu.yield
      }) : () -> ()
      %add3A_516 = arith.constant 2 : i32
      %add3A_517 = arith.addi %mul3A_421, %add3A_516 : i32
      %get3A_518 = arith.index_cast %add3A_517 : i32 to index
      %get3A_519 = arith.constant 0 : index
      %get3A_520 = tpu.vector_load %arg7[%get3A_518, %get3A_519] {strides = array<i32>} : memref<80x128xi32, #tpu.memory_space<vmem>>, vector<1x16xi32>,
      %get3A_521 = vector.shape_cast %get3A_520 : vector<1x16xi32> to vector<16xi32>
      %and3A_522 = arith.constant 65535 : i32
      %and3A_523 = vector.broadcast %and3A_522 : i32 to vector<16xi32>
      %and3A_524 = arith.andi %get3A_521, %and3A_523 : vector<16xi32>
      %swap3A_525 = arith.constant 0 : index
      %swap3A_526 = tpu.vector_load %arg8[%swap3A_525] {strides = array<i32>} : memref<128xi32, #tpu.memory_space<vmem>>, vector<16xi32>,
      %swap3A_527 = vector.shape_cast %swap3A_526 : vector<16xi32> to vector<16xi32>
      %swap3A_528 = vector.shape_cast %and3A_524 : vector<16xi32> to vector<16xi32>
      tpu.vector_store %arg8[%swap3A_525], %swap3A_528 {strides = array<i32>} : memref<128xi32, #tpu.memory_space<vmem>>, vector<16xi32>,
      %get3A_529 = arith.index_cast %add3A_517 : i32 to index
      %get3A_530 = arith.constant 16 : index
      %get3A_531 = tpu.vector_load %arg7[%get3A_529, %get3A_530] {strides = array<i32>} : memref<80x128xi32, #tpu.memory_space<vmem>>, vector<1x16xi32>,
      %get3A_532 = vector.shape_cast %get3A_531 : vector<1x16xi32> to vector<16xi32>
      %and3A_533 = arith.constant 65535 : i32
      %and3A_534 = vector.broadcast %and3A_533 : i32 to vector<16xi32>
      %and3A_535 = arith.andi %get3A_532, %and3A_534 : vector<16xi32>
      %swap3A_536 = arith.constant 16 : index
      %swap3A_537 = tpu.vector_load %arg8[%swap3A_536] {strides = array<i32>} : memref<128xi32, #tpu.memory_space<vmem>>, vector<16xi32>,
      %swap3A_538 = vector.shape_cast %swap3A_537 : vector<16xi32> to vector<16xi32>
      %swap3A_539 = vector.shape_cast %and3A_535 : vector<16xi32> to vector<16xi32>
      tpu.vector_store %arg8[%swap3A_536], %swap3A_539 {strides = array<i32>} : memref<128xi32, #tpu.memory_space<vmem>>, vector<16xi32>,
      %get3A_540 = arith.index_cast %add3A_517 : i32 to index
      %get3A_541 = arith.constant 32 : index
      %get3A_542 = tpu.vector_load %arg7[%get3A_540, %get3A_541] {strides = array<i32>} : memref<80x128xi32, #tpu.memory_space<vmem>>, vector<1x16xi32>,
      %get3A_543 = vector.shape_cast %get3A_542 : vector<1x16xi32> to vector<16xi32>
      %and3A_544 = arith.constant 65535 : i32
      %and3A_545 = vector.broadcast %and3A_544 : i32 to vector<16xi32>
      %and3A_546 = arith.andi %get3A_543, %and3A_545 : vector<16xi32>
      %swap3A_547 = arith.constant 32 : index
      %swap3A_548 = tpu.vector_load %arg8[%swap3A_547] {strides = array<i32>} : memref<128xi32, #tpu.memory_space<vmem>>, vector<16xi32>,
      %swap3A_549 = vector.shape_cast %swap3A_548 : vector<16xi32> to vector<16xi32>
      %swap3A_550 = vector.shape_cast %and3A_546 : vector<16xi32> to vector<16xi32>
      tpu.vector_store %arg8[%swap3A_547], %swap3A_550 {strides = array<i32>} : memref<128xi32, #tpu.memory_space<vmem>>, vector<16xi32>,
      %get3A_551 = arith.index_cast %add3A_517 : i32 to index
      %get3A_552 = arith.constant 48 : index
      %get3A_553 = tpu.vector_load %arg7[%get3A_551, %get3A_552] {strides = array<i32>} : memref<80x128xi32, #tpu.memory_space<vmem>>, vector<1x16xi32>,
      %get3A_554 = vector.shape_cast %get3A_553 : vector<1x16xi32> to vector<16xi32>
      %and3A_555 = arith.constant 65535 : i32
      %and3A_556 = vector.broadcast %and3A_555 : i32 to vector<16xi32>
      %and3A_557 = arith.andi %get3A_554, %and3A_556 : vector<16xi32>
      %swap3A_558 = arith.constant 48 : index
      %swap3A_559 = tpu.vector_load %arg8[%swap3A_558] {strides = array<i32>} : memref<128xi32, #tpu.memory_space<vmem>>, vector<16xi32>,
      %swap3A_560 = vector.shape_cast %swap3A_559 : vector<16xi32> to vector<16xi32>
      %swap3A_561 = vector.shape_cast %and3A_557 : vector<16xi32> to vector<16xi32>
      tpu.vector_store %arg8[%swap3A_558], %swap3A_561 {strides = array<i32>} : memref<128xi32, #tpu.memory_space<vmem>>, vector<16xi32>,
      %get3A_562 = arith.index_cast %add3A_517 : i32 to index
      %get3A_563 = arith.constant 64 : index
      %get3A_564 = tpu.vector_load %arg7[%get3A_562, %get3A_563] {strides = array<i32>} : memref<80x128xi32, #tpu.memory_space<vmem>>, vector<1x16xi32>,
      %get3A_565 = vector.shape_cast %get3A_564 : vector<1x16xi32> to vector<16xi32>
      %and3A_566 = arith.constant 65535 : i32
      %and3A_567 = vector.broadcast %and3A_566 : i32 to vector<16xi32>
      %and3A_568 = arith.andi %get3A_565, %and3A_567 : vector<16xi32>
      %swap3A_569 = arith.constant 64 : index
      %swap3A_570 = tpu.vector_load %arg8[%swap3A_569] {strides = array<i32>} : memref<128xi32, #tpu.memory_space<vmem>>, vector<16xi32>,
      %swap3A_571 = vector.shape_cast %swap3A_570 : vector<16xi32> to vector<16xi32>
      %swap3A_572 = vector.shape_cast %and3A_568 : vector<16xi32> to vector<16xi32>
      tpu.vector_store %arg8[%swap3A_569], %swap3A_572 {strides = array<i32>} : memref<128xi32, #tpu.memory_space<vmem>>, vector<16xi32>,
      %get3A_573 = arith.index_cast %add3A_517 : i32 to index
      %get3A_574 = arith.constant 80 : index
      %get3A_575 = tpu.vector_load %arg7[%get3A_573, %get3A_574] {strides = array<i32>} : memref<80x128xi32, #tpu.memory_space<vmem>>, vector<1x16xi32>,
      %get3A_576 = vector.shape_cast %get3A_575 : vector<1x16xi32> to vector<16xi32>
      %and3A_577 = arith.constant 65535 : i32
      %and3A_578 = vector.broadcast %and3A_577 : i32 to vector<16xi32>
      %and3A_579 = arith.andi %get3A_576, %and3A_578 : vector<16xi32>
      %swap3A_580 = arith.constant 80 : index
      %swap3A_581 = tpu.vector_load %arg8[%swap3A_580] {strides = array<i32>} : memref<128xi32, #tpu.memory_space<vmem>>, vector<16xi32>,
      %swap3A_582 = vector.shape_cast %swap3A_581 : vector<16xi32> to vector<16xi32>
      %swap3A_583 = vector.shape_cast %and3A_579 : vector<16xi32> to vector<16xi32>
      tpu.vector_store %arg8[%swap3A_580], %swap3A_583 {strides = array<i32>} : memref<128xi32, #tpu.memory_space<vmem>>, vector<16xi32>,
      %get3A_584 = arith.index_cast %add3A_517 : i32 to index
      %get3A_585 = arith.constant 96 : index
      %get3A_586 = tpu.vector_load %arg7[%get3A_584, %get3A_585] {strides = array<i32>} : memref<80x128xi32, #tpu.memory_space<vmem>>, vector<1x16xi32>,
      %get3A_587 = vector.shape_cast %get3A_586 : vector<1x16xi32> to vector<16xi32>
      %and3A_588 = arith.constant 65535 : i32
      %and3A_589 = vector.broadcast %and3A_588 : i32 to vector<16xi32>
      %and3A_590 = arith.andi %get3A_587, %and3A_589 : vector<16xi32>
      %swap3A_591 = arith.constant 96 : index
      %swap3A_592 = tpu.vector_load %arg8[%swap3A_591] {strides = array<i32>} : memref<128xi32, #tpu.memory_space<vmem>>, vector<16xi32>,
      %swap3A_593 = vector.shape_cast %swap3A_592 : vector<16xi32> to vector<16xi32>
      %swap3A_594 = vector.shape_cast %and3A_590 : vector<16xi32> to vector<16xi32>
      tpu.vector_store %arg8[%swap3A_591], %swap3A_594 {strides = array<i32>} : memref<128xi32, #tpu.memory_space<vmem>>, vector<16xi32>,
      %get3A_595 = arith.index_cast %add3A_517 : i32 to index
      %get3A_596 = arith.constant 112 : index
      %get3A_597 = tpu.vector_load %arg7[%get3A_595, %get3A_596] {strides = array<i32>} : memref<80x128xi32, #tpu.memory_space<vmem>>, vector<1x16xi32>,
      %get3A_598 = vector.shape_cast %get3A_597 : vector<1x16xi32> to vector<16xi32>
      %and3A_599 = arith.constant 65535 : i32
      %and3A_600 = vector.broadcast %and3A_599 : i32 to vector<16xi32>
      %and3A_601 = arith.andi %get3A_598, %and3A_600 : vector<16xi32>
      %swap3A_602 = arith.constant 112 : index
      %swap3A_603 = tpu.vector_load %arg8[%swap3A_602] {strides = array<i32>} : memref<128xi32, #tpu.memory_space<vmem>>, vector<16xi32>,
      %swap3A_604 = vector.shape_cast %swap3A_603 : vector<16xi32> to vector<16xi32>
      %swap3A_605 = vector.shape_cast %and3A_601 : vector<16xi32> to vector<16xi32>
      tpu.vector_store %arg8[%swap3A_602], %swap3A_605 {strides = array<i32>} : memref<128xi32, #tpu.memory_space<vmem>>, vector<16xi32>,
      %dma_start3A_606 = arith.constant 0 : i32
      %dma_start3A_607 = arith.constant 0 : i32
      %dma_start3A_608 = tpu.memref_slice %arg2[%dma_start3A_606, %dma_start3A_607] : memref<10000x128xf32, #tpu.memory_space<hbm>> -> memref<10000x128xf32, #tpu.memory_space<hbm>>
      tpu.enqueue_indirect_dma source(%dma_start3A_608 : memref<10000x128xf32, #tpu.memory_space<hbm>>) target(%arg11 : memref<128x128xf32, #tpu.memory_space<vmem>>) offsets(%arg8 : memref<128xi32, #tpu.memory_space<vmem>>) semaphore(%arg14 : memref<!tpu.dma_semaphore, #tpu.memory_space<semaphore_mem>>)
      %mul3A_609 = arith.constant 2 : i32
      %mul3A_610 = arith.muli %mul3A_609, %scan3A_419 : i32
      %add3A_611 = arith.constant 1 : i32
      %add3A_612 = arith.addi %mul3A_610, %add3A_611 : i32
      %dma_wait3A_613 = arith.constant 0 : i32
      %dma_wait3A_614 = arith.constant 0 : i32
      %dma_wait3A_615 = tpu.memref_slice %arg2[%dma_wait3A_613, %dma_wait3A_614] : memref<10000x128xf32, #tpu.memory_space<hbm>> -> memref<128x128xf32, #tpu.memory_space<hbm>>
      %dma_wait3A_616 = arith.constant 0 : i32
      %dma_wait3A_617 = arith.constant 0 : i32
      %dma_wait3A_618 = tpu.memref_slice %arg2[%dma_wait3A_616, %dma_wait3A_617] : memref<10000x128xf32, #tpu.memory_space<hbm>> -> memref<128x128xf32, #tpu.memory_space<hbm>>
      tpu.wait_dma2 semaphore(%arg15 : memref<!tpu.dma_semaphore, #tpu.memory_space<semaphore_mem>>) src(%dma_wait3A_618 : memref<128x128xf32, #tpu.memory_space<hbm>>) dst(%arg12 : memref<128x128xf32, #tpu.memory_space<vmem>>)
      %get3A_619 = arith.index_cast %add3A_612 : i32 to index
      %get3A_620 = arith.constant 0 : index
      %get3A_621 = tpu.vector_load %arg7[%get3A_619, %get3A_620] {strides = array<i32>} : memref<80x128xi32, #tpu.memory_space<vmem>>, vector<1x16xi32>,
      %get3A_622 = vector.shape_cast %get3A_621 : vector<1x16xi32> to vector<16xi32>
      %shift_right_logical3A_623 = arith.constant 16 : i32
      %shift_right_logical3A_624 = vector.broadcast %shift_right_logical3A_623 : i32 to vector<16xi32>
      %shift_right_logical3A_625 = arith.shrui %get3A_622, %shift_right_logical3A_624 : vector<16xi32>
      %swap3A_626 = arith.constant 0 : index
      %swap3A_627 = tpu.vector_load %arg10[%swap3A_626] {strides = array<i32>} : memref<128xi32, #tpu.memory_space<vmem>>, vector<16xi32>,
      %swap3A_628 = vector.shape_cast %swap3A_627 : vector<16xi32> to vector<16xi32>
      %swap3A_629 = vector.shape_cast %shift_right_logical3A_625 : vector<16xi32> to vector<16xi32>
      tpu.vector_store %arg10[%swap3A_626], %swap3A_629 {strides = array<i32>} : memref<128xi32, #tpu.memory_space<vmem>>, vector<16xi32>,
      %get3A_630 = arith.index_cast %add3A_612 : i32 to index
      %get3A_631 = arith.constant 16 : index
      %get3A_632 = tpu.vector_load %arg7[%get3A_630, %get3A_631] {strides = array<i32>} : memref<80x128xi32, #tpu.memory_space<vmem>>, vector<1x16xi32>,
      %get3A_633 = vector.shape_cast %get3A_632 : vector<1x16xi32> to vector<16xi32>
      %shift_right_logical3A_634 = arith.constant 16 : i32
      %shift_right_logical3A_635 = vector.broadcast %shift_right_logical3A_634 : i32 to vector<16xi32>
      %shift_right_logical3A_636 = arith.shrui %get3A_633, %shift_right_logical3A_635 : vector<16xi32>
      %swap3A_637 = arith.constant 16 : index
      %swap3A_638 = tpu.vector_load %arg10[%swap3A_637] {strides = array<i32>} : memref<128xi32, #tpu.memory_space<vmem>>, vector<16xi32>,
      %swap3A_639 = vector.shape_cast %swap3A_638 : vector<16xi32> to vector<16xi32>
      %swap3A_640 = vector.shape_cast %shift_right_logical3A_636 : vector<16xi32> to vector<16xi32>
      tpu.vector_store %arg10[%swap3A_637], %swap3A_640 {strides = array<i32>} : memref<128xi32, #tpu.memory_space<vmem>>, vector<16xi32>,
      %get3A_641 = arith.index_cast %add3A_612 : i32 to index
      %get3A_642 = arith.constant 32 : index
      %get3A_643 = tpu.vector_load %arg7[%get3A_641, %get3A_642] {strides = array<i32>} : memref<80x128xi32, #tpu.memory_space<vmem>>, vector<1x16xi32>,
      %get3A_644 = vector.shape_cast %get3A_643 : vector<1x16xi32> to vector<16xi32>
      %shift_right_logical3A_645 = arith.constant 16 : i32
      %shift_right_logical3A_646 = vector.broadcast %shift_right_logical3A_645 : i32 to vector<16xi32>
      %shift_right_logical3A_647 = arith.shrui %get3A_644, %shift_right_logical3A_646 : vector<16xi32>
      %swap3A_648 = arith.constant 32 : index
      %swap3A_649 = tpu.vector_load %arg10[%swap3A_648] {strides = array<i32>} : memref<128xi32, #tpu.memory_space<vmem>>, vector<16xi32>,
      %swap3A_650 = vector.shape_cast %swap3A_649 : vector<16xi32> to vector<16xi32>
      %swap3A_651 = vector.shape_cast %shift_right_logical3A_647 : vector<16xi32> to vector<16xi32>
      tpu.vector_store %arg10[%swap3A_648], %swap3A_651 {strides = array<i32>} : memref<128xi32, #tpu.memory_space<vmem>>, vector<16xi32>,
      %get3A_652 = arith.index_cast %add3A_612 : i32 to index
      %get3A_653 = arith.constant 48 : index
      %get3A_654 = tpu.vector_load %arg7[%get3A_652, %get3A_653] {strides = array<i32>} : memref<80x128xi32, #tpu.memory_space<vmem>>, vector<1x16xi32>,
      %get3A_655 = vector.shape_cast %get3A_654 : vector<1x16xi32> to vector<16xi32>
      %shift_right_logical3A_656 = arith.constant 16 : i32
      %shift_right_logical3A_657 = vector.broadcast %shift_right_logical3A_656 : i32 to vector<16xi32>
      %shift_right_logical3A_658 = arith.shrui %get3A_655, %shift_right_logical3A_657 : vector<16xi32>
      %swap3A_659 = arith.constant 48 : index
      %swap3A_660 = tpu.vector_load %arg10[%swap3A_659] {strides = array<i32>} : memref<128xi32, #tpu.memory_space<vmem>>, vector<16xi32>,
      %swap3A_661 = vector.shape_cast %swap3A_660 : vector<16xi32> to vector<16xi32>
      %swap3A_662 = vector.shape_cast %shift_right_logical3A_658 : vector<16xi32> to vector<16xi32>
      tpu.vector_store %arg10[%swap3A_659], %swap3A_662 {strides = array<i32>} : memref<128xi32, #tpu.memory_space<vmem>>, vector<16xi32>,
      %get3A_663 = arith.index_cast %add3A_612 : i32 to index
      %get3A_664 = arith.constant 64 : index
      %get3A_665 = tpu.vector_load %arg7[%get3A_663, %get3A_664] {strides = array<i32>} : memref<80x128xi32, #tpu.memory_space<vmem>>, vector<1x16xi32>,
      %get3A_666 = vector.shape_cast %get3A_665 : vector<1x16xi32> to vector<16xi32>
      %shift_right_logical3A_667 = arith.constant 16 : i32
      %shift_right_logical3A_668 = vector.broadcast %shift_right_logical3A_667 : i32 to vector<16xi32>
      %shift_right_logical3A_669 = arith.shrui %get3A_666, %shift_right_logical3A_668 : vector<16xi32>
      %swap3A_670 = arith.constant 64 : index
      %swap3A_671 = tpu.vector_load %arg10[%swap3A_670] {strides = array<i32>} : memref<128xi32, #tpu.memory_space<vmem>>, vector<16xi32>,
      %swap3A_672 = vector.shape_cast %swap3A_671 : vector<16xi32> to vector<16xi32>
      %swap3A_673 = vector.shape_cast %shift_right_logical3A_669 : vector<16xi32> to vector<16xi32>
      tpu.vector_store %arg10[%swap3A_670], %swap3A_673 {strides = array<i32>} : memref<128xi32, #tpu.memory_space<vmem>>, vector<16xi32>,
      %get3A_674 = arith.index_cast %add3A_612 : i32 to index
      %get3A_675 = arith.constant 80 : index
      %get3A_676 = tpu.vector_load %arg7[%get3A_674, %get3A_675] {strides = array<i32>} : memref<80x128xi32, #tpu.memory_space<vmem>>, vector<1x16xi32>,
      %get3A_677 = vector.shape_cast %get3A_676 : vector<1x16xi32> to vector<16xi32>
      %shift_right_logical3A_678 = arith.constant 16 : i32
      %shift_right_logical3A_679 = vector.broadcast %shift_right_logical3A_678 : i32 to vector<16xi32>
      %shift_right_logical3A_680 = arith.shrui %get3A_677, %shift_right_logical3A_679 : vector<16xi32>
      %swap3A_681 = arith.constant 80 : index
      %swap3A_682 = tpu.vector_load %arg10[%swap3A_681] {strides = array<i32>} : memref<128xi32, #tpu.memory_space<vmem>>, vector<16xi32>,
      %swap3A_683 = vector.shape_cast %swap3A_682 : vector<16xi32> to vector<16xi32>
      %swap3A_684 = vector.shape_cast %shift_right_logical3A_680 : vector<16xi32> to vector<16xi32>
      tpu.vector_store %arg10[%swap3A_681], %swap3A_684 {strides = array<i32>} : memref<128xi32, #tpu.memory_space<vmem>>, vector<16xi32>,
      %get3A_685 = arith.index_cast %add3A_612 : i32 to index
      %get3A_686 = arith.constant 96 : index
      %get3A_687 = tpu.vector_load %arg7[%get3A_685, %get3A_686] {strides = array<i32>} : memref<80x128xi32, #tpu.memory_space<vmem>>, vector<1x16xi32>,
      %get3A_688 = vector.shape_cast %get3A_687 : vector<1x16xi32> to vector<16xi32>
      %shift_right_logical3A_689 = arith.constant 16 : i32
      %shift_right_logical3A_690 = vector.broadcast %shift_right_logical3A_689 : i32 to vector<16xi32>
      %shift_right_logical3A_691 = arith.shrui %get3A_688, %shift_right_logical3A_690 : vector<16xi32>
      %swap3A_692 = arith.constant 96 : index
      %swap3A_693 = tpu.vector_load %arg10[%swap3A_692] {strides = array<i32>} : memref<128xi32, #tpu.memory_space<vmem>>, vector<16xi32>,
      %swap3A_694 = vector.shape_cast %swap3A_693 : vector<16xi32> to vector<16xi32>
      %swap3A_695 = vector.shape_cast %shift_right_logical3A_691 : vector<16xi32> to vector<16xi32>
      tpu.vector_store %arg10[%swap3A_692], %swap3A_695 {strides = array<i32>} : memref<128xi32, #tpu.memory_space<vmem>>, vector<16xi32>,
      %get3A_696 = arith.index_cast %add3A_612 : i32 to index
      %get3A_697 = arith.constant 112 : index
      %get3A_698 = tpu.vector_load %arg7[%get3A_696, %get3A_697] {strides = array<i32>} : memref<80x128xi32, #tpu.memory_space<vmem>>, vector<1x16xi32>,
      %get3A_699 = vector.shape_cast %get3A_698 : vector<1x16xi32> to vector<16xi32>
      %shift_right_logical3A_700 = arith.constant 16 : i32
      %shift_right_logical3A_701 = vector.broadcast %shift_right_logical3A_700 : i32 to vector<16xi32>
      %shift_right_logical3A_702 = arith.shrui %get3A_699, %shift_right_logical3A_701 : vector<16xi32>
      %swap3A_703 = arith.constant 112 : index
      %swap3A_704 = tpu.vector_load %arg10[%swap3A_703] {strides = array<i32>} : memref<128xi32, #tpu.memory_space<vmem>>, vector<16xi32>,
      %swap3A_705 = vector.shape_cast %swap3A_704 : vector<16xi32> to vector<16xi32>
      %swap3A_706 = vector.shape_cast %shift_right_logical3A_702 : vector<16xi32> to vector<16xi32>
      tpu.vector_store %arg10[%swap3A_703], %swap3A_706 {strides = array<i32>} : memref<128xi32, #tpu.memory_space<vmem>>, vector<16xi32>,
      "tpu.region"() ({
        %run_scoped3A = tpu.sem_alloc : memref<!tpu.dma_semaphore, #tpu.memory_space<semaphore_mem>>
        %dma_start3A_800 = arith.constant 0 : i32
        %dma_start3A_801 = arith.constant 0 : i32
        %dma_start3A_802 = tpu.memref_slice %arg13[%dma_start3A_800, %dma_start3A_801] : memref<10256x128xf32, #tpu.memory_space<vmem_shared>> -> memref<10256x128xf32, #tpu.memory_space<vmem_shared>>
        tpu.enqueue_indirect_dma source(%arg12 : memref<128x128xf32, #tpu.memory_space<vmem>>) target(%dma_start3A_802 : memref<10256x128xf32, #tpu.memory_space<vmem_shared>>) offsets(%arg10 : memref<128xi32, #tpu.memory_space<vmem>>) semaphore(%run_scoped3A : memref<!tpu.dma_semaphore, #tpu.memory_space<semaphore_mem>>) {add = true}
        %dma_wait3A_803 = arith.constant 0 : i32
        %dma_wait3A_804 = arith.constant 0 : i32
        %dma_wait3A_805 = tpu.memref_slice %arg13[%dma_wait3A_803, %dma_wait3A_804] : memref<10256x128xf32, #tpu.memory_space<vmem_shared>> -> memref<10256x128xf32, #tpu.memory_space<vmem_shared>>
        tpu.wait_indirect_dma semaphore(%run_scoped3A : memref<!tpu.dma_semaphore, #tpu.memory_space<semaphore_mem>>) src(%arg12 : memref<128x128xf32, #tpu.memory_space<vmem>>) dst(%dma_wait3A_805 : memref<10256x128xf32, #tpu.memory_space<vmem_shared>>)
        tpu.yield
      }) : () -> ()
      %add3A_707 = arith.constant 2 : i32
      %add3A_708 = arith.addi %add3A_612, %add3A_707 : i32
      %get3A_709 = arith.index_cast %add3A_708 : i32 to index
      %get3A_710 = arith.constant 0 : index
      %get3A_711 = tpu.vector_load %arg7[%get3A_709, %get3A_710] {strides = array<i32>} : memref<80x128xi32, #tpu.memory_space<vmem>>, vector<1x16xi32>,
      %get3A_712 = vector.shape_cast %get3A_711 : vector<1x16xi32> to vector<16xi32>
      %and3A_713 = arith.constant 65535 : i32
      %and3A_714 = vector.broadcast %and3A_713 : i32 to vector<16xi32>
      %and3A_715 = arith.andi %get3A_712, %and3A_714 : vector<16xi32>
      %swap3A_716 = arith.constant 0 : index
      %swap3A_717 = tpu.vector_load %arg9[%swap3A_716] {strides = array<i32>} : memref<128xi32, #tpu.memory_space<vmem>>, vector<16xi32>,
      %swap3A_718 = vector.shape_cast %swap3A_717 : vector<16xi32> to vector<16xi32>
      %swap3A_719 = vector.shape_cast %and3A_715 : vector<16xi32> to vector<16xi32>
      tpu.vector_store %arg9[%swap3A_716], %swap3A_719 {strides = array<i32>} : memref<128xi32, #tpu.memory_space<vmem>>, vector<16xi32>,
      %get3A_720 = arith.index_cast %add3A_708 : i32 to index
      %get3A_721 = arith.constant 16 : index
      %get3A_722 = tpu.vector_load %arg7[%get3A_720, %get3A_721] {strides = array<i32>} : memref<80x128xi32, #tpu.memory_space<vmem>>, vector<1x16xi32>,
      %get3A_723 = vector.shape_cast %get3A_722 : vector<1x16xi32> to vector<16xi32>
      %and3A_724 = arith.constant 65535 : i32
      %and3A_725 = vector.broadcast %and3A_724 : i32 to vector<16xi32>
      %and3A_726 = arith.andi %get3A_723, %and3A_725 : vector<16xi32>
      %swap3A_727 = arith.constant 16 : index
      %swap3A_728 = tpu.vector_load %arg9[%swap3A_727] {strides = array<i32>} : memref<128xi32, #tpu.memory_space<vmem>>, vector<16xi32>,
      %swap3A_729 = vector.shape_cast %swap3A_728 : vector<16xi32> to vector<16xi32>
      %swap3A_730 = vector.shape_cast %and3A_726 : vector<16xi32> to vector<16xi32>
      tpu.vector_store %arg9[%swap3A_727], %swap3A_730 {strides = array<i32>} : memref<128xi32, #tpu.memory_space<vmem>>, vector<16xi32>,
      %get3A_731 = arith.index_cast %add3A_708 : i32 to index
      %get3A_732 = arith.constant 32 : index
      %get3A_733 = tpu.vector_load %arg7[%get3A_731, %get3A_732] {strides = array<i32>} : memref<80x128xi32, #tpu.memory_space<vmem>>, vector<1x16xi32>,
      %get3A_734 = vector.shape_cast %get3A_733 : vector<1x16xi32> to vector<16xi32>
      %and3A_735 = arith.constant 65535 : i32
      %and3A_736 = vector.broadcast %and3A_735 : i32 to vector<16xi32>
      %and3A_737 = arith.andi %get3A_734, %and3A_736 : vector<16xi32>
      %swap3A_738 = arith.constant 32 : index
      %swap3A_739 = tpu.vector_load %arg9[%swap3A_738] {strides = array<i32>} : memref<128xi32, #tpu.memory_space<vmem>>, vector<16xi32>,
      %swap3A_740 = vector.shape_cast %swap3A_739 : vector<16xi32> to vector<16xi32>
      %swap3A_741 = vector.shape_cast %and3A_737 : vector<16xi32> to vector<16xi32>
      tpu.vector_store %arg9[%swap3A_738], %swap3A_741 {strides = array<i32>} : memref<128xi32, #tpu.memory_space<vmem>>, vector<16xi32>,
      %get3A_742 = arith.index_cast %add3A_708 : i32 to index
      %get3A_743 = arith.constant 48 : index
      %get3A_744 = tpu.vector_load %arg7[%get3A_742, %get3A_743] {strides = array<i32>} : memref<80x128xi32, #tpu.memory_space<vmem>>, vector<1x16xi32>,
      %get3A_745 = vector.shape_cast %get3A_744 : vector<1x16xi32> to vector<16xi32>
      %and3A_746 = arith.constant 65535 : i32
      %and3A_747 = vector.broadcast %and3A_746 : i32 to vector<16xi32>
      %and3A_748 = arith.andi %get3A_745, %and3A_747 : vector<16xi32>
      %swap3A_749 = arith.constant 48 : index
      %swap3A_750 = tpu.vector_load %arg9[%swap3A_749] {strides = array<i32>} : memref<128xi32, #tpu.memory_space<vmem>>, vector<16xi32>,
      %swap3A_751 = vector.shape_cast %swap3A_750 : vector<16xi32> to vector<16xi32>
      %swap3A_752 = vector.shape_cast %and3A_748 : vector<16xi32> to vector<16xi32>
      tpu.vector_store %arg9[%swap3A_749], %swap3A_752 {strides = array<i32>} : memref<128xi32, #tpu.memory_space<vmem>>, vector<16xi32>,
      %get3A_753 = arith.index_cast %add3A_708 : i32 to index
      %get3A_754 = arith.constant 64 : index
      %get3A_755 = tpu.vector_load %arg7[%get3A_753, %get3A_754] {strides = array<i32>} : memref<80x128xi32, #tpu.memory_space<vmem>>, vector<1x16xi32>,
      %get3A_756 = vector.shape_cast %get3A_755 : vector<1x16xi32> to vector<16xi32>
      %and3A_757 = arith.constant 65535 : i32
      %and3A_758 = vector.broadcast %and3A_757 : i32 to vector<16xi32>
      %and3A_759 = arith.andi %get3A_756, %and3A_758 : vector<16xi32>
      %swap3A_760 = arith.constant 64 : index
      %swap3A_761 = tpu.vector_load %arg9[%swap3A_760] {strides = array<i32>} : memref<128xi32, #tpu.memory_space<vmem>>, vector<16xi32>,
      %swap3A_762 = vector.shape_cast %swap3A_761 : vector<16xi32> to vector<16xi32>
      %swap3A_763 = vector.shape_cast %and3A_759 : vector<16xi32> to vector<16xi32>
      tpu.vector_store %arg9[%swap3A_760], %swap3A_763 {strides = array<i32>} : memref<128xi32, #tpu.memory_space<vmem>>, vector<16xi32>,
      %get3A_764 = arith.index_cast %add3A_708 : i32 to index
      %get3A_765 = arith.constant 80 : index
      %get3A_766 = tpu.vector_load %arg7[%get3A_764, %get3A_765] {strides = array<i32>} : memref<80x128xi32, #tpu.memory_space<vmem>>, vector<1x16xi32>,
      %get3A_767 = vector.shape_cast %get3A_766 : vector<1x16xi32> to vector<16xi32>
      %and3A_768 = arith.constant 65535 : i32
      %and3A_769 = vector.broadcast %and3A_768 : i32 to vector<16xi32>
      %and3A_770 = arith.andi %get3A_767, %and3A_769 : vector<16xi32>
      %swap3A_771 = arith.constant 80 : index
      %swap3A_772 = tpu.vector_load %arg9[%swap3A_771] {strides = array<i32>} : memref<128xi32, #tpu.memory_space<vmem>>, vector<16xi32>,
      %swap3A_773 = vector.shape_cast %swap3A_772 : vector<16xi32> to vector<16xi32>
      %swap3A_774 = vector.shape_cast %and3A_770 : vector<16xi32> to vector<16xi32>
      tpu.vector_store %arg9[%swap3A_771], %swap3A_774 {strides = array<i32>} : memref<128xi32, #tpu.memory_space<vmem>>, vector<16xi32>,
      %get3A_775 = arith.index_cast %add3A_708 : i32 to index
      %get3A_776 = arith.constant 96 : index
      %get3A_777 = tpu.vector_load %arg7[%get3A_775, %get3A_776] {strides = array<i32>} : memref<80x128xi32, #tpu.memory_space<vmem>>, vector<1x16xi32>,
      %get3A_778 = vector.shape_cast %get3A_777 : vector<1x16xi32> to vector<16xi32>
      %and3A_779 = arith.constant 65535 : i32
      %and3A_780 = vector.broadcast %and3A_779 : i32 to vector<16xi32>
      %and3A_781 = arith.andi %get3A_778, %and3A_780 : vector<16xi32>
      %swap3A_782 = arith.constant 96 : index
      %swap3A_783 = tpu.vector_load %arg9[%swap3A_782] {strides = array<i32>} : memref<128xi32, #tpu.memory_space<vmem>>, vector<16xi32>,
      %swap3A_784 = vector.shape_cast %swap3A_783 : vector<16xi32> to vector<16xi32>
      %swap3A_785 = vector.shape_cast %and3A_781 : vector<16xi32> to vector<16xi32>
      tpu.vector_store %arg9[%swap3A_782], %swap3A_785 {strides = array<i32>} : memref<128xi32, #tpu.memory_space<vmem>>, vector<16xi32>,
      %get3A_786 = arith.index_cast %add3A_708 : i32 to index
      %get3A_787 = arith.constant 112 : index
      %get3A_788 = tpu.vector_load %arg7[%get3A_786, %get3A_787] {strides = array<i32>} : memref<80x128xi32, #tpu.memory_space<vmem>>, vector<1x16xi32>,
      %get3A_789 = vector.shape_cast %get3A_788 : vector<1x16xi32> to vector<16xi32>
      %and3A_790 = arith.constant 65535 : i32
      %and3A_791 = vector.broadcast %and3A_790 : i32 to vector<16xi32>
      %and3A_792 = arith.andi %get3A_789, %and3A_791 : vector<16xi32>
      %swap3A_793 = arith.constant 112 : index
      %swap3A_794 = tpu.vector_load %arg9[%swap3A_793] {strides = array<i32>} : memref<128xi32, #tpu.memory_space<vmem>>, vector<16xi32>,
      %swap3A_795 = vector.shape_cast %swap3A_794 : vector<16xi32> to vector<16xi32>
      %swap3A_796 = vector.shape_cast %and3A_792 : vector<16xi32> to vector<16xi32>
      tpu.vector_store %arg9[%swap3A_793], %swap3A_796 {strides = array<i32>} : memref<128xi32, #tpu.memory_space<vmem>>, vector<16xi32>,
      %dma_start3A_797 = arith.constant 0 : i32
      %dma_start3A_798 = arith.constant 0 : i32
      %dma_start3A_799 = tpu.memref_slice %arg2[%dma_start3A_797, %dma_start3A_798] : memref<10000x128xf32, #tpu.memory_space<hbm>> -> memref<10000x128xf32, #tpu.memory_space<hbm>>
      tpu.enqueue_indirect_dma source(%dma_start3A_799 : memref<10000x128xf32, #tpu.memory_space<hbm>>) target(%arg12 : memref<128x128xf32, #tpu.memory_space<vmem>>) offsets(%arg9 : memref<128xi32, #tpu.memory_space<vmem>>) semaphore(%arg15 : memref<!tpu.dma_semaphore, #tpu.memory_space<semaphore_mem>>)
    }
    %scan3A_205 = arith.constant 39 : i32
    %dma_wait3A = arith.constant 0 : i32
    %dma_wait3A_206 = arith.constant 0 : i32
    %dma_wait3A_207 = tpu.memref_slice %arg2[%dma_wait3A, %dma_wait3A_206] : memref<10000x128xf32, #tpu.memory_space<hbm>> -> memref<128x128xf32, #tpu.memory_space<hbm>>
    %dma_wait3A_208 = arith.constant 0 : i32
    %dma_wait3A_209 = arith.constant 0 : i32
    %dma_wait3A_210 = tpu.memref_slice %arg2[%dma_wait3A_208, %dma_wait3A_209] : memref<10000x128xf32, #tpu.memory_space<hbm>> -> memref<128x128xf32, #tpu.memory_space<hbm>>
    tpu.wait_dma2 semaphore(%arg14 : memref<!tpu.dma_semaphore, #tpu.memory_space<semaphore_mem>>) src(%dma_wait3A_210 : memref<128x128xf32, #tpu.memory_space<hbm>>) dst(%arg11 : memref<128x128xf32, #tpu.memory_space<vmem>>)
    %get3A_211 = arith.constant 78 : i32
    %get3A_212 = arith.index_cast %get3A_211 : i32 to index
    %get3A_213 = arith.constant 0 : index
    %get3A_214 = tpu.vector_load %arg7[%get3A_212, %get3A_213] {strides = array<i32>} : memref<80x128xi32, #tpu.memory_space<vmem>>, vector<1x16xi32>,
    %get3A_215 = vector.shape_cast %get3A_214 : vector<1x16xi32> to vector<16xi32>
    %shift_right_logical3A = arith.constant 16 : i32
    %shift_right_logical3A_216 = vector.broadcast %shift_right_logical3A : i32 to vector<16xi32>
    %shift_right_logical3A_217 = arith.shrui %get3A_215, %shift_right_logical3A_216 : vector<16xi32>
    %swap3A_218 = arith.constant 0 : index
    %swap3A_219 = tpu.vector_load %arg10[%swap3A_218] {strides = array<i32>} : memref<128xi32, #tpu.memory_space<vmem>>, vector<16xi32>,
    %swap3A_220 = vector.shape_cast %swap3A_219 : vector<16xi32> to vector<16xi32>
    %swap3A_221 = vector.shape_cast %shift_right_logical3A_217 : vector<16xi32> to vector<16xi32>
    tpu.vector_store %arg10[%swap3A_218], %swap3A_221 {strides = array<i32>} : memref<128xi32, #tpu.memory_space<vmem>>, vector<16xi32>,
    %get3A_222 = arith.constant 78 : i32
    %get3A_223 = arith.index_cast %get3A_222 : i32 to index
    %get3A_224 = arith.constant 16 : index
    %get3A_225 = tpu.vector_load %arg7[%get3A_223, %get3A_224] {strides = array<i32>} : memref<80x128xi32, #tpu.memory_space<vmem>>, vector<1x16xi32>,
    %get3A_226 = vector.shape_cast %get3A_225 : vector<1x16xi32> to vector<16xi32>
    %shift_right_logical3A_227 = arith.constant 16 : i32
    %shift_right_logical3A_228 = vector.broadcast %shift_right_logical3A_227 : i32 to vector<16xi32>
    %shift_right_logical3A_229 = arith.shrui %get3A_226, %shift_right_logical3A_228 : vector<16xi32>
    %swap3A_230 = arith.constant 16 : index
    %swap3A_231 = tpu.vector_load %arg10[%swap3A_230] {strides = array<i32>} : memref<128xi32, #tpu.memory_space<vmem>>, vector<16xi32>,
    %swap3A_232 = vector.shape_cast %swap3A_231 : vector<16xi32> to vector<16xi32>
    %swap3A_233 = vector.shape_cast %shift_right_logical3A_229 : vector<16xi32> to vector<16xi32>
    tpu.vector_store %arg10[%swap3A_230], %swap3A_233 {strides = array<i32>} : memref<128xi32, #tpu.memory_space<vmem>>, vector<16xi32>,
    %get3A_234 = arith.constant 78 : i32
    %get3A_235 = arith.index_cast %get3A_234 : i32 to index
    %get3A_236 = arith.constant 32 : index
    %get3A_237 = tpu.vector_load %arg7[%get3A_235, %get3A_236] {strides = array<i32>} : memref<80x128xi32, #tpu.memory_space<vmem>>, vector<1x16xi32>,
    %get3A_238 = vector.shape_cast %get3A_237 : vector<1x16xi32> to vector<16xi32>
    %shift_right_logical3A_239 = arith.constant 16 : i32
    %shift_right_logical3A_240 = vector.broadcast %shift_right_logical3A_239 : i32 to vector<16xi32>
    %shift_right_logical3A_241 = arith.shrui %get3A_238, %shift_right_logical3A_240 : vector<16xi32>
    %swap3A_242 = arith.constant 32 : index
    %swap3A_243 = tpu.vector_load %arg10[%swap3A_242] {strides = array<i32>} : memref<128xi32, #tpu.memory_space<vmem>>, vector<16xi32>,
    %swap3A_244 = vector.shape_cast %swap3A_243 : vector<16xi32> to vector<16xi32>
    %swap3A_245 = vector.shape_cast %shift_right_logical3A_241 : vector<16xi32> to vector<16xi32>
    tpu.vector_store %arg10[%swap3A_242], %swap3A_245 {strides = array<i32>} : memref<128xi32, #tpu.memory_space<vmem>>, vector<16xi32>,
    %get3A_246 = arith.constant 78 : i32
    %get3A_247 = arith.index_cast %get3A_246 : i32 to index
    %get3A_248 = arith.constant 48 : index
    %get3A_249 = tpu.vector_load %arg7[%get3A_247, %get3A_248] {strides = array<i32>} : memref<80x128xi32, #tpu.memory_space<vmem>>, vector<1x16xi32>,
    %get3A_250 = vector.shape_cast %get3A_249 : vector<1x16xi32> to vector<16xi32>
    %shift_right_logical3A_251 = arith.constant 16 : i32
    %shift_right_logical3A_252 = vector.broadcast %shift_right_logical3A_251 : i32 to vector<16xi32>
    %shift_right_logical3A_253 = arith.shrui %get3A_250, %shift_right_logical3A_252 : vector<16xi32>
    %swap3A_254 = arith.constant 48 : index
    %swap3A_255 = tpu.vector_load %arg10[%swap3A_254] {strides = array<i32>} : memref<128xi32, #tpu.memory_space<vmem>>, vector<16xi32>,
    %swap3A_256 = vector.shape_cast %swap3A_255 : vector<16xi32> to vector<16xi32>
    %swap3A_257 = vector.shape_cast %shift_right_logical3A_253 : vector<16xi32> to vector<16xi32>
    tpu.vector_store %arg10[%swap3A_254], %swap3A_257 {strides = array<i32>} : memref<128xi32, #tpu.memory_space<vmem>>, vector<16xi32>,
    %get3A_258 = arith.constant 78 : i32
    %get3A_259 = arith.index_cast %get3A_258 : i32 to index
    %get3A_260 = arith.constant 64 : index
    %get3A_261 = tpu.vector_load %arg7[%get3A_259, %get3A_260] {strides = array<i32>} : memref<80x128xi32, #tpu.memory_space<vmem>>, vector<1x16xi32>,
    %get3A_262 = vector.shape_cast %get3A_261 : vector<1x16xi32> to vector<16xi32>
    %shift_right_logical3A_263 = arith.constant 16 : i32
    %shift_right_logical3A_264 = vector.broadcast %shift_right_logical3A_263 : i32 to vector<16xi32>
    %shift_right_logical3A_265 = arith.shrui %get3A_262, %shift_right_logical3A_264 : vector<16xi32>
    %swap3A_266 = arith.constant 64 : index
    %swap3A_267 = tpu.vector_load %arg10[%swap3A_266] {strides = array<i32>} : memref<128xi32, #tpu.memory_space<vmem>>, vector<16xi32>,
    %swap3A_268 = vector.shape_cast %swap3A_267 : vector<16xi32> to vector<16xi32>
    %swap3A_269 = vector.shape_cast %shift_right_logical3A_265 : vector<16xi32> to vector<16xi32>
    tpu.vector_store %arg10[%swap3A_266], %swap3A_269 {strides = array<i32>} : memref<128xi32, #tpu.memory_space<vmem>>, vector<16xi32>,
    %get3A_270 = arith.constant 78 : i32
    %get3A_271 = arith.index_cast %get3A_270 : i32 to index
    %get3A_272 = arith.constant 80 : index
    %get3A_273 = tpu.vector_load %arg7[%get3A_271, %get3A_272] {strides = array<i32>} : memref<80x128xi32, #tpu.memory_space<vmem>>, vector<1x16xi32>,
    %get3A_274 = vector.shape_cast %get3A_273 : vector<1x16xi32> to vector<16xi32>
    %shift_right_logical3A_275 = arith.constant 16 : i32
    %shift_right_logical3A_276 = vector.broadcast %shift_right_logical3A_275 : i32 to vector<16xi32>
    %shift_right_logical3A_277 = arith.shrui %get3A_274, %shift_right_logical3A_276 : vector<16xi32>
    %swap3A_278 = arith.constant 80 : index
    %swap3A_279 = tpu.vector_load %arg10[%swap3A_278] {strides = array<i32>} : memref<128xi32, #tpu.memory_space<vmem>>, vector<16xi32>,
    %swap3A_280 = vector.shape_cast %swap3A_279 : vector<16xi32> to vector<16xi32>
    %swap3A_281 = vector.shape_cast %shift_right_logical3A_277 : vector<16xi32> to vector<16xi32>
    tpu.vector_store %arg10[%swap3A_278], %swap3A_281 {strides = array<i32>} : memref<128xi32, #tpu.memory_space<vmem>>, vector<16xi32>,
    %get3A_282 = arith.constant 78 : i32
    %get3A_283 = arith.index_cast %get3A_282 : i32 to index
    %get3A_284 = arith.constant 96 : index
    %get3A_285 = tpu.vector_load %arg7[%get3A_283, %get3A_284] {strides = array<i32>} : memref<80x128xi32, #tpu.memory_space<vmem>>, vector<1x16xi32>,
    %get3A_286 = vector.shape_cast %get3A_285 : vector<1x16xi32> to vector<16xi32>
    %shift_right_logical3A_287 = arith.constant 16 : i32
    %shift_right_logical3A_288 = vector.broadcast %shift_right_logical3A_287 : i32 to vector<16xi32>
    %shift_right_logical3A_289 = arith.shrui %get3A_286, %shift_right_logical3A_288 : vector<16xi32>
    %swap3A_290 = arith.constant 96 : index
    %swap3A_291 = tpu.vector_load %arg10[%swap3A_290] {strides = array<i32>} : memref<128xi32, #tpu.memory_space<vmem>>, vector<16xi32>,
    %swap3A_292 = vector.shape_cast %swap3A_291 : vector<16xi32> to vector<16xi32>
    %swap3A_293 = vector.shape_cast %shift_right_logical3A_289 : vector<16xi32> to vector<16xi32>
    tpu.vector_store %arg10[%swap3A_290], %swap3A_293 {strides = array<i32>} : memref<128xi32, #tpu.memory_space<vmem>>, vector<16xi32>,
    %get3A_294 = arith.constant 78 : i32
    %get3A_295 = arith.index_cast %get3A_294 : i32 to index
    %get3A_296 = arith.constant 112 : index
    %get3A_297 = tpu.vector_load %arg7[%get3A_295, %get3A_296] {strides = array<i32>} : memref<80x128xi32, #tpu.memory_space<vmem>>, vector<1x16xi32>,
    %get3A_298 = vector.shape_cast %get3A_297 : vector<1x16xi32> to vector<16xi32>
    %shift_right_logical3A_299 = arith.constant 16 : i32
    %shift_right_logical3A_300 = vector.broadcast %shift_right_logical3A_299 : i32 to vector<16xi32>
    %shift_right_logical3A_301 = arith.shrui %get3A_298, %shift_right_logical3A_300 : vector<16xi32>
    %swap3A_302 = arith.constant 112 : index
    %swap3A_303 = tpu.vector_load %arg10[%swap3A_302] {strides = array<i32>} : memref<128xi32, #tpu.memory_space<vmem>>, vector<16xi32>,
    %swap3A_304 = vector.shape_cast %swap3A_303 : vector<16xi32> to vector<16xi32>
    %swap3A_305 = vector.shape_cast %shift_right_logical3A_301 : vector<16xi32> to vector<16xi32>
    tpu.vector_store %arg10[%swap3A_302], %swap3A_305 {strides = array<i32>} : memref<128xi32, #tpu.memory_space<vmem>>, vector<16xi32>,
    "tpu.region"() ({
      %run_scoped3A = tpu.sem_alloc : memref<!tpu.dma_semaphore, #tpu.memory_space<semaphore_mem>>
      %dma_start3A_419 = arith.constant 0 : i32
      %dma_start3A_420 = arith.constant 0 : i32
      %dma_start3A_421 = tpu.memref_slice %arg13[%dma_start3A_419, %dma_start3A_420] : memref<10256x128xf32, #tpu.memory_space<vmem_shared>> -> memref<10256x128xf32, #tpu.memory_space<vmem_shared>>
      tpu.enqueue_indirect_dma source(%arg11 : memref<128x128xf32, #tpu.memory_space<vmem>>) target(%dma_start3A_421 : memref<10256x128xf32, #tpu.memory_space<vmem_shared>>) offsets(%arg10 : memref<128xi32, #tpu.memory_space<vmem>>) semaphore(%run_scoped3A : memref<!tpu.dma_semaphore, #tpu.memory_space<semaphore_mem>>) {add = true}
      %dma_wait3A_422 = arith.constant 0 : i32
      %dma_wait3A_423 = arith.constant 0 : i32
      %dma_wait3A_424 = tpu.memref_slice %arg13[%dma_wait3A_422, %dma_wait3A_423] : memref<10256x128xf32, #tpu.memory_space<vmem_shared>> -> memref<10256x128xf32, #tpu.memory_space<vmem_shared>>
      tpu.wait_indirect_dma semaphore(%run_scoped3A : memref<!tpu.dma_semaphore, #tpu.memory_space<semaphore_mem>>) src(%arg11 : memref<128x128xf32, #tpu.memory_space<vmem>>) dst(%dma_wait3A_424 : memref<10256x128xf32, #tpu.memory_space<vmem_shared>>)
      tpu.yield
    }) : () -> ()
    %dma_wait3A_306 = arith.constant 0 : i32
    %dma_wait3A_307 = arith.constant 0 : i32
    %dma_wait3A_308 = tpu.memref_slice %arg2[%dma_wait3A_306, %dma_wait3A_307] : memref<10000x128xf32, #tpu.memory_space<hbm>> -> memref<128x128xf32, #tpu.memory_space<hbm>>
    %dma_wait3A_309 = arith.constant 0 : i32
    %dma_wait3A_310 = arith.constant 0 : i32
    %dma_wait3A_311 = tpu.memref_slice %arg2[%dma_wait3A_309, %dma_wait3A_310] : memref<10000x128xf32, #tpu.memory_space<hbm>> -> memref<128x128xf32, #tpu.memory_space<hbm>>
    tpu.wait_dma2 semaphore(%arg15 : memref<!tpu.dma_semaphore, #tpu.memory_space<semaphore_mem>>) src(%dma_wait3A_311 : memref<128x128xf32, #tpu.memory_space<hbm>>) dst(%arg12 : memref<128x128xf32, #tpu.memory_space<vmem>>)
    %get3A_312 = arith.constant 79 : i32
    %get3A_313 = arith.index_cast %get3A_312 : i32 to index
    %get3A_314 = arith.constant 0 : index
    %get3A_315 = tpu.vector_load %arg7[%get3A_313, %get3A_314] {strides = array<i32>} : memref<80x128xi32, #tpu.memory_space<vmem>>, vector<1x16xi32>,
    %get3A_316 = vector.shape_cast %get3A_315 : vector<1x16xi32> to vector<16xi32>
    %shift_right_logical3A_317 = arith.constant 16 : i32
    %shift_right_logical3A_318 = vector.broadcast %shift_right_logical3A_317 : i32 to vector<16xi32>
    %shift_right_logical3A_319 = arith.shrui %get3A_316, %shift_right_logical3A_318 : vector<16xi32>
    %swap3A_320 = arith.constant 0 : index
    %swap3A_321 = tpu.vector_load %arg10[%swap3A_320] {strides = array<i32>} : memref<128xi32, #tpu.memory_space<vmem>>, vector<16xi32>,
    %swap3A_322 = vector.shape_cast %swap3A_321 : vector<16xi32> to vector<16xi32>
    %swap3A_323 = vector.shape_cast %shift_right_logical3A_319 : vector<16xi32> to vector<16xi32>
    tpu.vector_store %arg10[%swap3A_320], %swap3A_323 {strides = array<i32>} : memref<128xi32, #tpu.memory_space<vmem>>, vector<16xi32>,
    %get3A_324 = arith.constant 79 : i32
    %get3A_325 = arith.index_cast %get3A_324 : i32 to index
    %get3A_326 = arith.constant 16 : index
    %get3A_327 = tpu.vector_load %arg7[%get3A_325, %get3A_326] {strides = array<i32>} : memref<80x128xi32, #tpu.memory_space<vmem>>, vector<1x16xi32>,
    %get3A_328 = vector.shape_cast %get3A_327 : vector<1x16xi32> to vector<16xi32>
    %shift_right_logical3A_329 = arith.constant 16 : i32
    %shift_right_logical3A_330 = vector.broadcast %shift_right_logical3A_329 : i32 to vector<16xi32>
    %shift_right_logical3A_331 = arith.shrui %get3A_328, %shift_right_logical3A_330 : vector<16xi32>
    %swap3A_332 = arith.constant 16 : index
    %swap3A_333 = tpu.vector_load %arg10[%swap3A_332] {strides = array<i32>} : memref<128xi32, #tpu.memory_space<vmem>>, vector<16xi32>,
    %swap3A_334 = vector.shape_cast %swap3A_333 : vector<16xi32> to vector<16xi32>
    %swap3A_335 = vector.shape_cast %shift_right_logical3A_331 : vector<16xi32> to vector<16xi32>
    tpu.vector_store %arg10[%swap3A_332], %swap3A_335 {strides = array<i32>} : memref<128xi32, #tpu.memory_space<vmem>>, vector<16xi32>,
    %get3A_336 = arith.constant 79 : i32
    %get3A_337 = arith.index_cast %get3A_336 : i32 to index
    %get3A_338 = arith.constant 32 : index
    %get3A_339 = tpu.vector_load %arg7[%get3A_337, %get3A_338] {strides = array<i32>} : memref<80x128xi32, #tpu.memory_space<vmem>>, vector<1x16xi32>,
    %get3A_340 = vector.shape_cast %get3A_339 : vector<1x16xi32> to vector<16xi32>
    %shift_right_logical3A_341 = arith.constant 16 : i32
    %shift_right_logical3A_342 = vector.broadcast %shift_right_logical3A_341 : i32 to vector<16xi32>
    %shift_right_logical3A_343 = arith.shrui %get3A_340, %shift_right_logical3A_342 : vector<16xi32>
    %swap3A_344 = arith.constant 32 : index
    %swap3A_345 = tpu.vector_load %arg10[%swap3A_344] {strides = array<i32>} : memref<128xi32, #tpu.memory_space<vmem>>, vector<16xi32>,
    %swap3A_346 = vector.shape_cast %swap3A_345 : vector<16xi32> to vector<16xi32>
    %swap3A_347 = vector.shape_cast %shift_right_logical3A_343 : vector<16xi32> to vector<16xi32>
    tpu.vector_store %arg10[%swap3A_344], %swap3A_347 {strides = array<i32>} : memref<128xi32, #tpu.memory_space<vmem>>, vector<16xi32>,
    %get3A_348 = arith.constant 79 : i32
    %get3A_349 = arith.index_cast %get3A_348 : i32 to index
    %get3A_350 = arith.constant 48 : index
    %get3A_351 = tpu.vector_load %arg7[%get3A_349, %get3A_350] {strides = array<i32>} : memref<80x128xi32, #tpu.memory_space<vmem>>, vector<1x16xi32>,
    %get3A_352 = vector.shape_cast %get3A_351 : vector<1x16xi32> to vector<16xi32>
    %shift_right_logical3A_353 = arith.constant 16 : i32
    %shift_right_logical3A_354 = vector.broadcast %shift_right_logical3A_353 : i32 to vector<16xi32>
    %shift_right_logical3A_355 = arith.shrui %get3A_352, %shift_right_logical3A_354 : vector<16xi32>
    %swap3A_356 = arith.constant 48 : index
    %swap3A_357 = tpu.vector_load %arg10[%swap3A_356] {strides = array<i32>} : memref<128xi32, #tpu.memory_space<vmem>>, vector<16xi32>,
    %swap3A_358 = vector.shape_cast %swap3A_357 : vector<16xi32> to vector<16xi32>
    %swap3A_359 = vector.shape_cast %shift_right_logical3A_355 : vector<16xi32> to vector<16xi32>
    tpu.vector_store %arg10[%swap3A_356], %swap3A_359 {strides = array<i32>} : memref<128xi32, #tpu.memory_space<vmem>>, vector<16xi32>,
    %get3A_360 = arith.constant 79 : i32
    %get3A_361 = arith.index_cast %get3A_360 : i32 to index
    %get3A_362 = arith.constant 64 : index
    %get3A_363 = tpu.vector_load %arg7[%get3A_361, %get3A_362] {strides = array<i32>} : memref<80x128xi32, #tpu.memory_space<vmem>>, vector<1x16xi32>,
    %get3A_364 = vector.shape_cast %get3A_363 : vector<1x16xi32> to vector<16xi32>
    %shift_right_logical3A_365 = arith.constant 16 : i32
    %shift_right_logical3A_366 = vector.broadcast %shift_right_logical3A_365 : i32 to vector<16xi32>
    %shift_right_logical3A_367 = arith.shrui %get3A_364, %shift_right_logical3A_366 : vector<16xi32>
    %swap3A_368 = arith.constant 64 : index
    %swap3A_369 = tpu.vector_load %arg10[%swap3A_368] {strides = array<i32>} : memref<128xi32, #tpu.memory_space<vmem>>, vector<16xi32>,
    %swap3A_370 = vector.shape_cast %swap3A_369 : vector<16xi32> to vector<16xi32>
    %swap3A_371 = vector.shape_cast %shift_right_logical3A_367 : vector<16xi32> to vector<16xi32>
    tpu.vector_store %arg10[%swap3A_368], %swap3A_371 {strides = array<i32>} : memref<128xi32, #tpu.memory_space<vmem>>, vector<16xi32>,
    %get3A_372 = arith.constant 79 : i32
    %get3A_373 = arith.index_cast %get3A_372 : i32 to index
    %get3A_374 = arith.constant 80 : index
    %get3A_375 = tpu.vector_load %arg7[%get3A_373, %get3A_374] {strides = array<i32>} : memref<80x128xi32, #tpu.memory_space<vmem>>, vector<1x16xi32>,
    %get3A_376 = vector.shape_cast %get3A_375 : vector<1x16xi32> to vector<16xi32>
    %shift_right_logical3A_377 = arith.constant 16 : i32
    %shift_right_logical3A_378 = vector.broadcast %shift_right_logical3A_377 : i32 to vector<16xi32>
    %shift_right_logical3A_379 = arith.shrui %get3A_376, %shift_right_logical3A_378 : vector<16xi32>
    %swap3A_380 = arith.constant 80 : index
    %swap3A_381 = tpu.vector_load %arg10[%swap3A_380] {strides = array<i32>} : memref<128xi32, #tpu.memory_space<vmem>>, vector<16xi32>,
    %swap3A_382 = vector.shape_cast %swap3A_381 : vector<16xi32> to vector<16xi32>
    %swap3A_383 = vector.shape_cast %shift_right_logical3A_379 : vector<16xi32> to vector<16xi32>
    tpu.vector_store %arg10[%swap3A_380], %swap3A_383 {strides = array<i32>} : memref<128xi32, #tpu.memory_space<vmem>>, vector<16xi32>,
    %get3A_384 = arith.constant 79 : i32
    %get3A_385 = arith.index_cast %get3A_384 : i32 to index
    %get3A_386 = arith.constant 96 : index
    %get3A_387 = tpu.vector_load %arg7[%get3A_385, %get3A_386] {strides = array<i32>} : memref<80x128xi32, #tpu.memory_space<vmem>>, vector<1x16xi32>,
    %get3A_388 = vector.shape_cast %get3A_387 : vector<1x16xi32> to vector<16xi32>
    %shift_right_logical3A_389 = arith.constant 16 : i32
    %shift_right_logical3A_390 = vector.broadcast %shift_right_logical3A_389 : i32 to vector<16xi32>
    %shift_right_logical3A_391 = arith.shrui %get3A_388, %shift_right_logical3A_390 : vector<16xi32>
    %swap3A_392 = arith.constant 96 : index
    %swap3A_393 = tpu.vector_load %arg10[%swap3A_392] {strides = array<i32>} : memref<128xi32, #tpu.memory_space<vmem>>, vector<16xi32>,
    %swap3A_394 = vector.shape_cast %swap3A_393 : vector<16xi32> to vector<16xi32>
    %swap3A_395 = vector.shape_cast %shift_right_logical3A_391 : vector<16xi32> to vector<16xi32>
    tpu.vector_store %arg10[%swap3A_392], %swap3A_395 {strides = array<i32>} : memref<128xi32, #tpu.memory_space<vmem>>, vector<16xi32>,
    %get3A_396 = arith.constant 79 : i32
    %get3A_397 = arith.index_cast %get3A_396 : i32 to index
    %get3A_398 = arith.constant 112 : index
    %get3A_399 = tpu.vector_load %arg7[%get3A_397, %get3A_398] {strides = array<i32>} : memref<80x128xi32, #tpu.memory_space<vmem>>, vector<1x16xi32>,
    %get3A_400 = vector.shape_cast %get3A_399 : vector<1x16xi32> to vector<16xi32>
    %shift_right_logical3A_401 = arith.constant 16 : i32
    %shift_right_logical3A_402 = vector.broadcast %shift_right_logical3A_401 : i32 to vector<16xi32>
    %shift_right_logical3A_403 = arith.shrui %get3A_400, %shift_right_logical3A_402 : vector<16xi32>
    %swap3A_404 = arith.constant 112 : index
    %swap3A_405 = tpu.vector_load %arg10[%swap3A_404] {strides = array<i32>} : memref<128xi32, #tpu.memory_space<vmem>>, vector<16xi32>,
    %swap3A_406 = vector.shape_cast %swap3A_405 : vector<16xi32> to vector<16xi32>
    %swap3A_407 = vector.shape_cast %shift_right_logical3A_403 : vector<16xi32> to vector<16xi32>
    tpu.vector_store %arg10[%swap3A_404], %swap3A_407 {strides = array<i32>} : memref<128xi32, #tpu.memory_space<vmem>>, vector<16xi32>,
    "tpu.region"() ({
      %run_scoped3A = tpu.sem_alloc : memref<!tpu.dma_semaphore, #tpu.memory_space<semaphore_mem>>
      %dma_start3A_419 = arith.constant 0 : i32
      %dma_start3A_420 = arith.constant 0 : i32
      %dma_start3A_421 = tpu.memref_slice %arg13[%dma_start3A_419, %dma_start3A_420] : memref<10256x128xf32, #tpu.memory_space<vmem_shared>> -> memref<10256x128xf32, #tpu.memory_space<vmem_shared>>
      tpu.enqueue_indirect_dma source(%arg12 : memref<128x128xf32, #tpu.memory_space<vmem>>) target(%dma_start3A_421 : memref<10256x128xf32, #tpu.memory_space<vmem_shared>>) offsets(%arg10 : memref<128xi32, #tpu.memory_space<vmem>>) semaphore(%run_scoped3A : memref<!tpu.dma_semaphore, #tpu.memory_space<semaphore_mem>>) {add = true}
      %dma_wait3A_422 = arith.constant 0 : i32
      %dma_wait3A_423 = arith.constant 0 : i32
      %dma_wait3A_424 = tpu.memref_slice %arg13[%dma_wait3A_422, %dma_wait3A_423] : memref<10256x128xf32, #tpu.memory_space<vmem_shared>> -> memref<10256x128xf32, #tpu.memory_space<vmem_shared>>
      tpu.wait_indirect_dma semaphore(%run_scoped3A : memref<!tpu.dma_semaphore, #tpu.memory_space<semaphore_mem>>) src(%arg12 : memref<128x128xf32, #tpu.memory_space<vmem>>) dst(%dma_wait3A_424 : memref<10256x128xf32, #tpu.memory_space<vmem_shared>>)
      tpu.yield
    }) : () -> ()
    %barrier3A_408 = arith.constant 0 : index
    tpu.barrier barrier_id(%barrier3A_408)
    %eq3A_409 = arith.constant 0 : i32
    %eq3A_410 = arith.cmpi eq, %arg0, %eq3A_409 : i32
    %convert_element_type3A_411 = arith.extui %eq3A_410 : i1 to i32
    %cond3A_412 = arith.constant 0 : i32
    %cond3A_413 = arith.cmpi ne, %convert_element_type3A_411, %cond3A_412 : i32
    scf.if %cond3A_413 {
      %mul3A_419 = arith.constant 624 : i32
      %mul3A_420 = arith.muli %arg1, %mul3A_419 : i32
      %mul3A_421 = arith.constant 624 : i32
      %mul3A_422 = arith.muli %arg1, %mul3A_421 : i32
      "tpu.region"() ({
        %run_scoped3A = tpu.sem_alloc : memref<!tpu.dma_semaphore, #tpu.memory_space<semaphore_mem>>
        %dma_start3A_428 = arith.constant 0 : i32
        %dma_start3A_429 = tpu.memref_slice %arg5[%mul3A_422, %dma_start3A_428] : memref<10000x128xf32, #tpu.memory_space<hbm>> -> memref<624x128xf32, #tpu.memory_space<hbm>>
        %dma_start3A_430 = arith.constant 0 : i32
        %dma_start3A_431 = tpu.memref_slice %arg13[%mul3A_420, %dma_start3A_430] : memref<10256x128xf32, #tpu.memory_space<vmem_shared>> -> memref<624x128xf32, #tpu.memory_space<vmem_shared>>
        tpu.enqueue_dma source(%dma_start3A_431 : memref<624x128xf32, #tpu.memory_space<vmem_shared>>) target(%dma_start3A_429 : memref<624x128xf32, #tpu.memory_space<hbm>>) target_semaphore(%run_scoped3A : memref<!tpu.dma_semaphore, #tpu.memory_space<semaphore_mem>>)
        %dma_wait3A_432 = arith.constant 0 : i32
        %dma_wait3A_433 = tpu.memref_slice %arg5[%mul3A_422, %dma_wait3A_432] : memref<10000x128xf32, #tpu.memory_space<hbm>> -> memref<624x128xf32, #tpu.memory_space<hbm>>
        %dma_wait3A_434 = arith.constant 0 : i32
        %dma_wait3A_435 = tpu.memref_slice %arg13[%mul3A_420, %dma_wait3A_434] : memref<10256x128xf32, #tpu.memory_space<vmem_shared>> -> memref<624x128xf32, #tpu.memory_space<vmem_shared>>
        tpu.wait_dma2 semaphore(%run_scoped3A : memref<!tpu.dma_semaphore, #tpu.memory_space<semaphore_mem>>) src(%dma_wait3A_435 : memref<624x128xf32, #tpu.memory_space<vmem_shared>>) dst(%dma_wait3A_433 : memref<624x128xf32, #tpu.memory_space<hbm>>)
        tpu.yield
      }) : () -> ()
      %eq3A_423 = arith.constant 15 : i32
      %eq3A_424 = arith.cmpi eq, %arg1, %eq3A_423 : i32
      %convert_element_type3A_425 = arith.extui %eq3A_424 : i1 to i32
      %cond3A_426 = arith.constant 0 : i32
      %cond3A_427 = arith.cmpi ne, %convert_element_type3A_425, %cond3A_426 : i32
      scf.if %cond3A_427 {
        "tpu.region"() ({
          %run_scoped3A = tpu.sem_alloc : memref<!tpu.dma_semaphore, #tpu.memory_space<semaphore_mem>>
          %dma_start3A_428 = arith.constant 9984 : i32
          %dma_start3A_429 = arith.constant 0 : i32
          %dma_start3A_430 = tpu.memref_slice %arg5[%dma_start3A_428, %dma_start3A_429] : memref<10000x128xf32, #tpu.memory_space<hbm>> -> memref<16x128xf32, #tpu.memory_space<hbm>>
          %dma_start3A_431 = arith.constant 9984 : i32
          %dma_start3A_432 = arith.constant 0 : i32
          %dma_start3A_433 = tpu.memref_slice %arg13[%dma_start3A_431, %dma_start3A_432] : memref<10256x128xf32, #tpu.memory_space<vmem_shared>> -> memref<16x128xf32, #tpu.memory_space<vmem_shared>>
          tpu.enqueue_dma source(%dma_start3A_433 : memref<16x128xf32, #tpu.memory_space<vmem_shared>>) target(%dma_start3A_430 : memref<16x128xf32, #tpu.memory_space<hbm>>) target_semaphore(%run_scoped3A : memref<!tpu.dma_semaphore, #tpu.memory_space<semaphore_mem>>)
          %dma_wait3A_434 = arith.constant 9984 : i32
          %dma_wait3A_435 = arith.constant 0 : i32
          %dma_wait3A_436 = tpu.memref_slice %arg5[%dma_wait3A_434, %dma_wait3A_435] : memref<10000x128xf32, #tpu.memory_space<hbm>> -> memref<16x128xf32, #tpu.memory_space<hbm>>
          %dma_wait3A_437 = arith.constant 9984 : i32
          %dma_wait3A_438 = arith.constant 0 : i32
          %dma_wait3A_439 = tpu.memref_slice %arg13[%dma_wait3A_437, %dma_wait3A_438] : memref<10256x128xf32, #tpu.memory_space<vmem_shared>> -> memref<16x128xf32, #tpu.memory_space<vmem_shared>>
          tpu.wait_dma2 semaphore(%run_scoped3A : memref<!tpu.dma_semaphore, #tpu.memory_space<semaphore_mem>>) src(%dma_wait3A_439 : memref<16x128xf32, #tpu.memory_space<vmem_shared>>) dst(%dma_wait3A_436 : memref<16x128xf32, #tpu.memory_space<hbm>>)
          tpu.yield
        }) : () -> ()
      } else {
      }
    } else {
    }
    %eq3A_414 = arith.constant 1 : i32
    %eq3A_415 = arith.cmpi eq, %arg0, %eq3A_414 : i32
    %convert_element_type3A_416 = arith.extui %eq3A_415 : i1 to i32
    %cond3A_417 = arith.constant 0 : i32
    %cond3A_418 = arith.cmpi ne, %convert_element_type3A_416, %cond3A_417 : i32
    scf.if %cond3A_418 {
      %mul3A_419 = arith.constant 624 : i32
      %mul3A_420 = arith.muli %arg1, %mul3A_419 : i32
      %mul3A_421 = arith.constant 624 : i32
      %mul3A_422 = arith.muli %arg1, %mul3A_421 : i32
      "tpu.region"() ({
        %run_scoped3A = tpu.sem_alloc : memref<!tpu.dma_semaphore, #tpu.memory_space<semaphore_mem>>
        %dma_start3A_428 = arith.constant 0 : i32
        %dma_start3A_429 = tpu.memref_slice %arg6[%mul3A_422, %dma_start3A_428] : memref<10000x128xf32, #tpu.memory_space<hbm>> -> memref<624x128xf32, #tpu.memory_space<hbm>>
        %dma_start3A_430 = arith.constant 0 : i32
        %dma_start3A_431 = tpu.memref_slice %arg13[%mul3A_420, %dma_start3A_430] : memref<10256x128xf32, #tpu.memory_space<vmem_shared>> -> memref<624x128xf32, #tpu.memory_space<vmem_shared>>
        tpu.enqueue_dma source(%dma_start3A_431 : memref<624x128xf32, #tpu.memory_space<vmem_shared>>) target(%dma_start3A_429 : memref<624x128xf32, #tpu.memory_space<hbm>>) target_semaphore(%run_scoped3A : memref<!tpu.dma_semaphore, #tpu.memory_space<semaphore_mem>>)
        %dma_wait3A_432 = arith.constant 0 : i32
        %dma_wait3A_433 = tpu.memref_slice %arg6[%mul3A_422, %dma_wait3A_432] : memref<10000x128xf32, #tpu.memory_space<hbm>> -> memref<624x128xf32, #tpu.memory_space<hbm>>
        %dma_wait3A_434 = arith.constant 0 : i32
        %dma_wait3A_435 = tpu.memref_slice %arg13[%mul3A_420, %dma_wait3A_434] : memref<10256x128xf32, #tpu.memory_space<vmem_shared>> -> memref<624x128xf32, #tpu.memory_space<vmem_shared>>
        tpu.wait_dma2 semaphore(%run_scoped3A : memref<!tpu.dma_semaphore, #tpu.memory_space<semaphore_mem>>) src(%dma_wait3A_435 : memref<624x128xf32, #tpu.memory_space<vmem_shared>>) dst(%dma_wait3A_433 : memref<624x128xf32, #tpu.memory_space<hbm>>)
        tpu.yield
      }) : () -> ()
      %eq3A_423 = arith.constant 15 : i32
      %eq3A_424 = arith.cmpi eq, %arg1, %eq3A_423 : i32
      %convert_element_type3A_425 = arith.extui %eq3A_424 : i1 to i32
      %cond3A_426 = arith.constant 0 : i32
      %cond3A_427 = arith.cmpi ne, %convert_element_type3A_425, %cond3A_426 : i32
      scf.if %cond3A_427 {
        "tpu.region"() ({
          %run_scoped3A = tpu.sem_alloc : memref<!tpu.dma_semaphore, #tpu.memory_space<semaphore_mem>>
          %dma_start3A_428 = arith.constant 9984 : i32
          %dma_start3A_429 = arith.constant 0 : i32
          %dma_start3A_430 = tpu.memref_slice %arg6[%dma_start3A_428, %dma_start3A_429] : memref<10000x128xf32, #tpu.memory_space<hbm>> -> memref<16x128xf32, #tpu.memory_space<hbm>>
          %dma_start3A_431 = arith.constant 9984 : i32
          %dma_start3A_432 = arith.constant 0 : i32
          %dma_start3A_433 = tpu.memref_slice %arg13[%dma_start3A_431, %dma_start3A_432] : memref<10256x128xf32, #tpu.memory_space<vmem_shared>> -> memref<16x128xf32, #tpu.memory_space<vmem_shared>>
          tpu.enqueue_dma source(%dma_start3A_433 : memref<16x128xf32, #tpu.memory_space<vmem_shared>>) target(%dma_start3A_430 : memref<16x128xf32, #tpu.memory_space<hbm>>) target_semaphore(%run_scoped3A : memref<!tpu.dma_semaphore, #tpu.memory_space<semaphore_mem>>)
          %dma_wait3A_434 = arith.constant 9984 : i32
          %dma_wait3A_435 = arith.constant 0 : i32
          %dma_wait3A_436 = tpu.memref_slice %arg6[%dma_wait3A_434, %dma_wait3A_435] : memref<10000x128xf32, #tpu.memory_space<hbm>> -> memref<16x128xf32, #tpu.memory_space<hbm>>
          %dma_wait3A_437 = arith.constant 9984 : i32
          %dma_wait3A_438 = arith.constant 0 : i32
          %dma_wait3A_439 = tpu.memref_slice %arg13[%dma_wait3A_437, %dma_wait3A_438] : memref<10256x128xf32, #tpu.memory_space<vmem_shared>> -> memref<16x128xf32, #tpu.memory_space<vmem_shared>>
          tpu.wait_dma2 semaphore(%run_scoped3A : memref<!tpu.dma_semaphore, #tpu.memory_space<semaphore_mem>>) src(%dma_wait3A_439 : memref<16x128xf32, #tpu.memory_space<vmem_shared>>) dst(%dma_wait3A_436 : memref<16x128xf32, #tpu.memory_space<hbm>>)
          tpu.yield
        }) : () -> ()
      } else {
      }
    } else {
    }
    return
  }
}

module attributes {stable_mosaic.version = 14 : i64} {
  func.func @_tc_self_body(%arg0: i32, %arg1: memref<1000x128xf32, #tpu.memory_space<vmem>>, %arg2: memref<128x128xf32, #tpu.memory_space<vmem>>, %arg3: memref<1000x128xf32, #tpu.memory_space<vmem>>) attributes {dimension_semantics = [#tpu.dimension_semantics<arbitrary>], iteration_bounds = array<i64: 10>, scalar_prefetch = 0 : i64, scratch_operands = 0 : i64, tpu.core_type = #tpu.core_type<tc>, window_params = [{transform_indices = @transform_0, window_bounds = array<i64: 1000, 128>}, {pipeline_mode = #tpu.pipeline_mode<synchronous>, transform_indices = @transform_1, window_bounds = array<i64: 128, 128>}, {transform_indices = @transform_2, window_bounds = array<i64: 1000, 128>}]} {
    %get3A = arith.constant 0 : index
    %get3A_0 = arith.constant 0 : index
    %get3A_1 = vector.load %arg1[%get3A, %get3A_0] : memref<1000x128xf32, #tpu.memory_space<vmem>>, vector<1000x128xf32>
    %get3A_2 = arith.constant 0 : index
    %get3A_3 = arith.constant 0 : index
    %get3A_4 = vector.load %arg2[%get3A_2, %get3A_3] : memref<128x128xf32, #tpu.memory_space<vmem>>, vector<128x128xf32>
    %dot_general3A = arith.constant dense<0.000000e+00> : vector<1000x128xf32>
    %dot_general3A_5 = tpu.matmul %get3A_1, %get3A_4, %dot_general3A {dimension_numbers = #tpu.dot_dimension_numbers<[1], [0], [0], [1], [0, 0, 1, 1], [], []>, transpose_lhs_hint = false} : vector<1000x128xf32>, vector<128x128xf32>, vector<1000x128xf32> -> vector<1000x128xf32>
    %swap3A = arith.constant 0 : index
    %swap3A_6 = arith.constant 0 : index
    %swap3A_7 = vector.load %arg3[%swap3A, %swap3A_6] : memref<1000x128xf32, #tpu.memory_space<vmem>>, vector<1000x128xf32>
    tpu.vector_store %arg3[%swap3A, %swap3A_6], %dot_general3A_5 {strides = array<i32>} : memref<1000x128xf32, #tpu.memory_space<vmem>>, vector<1000x128xf32>,
    return
  }
  func.func @transform_0(%arg0: i32) -> (i32, i32) {
    %c0_i32 = arith.constant 0 : i32
    %c0_i32_0 = arith.constant 0 : i32
    return %arg0, %c0_i32 : i32, i32
  }
  func.func @transform_1(%arg0: i32) -> (i32, i32) {
    %c0_i32 = arith.constant 0 : i32
    %c0_i32_0 = arith.constant 0 : i32
    %c0_i32_1 = arith.constant 0 : i32
    return %c0_i32, %c0_i32_0 : i32, i32
  }
  func.func @transform_2(%arg0: i32) -> (i32, i32) {
    %c0_i32 = arith.constant 0 : i32
    %c0_i32_0 = arith.constant 0 : i32
    return %arg0, %c0_i32 : i32, i32
  }
}

module attributes {stable_mosaic.version = 14 : i64} {
  func.func @_tc_comb_body(%arg0: i32, %arg1: memref<1000x128xf32, #tpu.memory_space<vmem>>, %arg2: memref<1000x128xf32, #tpu.memory_space<vmem>>, %arg3: memref<1000x128xf32, #tpu.memory_space<vmem>>, %arg4: memref<1000x1xf32, #tpu.memory_space<vmem>>, %arg5: memref<1000x1xf32, #tpu.memory_space<vmem>>, %arg6: memref<128x128xf32, #tpu.memory_space<vmem>>, %arg7: memref<1x128xf32, #tpu.memory_space<vmem>>, %arg8: memref<1000x128xf32, #tpu.memory_space<vmem>>) attributes {dimension_semantics = [#tpu.dimension_semantics<arbitrary>], iteration_bounds = array<i64: 10>, scalar_prefetch = 0 : i64, scratch_operands = 0 : i64, tpu.core_type = #tpu.core_type<tc>, window_params = [{transform_indices = @transform_0, window_bounds = array<i64: 1000, 128>}, {transform_indices = @transform_1, window_bounds = array<i64: 1000, 128>}, {transform_indices = @transform_2, window_bounds = array<i64: 1000, 128>}, {transform_indices = @transform_3, window_bounds = array<i64: 1000, 1>}, {transform_indices = @transform_4, window_bounds = array<i64: 1000, 1>}, {pipeline_mode = #tpu.pipeline_mode<synchronous>, transform_indices = @transform_5, window_bounds = array<i64: 128, 128>}, {pipeline_mode = #tpu.pipeline_mode<synchronous>, transform_indices = @transform_6, window_bounds = array<i64: 1, 128>}, {transform_indices = @transform_7, window_bounds = array<i64: 1000, 128>}]} {
    %get3A = arith.constant 0 : index
    %get3A_0 = arith.constant 0 : index
    %get3A_1 = vector.load %arg4[%get3A, %get3A_0] : memref<1000x1xf32, #tpu.memory_space<vmem>>, vector<1000x1xf32>
    %get3A_2 = arith.constant 0 : index
    %get3A_3 = arith.constant 0 : index
    %get3A_4 = vector.load %arg5[%get3A_2, %get3A_3] : memref<1000x1xf32, #tpu.memory_space<vmem>>, vector<1000x1xf32>
    %add3A = arith.addf %get3A_1, %get3A_4 : vector<1000x1xf32>
    %max3A = arith.constant 1.000000e+00 : f32
    %max3A_5 = vector.broadcast %max3A : f32 to vector<1000x1xf32>
    %max3A_6 = arith.maximumf %add3A, %max3A_5 : vector<1000x1xf32>
    %div3A = arith.constant 1.000000e+00 : f32
    %div3A_7 = vector.broadcast %div3A : f32 to vector<1000x1xf32>
    %div3A_8 = arith.divf %div3A_7, %max3A_6 : vector<1000x1xf32>
    %get3A_9 = arith.constant 0 : index
    %get3A_10 = arith.constant 0 : index
    %get3A_11 = vector.load %arg2[%get3A_9, %get3A_10] : memref<1000x128xf32, #tpu.memory_space<vmem>>, vector<1000x128xf32>
    %get3A_12 = arith.constant 0 : index
    %get3A_13 = arith.constant 0 : index
    %get3A_14 = vector.load %arg3[%get3A_12, %get3A_13] : memref<1000x128xf32, #tpu.memory_space<vmem>>, vector<1000x128xf32>
    %add3A_15 = arith.addf %get3A_11, %get3A_14 : vector<1000x128xf32>
    %mul3A = vector.broadcast %div3A_8 : vector<1000x1xf32> to vector<1000x128xf32>
    %mul3A_16 = arith.mulf %add3A_15, %mul3A : vector<1000x128xf32>
    %get3A_17 = arith.constant 0 : index
    %get3A_18 = arith.constant 0 : index
    %get3A_19 = vector.load %arg1[%get3A_17, %get3A_18] : memref<1000x128xf32, #tpu.memory_space<vmem>>, vector<1000x128xf32>
    %get3A_20 = arith.constant 0 : index
    %get3A_21 = arith.constant 0 : index
    %get3A_22 = vector.load %arg6[%get3A_20, %get3A_21] : memref<128x128xf32, #tpu.memory_space<vmem>>, vector<128x128xf32>
    %dot_general3A = arith.constant dense<0.000000e+00> : vector<1000x128xf32>
    %dot_general3A_23 = tpu.matmul %mul3A_16, %get3A_22, %dot_general3A {dimension_numbers = #tpu.dot_dimension_numbers<[1], [0], [0], [1], [0, 0, 1, 1], [], []>, transpose_lhs_hint = false} : vector<1000x128xf32>, vector<128x128xf32>, vector<1000x128xf32> -> vector<1000x128xf32>
    %add3A_24 = arith.addf %get3A_19, %dot_general3A_23 : vector<1000x128xf32>
    %get3A_25 = arith.constant 0 : index
    %get3A_26 = arith.constant 0 : index
    %get3A_27 = vector.load %arg7[%get3A_25, %get3A_26] : memref<1x128xf32, #tpu.memory_space<vmem>>, vector<1x128xf32>
    %add3A_28 = vector.broadcast %get3A_27 : vector<1x128xf32> to vector<1000x128xf32>
    %add3A_29 = arith.addf %add3A_24, %add3A_28 : vector<1000x128xf32>
    %max3A_30 = arith.constant 0.000000e+00 : f32
    %max3A_31 = vector.broadcast %max3A_30 : f32 to vector<1000x128xf32>
    %max3A_32 = arith.maximumf %add3A_29, %max3A_31 : vector<1000x128xf32>
    %swap3A = arith.constant 0 : index
    %swap3A_33 = arith.constant 0 : index
    %swap3A_34 = vector.load %arg8[%swap3A, %swap3A_33] : memref<1000x128xf32, #tpu.memory_space<vmem>>, vector<1000x128xf32>
    tpu.vector_store %arg8[%swap3A, %swap3A_33], %max3A_32 {strides = array<i32>} : memref<1000x128xf32, #tpu.memory_space<vmem>>, vector<1000x128xf32>,
    return
  }
  func.func @transform_0(%arg0: i32) -> (i32, i32) {
    %c0_i32 = arith.constant 0 : i32
    %c0_i32_0 = arith.constant 0 : i32
    return %arg0, %c0_i32 : i32, i32
  }
  func.func @transform_1(%arg0: i32) -> (i32, i32) {
    %c0_i32 = arith.constant 0 : i32
    %c0_i32_0 = arith.constant 0 : i32
    return %arg0, %c0_i32 : i32, i32
  }
  func.func @transform_2(%arg0: i32) -> (i32, i32) {
    %c0_i32 = arith.constant 0 : i32
    %c0_i32_0 = arith.constant 0 : i32
    return %arg0, %c0_i32 : i32, i32
  }
  func.func @transform_3(%arg0: i32) -> (i32, i32) {
    %c0_i32 = arith.constant 0 : i32
    %c0_i32_0 = arith.constant 0 : i32
    return %arg0, %c0_i32 : i32, i32
  }
  func.func @transform_4(%arg0: i32) -> (i32, i32) {
    %c0_i32 = arith.constant 0 : i32
    %c0_i32_0 = arith.constant 0 : i32
    return %arg0, %c0_i32 : i32, i32
  }
  func.func @transform_5(%arg0: i32) -> (i32, i32) {
    %c0_i32 = arith.constant 0 : i32
    %c0_i32_0 = arith.constant 0 : i32
    %c0_i32_1 = arith.constant 0 : i32
    return %c0_i32, %c0_i32_0 : i32, i32
  }
  func.func @transform_6(%arg0: i32) -> (i32, i32) {
    %c0_i32 = arith.constant 0 : i32
    %c0_i32_0 = arith.constant 0 : i32
    %c0_i32_1 = arith.constant 0 : i32
    return %c0_i32, %c0_i32_0 : i32, i32
  }
  func.func @transform_7(%arg0: i32) -> (i32, i32) {
    %c0_i32 = arith.constant 0 : i32
    %c0_i32_0 = arith.constant 0 : i32
    return %arg0, %c0_i32 : i32, i32
  }
}

module attributes {stable_mosaic.version = 14 : i64} {
  func.func @_tc_comb_body(%arg0: i32, %arg1: memref<1000x128xf32, #tpu.memory_space<vmem>>, %arg2: memref<1000x128xf32, #tpu.memory_space<vmem>>, %arg3: memref<1000x128xf32, #tpu.memory_space<vmem>>, %arg4: memref<1000x1xf32, #tpu.memory_space<vmem>>, %arg5: memref<1000x1xf32, #tpu.memory_space<vmem>>, %arg6: memref<128x128xf32, #tpu.memory_space<vmem>>, %arg7: memref<1x128xf32, #tpu.memory_space<vmem>>, %arg8: memref<128x40xf32, #tpu.memory_space<vmem>>, %arg9: memref<1x40xf32, #tpu.memory_space<vmem>>, %arg10: memref<1000x40xf32, #tpu.memory_space<vmem>>) attributes {dimension_semantics = [#tpu.dimension_semantics<arbitrary>], iteration_bounds = array<i64: 10>, scalar_prefetch = 0 : i64, scratch_operands = 0 : i64, tpu.core_type = #tpu.core_type<tc>, window_params = [{transform_indices = @transform_0, window_bounds = array<i64: 1000, 128>}, {transform_indices = @transform_1, window_bounds = array<i64: 1000, 128>}, {transform_indices = @transform_2, window_bounds = array<i64: 1000, 128>}, {transform_indices = @transform_3, window_bounds = array<i64: 1000, 1>}, {transform_indices = @transform_4, window_bounds = array<i64: 1000, 1>}, {pipeline_mode = #tpu.pipeline_mode<synchronous>, transform_indices = @transform_5, window_bounds = array<i64: 128, 128>}, {pipeline_mode = #tpu.pipeline_mode<synchronous>, transform_indices = @transform_6, window_bounds = array<i64: 1, 128>}, {pipeline_mode = #tpu.pipeline_mode<synchronous>, transform_indices = @transform_7, window_bounds = array<i64: 128, 40>}, {pipeline_mode = #tpu.pipeline_mode<synchronous>, transform_indices = @transform_8, window_bounds = array<i64: 1, 40>}, {transform_indices = @transform_9, window_bounds = array<i64: 1000, 40>}]} {
    %get3A = arith.constant 0 : index
    %get3A_0 = arith.constant 0 : index
    %get3A_1 = vector.load %arg4[%get3A, %get3A_0] : memref<1000x1xf32, #tpu.memory_space<vmem>>, vector<1000x1xf32>
    %get3A_2 = arith.constant 0 : index
    %get3A_3 = arith.constant 0 : index
    %get3A_4 = vector.load %arg5[%get3A_2, %get3A_3] : memref<1000x1xf32, #tpu.memory_space<vmem>>, vector<1000x1xf32>
    %add3A = arith.addf %get3A_1, %get3A_4 : vector<1000x1xf32>
    %max3A = arith.constant 1.000000e+00 : f32
    %max3A_5 = vector.broadcast %max3A : f32 to vector<1000x1xf32>
    %max3A_6 = arith.maximumf %add3A, %max3A_5 : vector<1000x1xf32>
    %div3A = arith.constant 1.000000e+00 : f32
    %div3A_7 = vector.broadcast %div3A : f32 to vector<1000x1xf32>
    %div3A_8 = arith.divf %div3A_7, %max3A_6 : vector<1000x1xf32>
    %get3A_9 = arith.constant 0 : index
    %get3A_10 = arith.constant 0 : index
    %get3A_11 = vector.load %arg2[%get3A_9, %get3A_10] : memref<1000x128xf32, #tpu.memory_space<vmem>>, vector<1000x128xf32>
    %get3A_12 = arith.constant 0 : index
    %get3A_13 = arith.constant 0 : index
    %get3A_14 = vector.load %arg3[%get3A_12, %get3A_13] : memref<1000x128xf32, #tpu.memory_space<vmem>>, vector<1000x128xf32>
    %add3A_15 = arith.addf %get3A_11, %get3A_14 : vector<1000x128xf32>
    %mul3A = vector.broadcast %div3A_8 : vector<1000x1xf32> to vector<1000x128xf32>
    %mul3A_16 = arith.mulf %add3A_15, %mul3A : vector<1000x128xf32>
    %get3A_17 = arith.constant 0 : index
    %get3A_18 = arith.constant 0 : index
    %get3A_19 = vector.load %arg1[%get3A_17, %get3A_18] : memref<1000x128xf32, #tpu.memory_space<vmem>>, vector<1000x128xf32>
    %get3A_20 = arith.constant 0 : index
    %get3A_21 = arith.constant 0 : index
    %get3A_22 = vector.load %arg6[%get3A_20, %get3A_21] : memref<128x128xf32, #tpu.memory_space<vmem>>, vector<128x128xf32>
    %dot_general3A = arith.constant dense<0.000000e+00> : vector<1000x128xf32>
    %dot_general3A_23 = tpu.matmul %mul3A_16, %get3A_22, %dot_general3A {dimension_numbers = #tpu.dot_dimension_numbers<[1], [0], [0], [1], [0, 0, 1, 1], [], []>, transpose_lhs_hint = false} : vector<1000x128xf32>, vector<128x128xf32>, vector<1000x128xf32> -> vector<1000x128xf32>
    %add3A_24 = arith.addf %get3A_19, %dot_general3A_23 : vector<1000x128xf32>
    %get3A_25 = arith.constant 0 : index
    %get3A_26 = arith.constant 0 : index
    %get3A_27 = vector.load %arg7[%get3A_25, %get3A_26] : memref<1x128xf32, #tpu.memory_space<vmem>>, vector<1x128xf32>
    %add3A_28 = vector.broadcast %get3A_27 : vector<1x128xf32> to vector<1000x128xf32>
    %add3A_29 = arith.addf %add3A_24, %add3A_28 : vector<1000x128xf32>
    %max3A_30 = arith.constant 0.000000e+00 : f32
    %max3A_31 = vector.broadcast %max3A_30 : f32 to vector<1000x128xf32>
    %max3A_32 = arith.maximumf %add3A_29, %max3A_31 : vector<1000x128xf32>
    %get3A_33 = arith.constant 0 : index
    %get3A_34 = arith.constant 0 : index
    %get3A_35 = vector.load %arg8[%get3A_33, %get3A_34] : memref<128x40xf32, #tpu.memory_space<vmem>>, vector<128x40xf32>
    %dot_general3A_36 = arith.constant dense<0.000000e+00> : vector<1000x40xf32>
    %dot_general3A_37 = tpu.matmul %max3A_32, %get3A_35, %dot_general3A_36 {dimension_numbers = #tpu.dot_dimension_numbers<[1], [0], [0], [1], [0, 0, 1, 1], [], []>, transpose_lhs_hint = false} : vector<1000x128xf32>, vector<128x40xf32>, vector<1000x40xf32> -> vector<1000x40xf32>
    %get3A_38 = arith.constant 0 : index
    %get3A_39 = arith.constant 0 : index
    %get3A_40 = vector.load %arg9[%get3A_38, %get3A_39] : memref<1x40xf32, #tpu.memory_space<vmem>>, vector<1x40xf32>
    %add3A_41 = vector.broadcast %get3A_40 : vector<1x40xf32> to vector<1000x40xf32>
    %add3A_42 = arith.addf %dot_general3A_37, %add3A_41 : vector<1000x40xf32>
    %swap3A = arith.constant 0 : index
    %swap3A_43 = arith.constant 0 : index
    %swap3A_44 = vector.load %arg10[%swap3A, %swap3A_43] : memref<1000x40xf32, #tpu.memory_space<vmem>>, vector<1000x40xf32>
    tpu.vector_store %arg10[%swap3A, %swap3A_43], %add3A_42 {strides = array<i32>} : memref<1000x40xf32, #tpu.memory_space<vmem>>, vector<1000x40xf32>,
    return
  }
  func.func @transform_0(%arg0: i32) -> (i32, i32) {
    %c0_i32 = arith.constant 0 : i32
    %c0_i32_0 = arith.constant 0 : i32
    return %arg0, %c0_i32 : i32, i32
  }
  func.func @transform_1(%arg0: i32) -> (i32, i32) {
    %c0_i32 = arith.constant 0 : i32
    %c0_i32_0 = arith.constant 0 : i32
    return %arg0, %c0_i32 : i32, i32
  }
  func.func @transform_2(%arg0: i32) -> (i32, i32) {
    %c0_i32 = arith.constant 0 : i32
    %c0_i32_0 = arith.constant 0 : i32
    return %arg0, %c0_i32 : i32, i32
  }
  func.func @transform_3(%arg0: i32) -> (i32, i32) {
    %c0_i32 = arith.constant 0 : i32
    %c0_i32_0 = arith.constant 0 : i32
    return %arg0, %c0_i32 : i32, i32
  }
  func.func @transform_4(%arg0: i32) -> (i32, i32) {
    %c0_i32 = arith.constant 0 : i32
    %c0_i32_0 = arith.constant 0 : i32
    return %arg0, %c0_i32 : i32, i32
  }
  func.func @transform_5(%arg0: i32) -> (i32, i32) {
    %c0_i32 = arith.constant 0 : i32
    %c0_i32_0 = arith.constant 0 : i32
    %c0_i32_1 = arith.constant 0 : i32
    return %c0_i32, %c0_i32_0 : i32, i32
  }
  func.func @transform_6(%arg0: i32) -> (i32, i32) {
    %c0_i32 = arith.constant 0 : i32
    %c0_i32_0 = arith.constant 0 : i32
    %c0_i32_1 = arith.constant 0 : i32
    return %c0_i32, %c0_i32_0 : i32, i32
  }
  func.func @transform_7(%arg0: i32) -> (i32, i32) {
    %c0_i32 = arith.constant 0 : i32
    %c0_i32_0 = arith.constant 0 : i32
    %c0_i32_1 = arith.constant 0 : i32
    return %c0_i32, %c0_i32_0 : i32, i32
  }
  func.func @transform_8(%arg0: i32) -> (i32, i32) {
    %c0_i32 = arith.constant 0 : i32
    %c0_i32_0 = arith.constant 0 : i32
    %c0_i32_1 = arith.constant 0 : i32
    return %c0_i32, %c0_i32_0 : i32, i32
  }
  func.func @transform_9(%arg0: i32) -> (i32, i32) {
    %c0_i32 = arith.constant 0 : i32
    %c0_i32_0 = arith.constant 0 : i32
    return %arg0, %c0_i32 : i32, i32
  }
}

</mosaic_0001>

<sc_bundles>
// kernel: kernel.11.cloned.1.call-start
scs
__scs_entry_jumppad:
0x0: {  	(pc) =	sbr.rel $0x88, $3  }
0x1: {  	(tag) =	ssettag $0x0;
	lr =	simm.s32 $0x1  }
0x2: {  	[smem:$0x3F97] =	sst lr;
	_ =	strace $0xD0000000  }
0x3: {  	_ = 	snop  }
0x4: {  	_ = 	snop  }
0x5: {  	_ = 	snop  }
0x6: {  	_ = 	snop  }
0x7: {  	_ = 	snop  }
__scs_overlays_trampoline_lowered:
0x8: {  	[smem:$0x3FA6] =	sst s0  }
0x9: {  	[smem:$0x3FA7] =	sst s1  }
0xa: {  	[smem:$0x3FA8] =	sst s2  }
0xb: {  	[smem:$0x3FA9] =	sst s3  }
0xc: {  	[smem:$0x3FAA] =	sst s4  }
0xd: {  	[smem:$0x3FAB] =	sst s5  }
0xe: {  	[smem:$0x3FAC] =	sst s6  }
0xf: {  	[smem:$0x3FAD] =	sst s7  }
0x10: {  	[smem:$0x3FAE] =	sst s8  }
0x11: {  	[smem:$0x3FAF] =	sst s9;
	s0 =	simm.s32 @!p0 $0x0  }
0x12: {  	s1 =	sld [smem:$0x3F95];
	s0 =	simm.s32 @p0 $0x1  }
0x13: {  	[smem:$0x3FB0] =	sst s0;
	s0 =	simm.s32 @!p1 $0x0  }
0x14: {  	s2 =	sld [smem:$0x3F94];
	s0 =	simm.s32 @p1 $0x1  }
0x15: {  	[smem:$0x3FB1] =	sst s0;
	s0 =	simm.s32 @!p2 $0x0  }
0x16: {  	s3 =	sld [smem:$0x3FDB];
	s0 =	simm.s32 @p2 $0x1  }
0x17: {  	s4 =	simm.s32 $0x1BF5;
	[smem:$0x3FB3] =	sst s0  }
0x18: {  	s0 =	sld [smem:$0x3F96];
	_ =	swait.ge [sflag:s4], $0x0  }
0x19: {  	s7 =	sld [smem:$0x3F97]  }
0x1a: {  	s8 =	sadd.s32 $0xFFFFE003, lr  }
0x1b: {  	s9 =	sadd.s32 $0xFFFFFEF7, lr;
	s5 =	simm.s32 $0xFFFFFFFF;
	p2 =	slt.u32 s8, $0xFFFFF086  }
0x1c: {  	p1 =	slt.u32 s9, $0xF7A;
	s5 =	simm.s32 @!p2 $0x0  }
0x1d: {  	s5 =	simm.s32 @p1 $0x1;
	p0 =	seq.s32 s7, s2  }
0x1e: {  	s7 =	smul.u32 @!p0 $0xF7A, s2;
	p2 =	seq.s32 @!p0 s5, $0x0  }
0x1f: {  	s9 =	smul.u32 $0xF7A, s1;
	s8 =	simm.s32 @!p0 $0x1BF5;
	p2 =	por !p2, p0  }
0x20: {  	[sflag:s8] =	ssyncset.s32 @!p0 $0xFFFFF086;
	s6 =	sadd.s32 @!p0 s3, s7;
	s7 =	simm.s32 @!p0 $0x108  }
0x21: {  	s3 =	sadd.s32 s3, s9;
	s6 =	sadd.s32 @!p0 $0x88, s6;
	s7 =	simm.s32 @p2 $0x1082  }
0x22: {  	[simem:s7], [sflag:s8] =	dma.local @!p0 [hbm:s6], $0xF7A  }
0x23: {  	s9 =	sor.u32 $0xD0000000, s2;
	s6 =	simm.s32 $0x108;
	_ =	swait.ge @!p0 [sflag:s8], $0x0  }
0x24: {  	s3 =	sadd.s32 $0x88, s3;
	s6 =	simm.s32 @!p1 $0x1082;
	[sflag:s4] =	ssyncset.s32 $0xFFFFF086  }
0x25: {  	[simem:s6], [sflag:s4] =	dma.local [hbm:s3], $0xF7A  }
0x26: {  	[smem:$0x3F97] =	sst s1;
	(tag) =	ssettag s2;
	_ =	strace s9  }
0x27: {  	s1 =	sld [smem:$0x3FA7]  }
0x28: {  	s2 =	sld [smem:$0x3FA8]  }
0x29: {  	s4 =	sld [smem:$0x3FAA]  }
0x2a: {  	p0 =	seq.s32 s5, $0x0;
	s5 =	sld [smem:$0x3FAB]  }
0x2b: {  	s6 =	sld [smem:$0x3FAC]  }
0x2c: {  	s7 =	sld [smem:$0x3FAD]  }
0x2d: {  	s3 =	simm.s32 $0x108;
	s8 =	sld [smem:$0x3FAE]  }
0x2e: {  	s3 =	simm.s32 @!p0 $0x1082;
	s9 =	sld [smem:$0x3FAF]  }
0x2f: {  	lr =	sadd.s32 s0, s3;
	s0 =	sld [smem:$0x3FA6]  }
0x30: {  	s3 =	sld [smem:$0x3FA9]  }
0x31: {  	[smem:$0x3FB2] =	sst s10  }
0x32: {  	s10 =	sld [smem:$0x3FB0];
	_ =	sdelay $0x3  }
0x33: {  	p0 =	seq.s32 s10, $0x1;
	s10 =	sld [smem:$0x3FB2];
	_ =	sdelay $0x3  }
0x34: {  	[smem:$0x3FB2] =	sst s10  }
0x35: {  	s10 =	sld [smem:$0x3FB1];
	_ =	sdelay $0x3  }
0x36: {  	p1 =	seq.s32 s10, $0x1;
	s10 =	sld [smem:$0x3FB2];
	_ =	sdelay $0x3  }
0x37: {  	[smem:$0x3FB2] =	sst s10  }
0x38: {  	s10 =	sld [smem:$0x3FB3]  }
0x39: {  	_ = 	snop;
	(pc) =	sbr.ind lr, $3  }
0x3a: {  	_ = 	snop  }
0x3b: {  	_ = 	snop  }
0x3c: {  	p2 =	seq.s32 s10, $0x1;
	s10 =	sld [smem:$0x3FB2]  }
0x3d: {  	_ =	shalt  }
0x3e: {  	_ =	shalt  }
0x3f: {  	_ =	shalt  }
0x40: {  	_ =	shalt  }
0x41: {  	_ =	shalt  }
0x42: {  	_ =	shalt  }
0x43: {  	_ =	shalt  }
0x44: {  	_ =	shalt  }
0x45: {  	_ =	shalt  }
0x46: {  	_ =	shalt  }
0x47: {  	_ =	shalt  }
0x48: {  	_ =	shalt  }
0x49: {  	_ =	shalt  }
0x4a: {  	_ =	shalt  }
0x4b: {  	_ =	shalt  }
0x4c: {  	_ =	shalt  }
0x4d: {  	_ =	shalt  }
0x4e: {  	_ =	shalt  }
0x4f: {  	_ =	shalt  }
0x50: {  	_ =	shalt  }
0x51: {  	_ =	shalt  }
0x52: {  	_ =	shalt  }
0x53: {  	_ =	shalt  }
0x54: {  	_ =	shalt  }
0x55: {  	_ =	shalt  }
0x56: {  	_ =	shalt  }
0x57: {  	_ =	shalt  }
0x58: {  	_ =	shalt  }
0x59: {  	_ =	shalt  }
0x5a: {  	_ =	shalt  }
0x5b: {  	_ =	shalt  }
0x5c: {  	_ =	shalt  }
0x5d: {  	_ =	shalt  }
0x5e: {  	_ =	shalt  }
0x5f: {  	_ =	shalt  }
0x60: {  	_ =	shalt  }
0x61: {  	_ =	shalt  }
0x62: {  	_ =	shalt  }
0x63: {  	_ =	shalt  }
0x64: {  	_ =	shalt  }
0x65: {  	_ =	shalt  }
0x66: {  	_ =	shalt  }
0x67: {  	_ =	shalt  }
0x68: {  	_ =	shalt  }
0x69: {  	_ =	shalt  }
0x6a: {  	_ =	shalt  }
0x6b: {  	_ =	shalt  }
0x6c: {  	_ =	shalt  }
0x6d: {  	_ =	shalt  }
0x6e: {  	_ =	shalt  }
0x6f: {  	_ =	shalt  }
0x70: {  	_ =	shalt  }
0x71: {  	_ =	shalt  }
0x72: {  	_ =	shalt  }
0x73: {  	_ =	shalt  }
0x74: {  	_ =	shalt  }
0x75: {  	_ =	shalt  }
0x76: {  	_ =	shalt  }
0x77: {  	_ =	shalt  }
0x78: {  	_ =	shalt  }
0x79: {  	_ =	shalt  }
0x7a: {  	_ =	shalt  }
0x7b: {  	_ =	shalt  }
0x7c: {  	_ =	shalt  }
0x7d: {  	_ =	shalt  }
0x7e: {  	_ =	shalt  }
0x7f: {  	_ =	shalt  }
0x80: {  	_ =	shalt  }
0x81: {  	_ =	shalt  }
0x82: {  	_ =	shalt  }
0x83: {  	_ =	shalt  }
0x84: {  	_ =	shalt  }
0x85: {  	_ =	shalt  }
0x86: {  	_ =	shalt  }
0x87: {  	_ =	shalt  }
.Lfunc_end0:
.L_simem_size_0:
called_computation.1_lowered:
.L_overlay_start_0:
0x88: {  	s2 =	sld [smem:$0x3FD9]  }
0x89: {  	s3 =	sld [smem:$0x3FFE];
	_ =	sdelay $0x1  }
0x8a: {  	s1 =	srdreg.scid  }
0x8b: {  	s0 =	sand.u32 $0x1, s1  }
0x8c: {  	s17 =	sshll.u32 s0, $0xA;
	s2 =	sadd.s32 s3, s2  }
0x8d: {  	s2 =	sadd.s32 s2, s17  }
0x8e: {  	[smem:$0x3FBE] =	sst s2  }
0x8f: {  	_ = 	snop  }
0x90: {  	s2 =	sld [smem:$0x3FD0];
	(tm) =	ssettm $0x1  }
0x91: {  	s18 =	sld [smem:$0x3FFB];
	_ =	sdelay $0x3  }
0x92: {  	_ =	strace s18  }
0x93: {  	s3 =	sld [smem:$0x3FFC];
	_ =	sdelay $0x3  }
0x94: {  	_ =	strace s3  }
0x95: {  	s3 =	sld [smem:$0x3FFD];
	_ =	sdelay $0x3  }
0x96: {  	_ =	strace s3  }
0x97: {  	_ =	strace $0x8FFFFFFF  }
0x98: {  	s19 =	sld [smem:$0x3FDB];
	_ =	sdelay $0x1  }
0x99: {  	s4 =	simm.s32 $_scs_section_size  }
0x9a: {  	s5 =	simm.s32 $_size__tile_overlayer_lowered;
	s6 =	simm.s32 $_tile_overlayer_lowered  }
0x9b: {  	s22 =	simm.s32 $0x1BFF;
	s21 =	sshll.u32 s6, $0x1;
	s3 =	sadd.s32 s4, s19  }
0x9c: {  	s7 =	simm.s32 $0x0;
	s20 =	sshll.u32 s5, $0x1;
	s5 =	sadd.s32 s21, s3  }
0x9d: {  	[timem:s7], [sflag:s22] =	dma.local [hbm:s5], s20  }
0x9e: {  	_ =	swait.ge [sflag:s22], s20  }
0x9f: {  	s4 =	ssub.s32 $0x0, s20;
	[sflag:s22] =	ssyncset.done $0x0  }
0xa0: {  	[sflag:s22] =	ssyncadd.s32 s4;
	_ =	sdelay $0x1  }
0xa1: {  	s23 =	simm.s32 $0x1B8B  }
0xa2: {  	_ =	swait.ge [sflag:s23], $0x1  }
0xa3: {  	[sflag:s23] =	ssyncset.done $0x0  }
0xa4: {  	s25 =	simm.s32 $0x1B8E;
	s24 =	sld [smem:$0x3FFE];
	[sflag:s23] =	ssyncadd.s32 $0xFFFFFFFF  }
0xa5: {  	s26 =	simm.s32 $execute0_lowered;
	[smem:$0x3FD2] =	sst s25  }
0xa6: {  	s5 =	sshll.u32 s26, $0x1;
	_ =	strace $0x80000049;
	[dreg:$0x1] =	wrdreg $0xFFFFFFFF  }
0xa7: {  	s28 =	simm.s32 $_size_execute0_lowered;
	s3 =	sadd.s32 s3, s5;
	[dreg:$0x0] =	wrdreg $0x0  }
0xa8: {  	s5 =	sshll.u32 s28, $0x1;
	[dreg:$0x2] =	wrdreg s3  }
0xa9: {  	[dreg:$0x3] =	wrdreg s5  }
0xaa: {  	[dreg:$0x4] =	wrdreg $0xC0  }
0xab: {  	_ =	task [dreg:s7], $0x5FFFF  }
0xac: {  	[dreg:$0x1] =	wrdreg $0xFFFFFFFF  }
0xad: {  	[dreg:$0x0] =	wrdreg $0x60  }
0xae: {  	[dreg:$0x2] =	wrdreg s24  }
0xaf: {  	[dreg:$0x3] =	wrdreg s2  }
0xb0: {  	[dreg:$0x4] =	wrdreg $0xA9800  }
0xb1: {  	[dreg:$0x5] =	wrdreg $0x9  }
0xb2: {  	_ =	task.clear_ibuf [dreg:s7], $0x6FFFF;
	_ =	strace $0x90000049  }
0xb3: {  	s29 =	simm.s32 $0x9;
	_ =	strace $0x8000004B  }
0xb4: {  	_ =	swait.ge [sflag:s29], $0x1  }
0xb5: {  	[sflag:s29] =	ssyncadd.s32 $0xFFFFFFFF  }
0xb6: {  	_ =	strace $0x9000004B  }
0xb7: {  	_ =	sfence  }
0xb8: {  	s30 =	sld [smem:$0x0];
	_ =	sdelay $0x2  }
0xb9: {  	s31 =	sshll.u32 s1, $0xD;
	s1 =	sshrl.u32 s1, $0x2  }
0xba: {  	s3 =	sand.u32 $0x4000, s31;
	s1 =	sadd.s32 s1, s30  }
0xbb: {  	s0 =	sor.u32 s3, s0;
	s1 =	sshll.u32 s1, $0x11  }
0xbc: {  	s0 =	sor.u32 s1, s0  }
0xbd: {  	s0 =	sadd.s32 $0x8F2B, s0  }
0xbe: {  	[sflag:s0] =	ssyncadd.remote.s32 $0x1  }
0xbf: {  	_ =	sfence.sel $0xFFFF  }
0xc0: {  	[dreg:$0x0] =	wrdreg $0xFFFFFFFF;
	(pc) =	sbr.abs _section_cstart, $3  }
0xc1: {  	[dreg:$0x1] =	wrdreg $0xFFFFFFFF  }
0xc2: {  	_ =	task.clear_ibuf [dreg:s7], $0x2FFFF;
	_ =	strace $0x9FFFFFFF  }
0xc3: {  	(tm) =	ssettm $0x7FFFFFFF  }
tec
execute0_lowered:
.L_overlay_start_1:
0x0: {  	(tag) =	ssettag $0x1  }
0x1: {  	s10 =	rddreg [dreg:$0x0]  }
0x2: {  	s11 =	rddreg [dreg:$0x1]  }
0x3: {  	s2 =	rddreg [dreg:$0x2]  }
0x4: {  	s0 =	rddreg [dreg:$0x3]  }
0x5: {  	s3 =	simm.s32 $0x0;
	s1 =	stileid.u32;
	s5 =	srdreg.scid  }
0x6: {  	s18 =	simm.s32 $0x80;
	s19 =	simm.s32 $0x2800;
	s20 =	simm.s32 $0x2980  }
0x7: {  	s21 =	simm.s32 $0x2880;
	s22 =	simm.s32 $0x6980;
	s23 =	simm.s32 $0x1  }
0x8: {  	s24 =	simm.s32 $0x2900;
	s25 =	simm.s32 $0x2;
	s26 =	simm.s32 $0x0  }
0x9: {  	[smem:$0x7FF] =	sst s3;
	s13 =	smul.u32 $0x2700, s1;
	s4 =	sadd.s32 $0x2B600, s10  }
0xa: {  	s12 =	sand.u32 $0x1, s5;
	s5 =	sadd.s32 $0x52800, s10;
	s15 =	smul.u32 $0x4E000, s1  }
0xb: {  	s6 =	sadd.s32 $0xCB000, s10;
	s30 =	sshll.u32 s1, $0x6;
	p1 =	sne.s32 s1, $0xF  }
0xc: {  	p2 =	seq.s32 s1, $0xF;
	_ =	strace $0x8000004A;
	s8 =	ssub.s32 $0x2, s12  }
0xd: {  	s14 =	sshll.u32 s12, $0x4;
	p0 =	seq.s32 s12, $0x1;
	s7 =	sadd.s32 s13, s10  }
0xe: {  	s9 =	sshrl.u32 s8, $0x1;
	s28 =	sor.u32 s1, s14;
	s29 =	sshrl.u32 s15, $0x2  }
.Ltmp0:
0xf: {  	s10 =	sadd.s32 $0x2A400, s10;
	s12 =	sadd.s32 s5, s13;
	(pc) =	sbr.rel .LBB2_1-.Ltmp0, $4  }
0x10: {  	s13 =	sadd.s32 s6, s13;
	s16 =	ssub.s32 s8, s9;
	s31 =	smul.u32 $0x500, s28  }
0x11: {  	s17 =	sadd.s32 s29, s2;
	s7 =	sadd.s32 $0x3400, s7;
	s8 =	sor.u32 $0x1C03, s30  }
0x12: {  	s9 =	sadd.s32 $0x138000, s2;
	s14 =	smax.u32 s16, $0x1;
	s15 =	sshrl.u32 s17, $0x3  }
0x13: {  	s16 =	simm.s32 $0x3;
	s17 =	sshrl.u32 @!p1 s9, $0x3;
	s11 =	sadd.s32 s11, s31  }
.LBB2_6:
0x14: {  	s28 =	sadd.s32 $0x27000, s28;
	s29 =	sshrl.u32 s9, $0x3  }
0x15: {  	[hbm:s28], [sflag:s8] =	dma.local [spmem:s29], $0x100  }
0x16: {  	_ =	swait.ge [sflag:s16], $0x100  }
0x17: {  	[sflag:s16] =	ssyncset.done $0x0  }
0x18: {  	[sflag:s16] =	ssyncadd.s32 $0xFFFFFF00  }
.LBB2_7:
0x19: {  	s26 =	sadd.s32 $0x1, s26  }
0x1a: {  	p3 =	sne.s32 s26, s14  }
.Ltmp1:
0x1b: {  	_ = 	snop;
	(pc) =	sbr.rel @!p3 .LBB2_8-.Ltmp1, $1  }
0x1c: {  	_ =	sdelay $0x3  }
.LBB2_1:
0x1d: {  	[spmem:s15], [sflag:s8] =	dma.local [hbm:s7], $0x2700  }
0x1e: {  	_ =	swait.ge [sflag:s16], $0x2700  }
0x1f: {  	[sflag:s16] =	ssyncset.done $0x0  }
0x20: {  	s28 =	simm.s32 @!p1 $0x3;
	[sflag:s16] =	ssyncadd.s32 $0xFFFFD900  }
0x21: {  	[spmem:s17], [sflag:s8] =	dma.local @!p1 [hbm:s10], $0x1100  }
0x22: {  	_ =	swait.ge @!p1 [sflag:s28], $0x1100  }
0x23: {  	[sflag:s28] =	ssyncset.done @!p1 $0x0  }
0x24: {  	[sflag:s28] =	ssyncadd.s32 @!p1 $0xFFFFEF00  }
0x25: {  	[tilespmem:s3], [sflag:$0x3] =	stream.linear.gather [hbm4b:s11+s3], $0x2800, $0x38;
	[tilespmem:$0x1EA00] =	vst v63  }
0x26: {  	_ =	swait.ge [sflag:s16], $0x2800  }
0x27: {  	[sflag:s16] =	ssyncset.done $0x0  }
0x28: {  	[sflag:s16] =	ssyncadd.s32 $0xFFFFD800  }
0x29: {  	v0 =	vld [tilespmem:$0x0]  }
0x2a: {  	v1 =	vld [tilespmem:$0x10]  }
0x2b: {  	v2 =	vld [tilespmem:$0x20]  }
0x2c: {  	v3 =	vld [tilespmem:$0x30]  }
0x2d: {  	v4 =	vld [tilespmem:$0x40]  }
0x2e: {  	v5 =	vld [tilespmem:$0x50];
	v0 =	vand.u32 $0xFFFF, v0  }
0x2f: {  	v36 =	vld [tilespmem:$0x60];
	v35 =	vand.u32 $0xFFFF, v1;
	[tilespmem:$0x2800] =	vst v0  }
0x30: {  	v38 =	vld [tilespmem:$0x70];
	v37 =	vand.u32 $0xFFFF, v2;
	[tilespmem:$0x2810] =	vst v35  }
0x31: {  	v40 =	vld [tilespmem:$0x80];
	v39 =	vand.u32 $0xFFFF, v3;
	[tilespmem:$0x2820] =	vst v37  }
0x32: {  	v42 =	vld [tilespmem:$0x90];
	v41 =	vand.u32 $0xFFFF, v4;
	[tilespmem:$0x2830] =	vst v39  }
0x33: {  	v44 =	vld [tilespmem:$0xA0];
	v43 =	vand.u32 $0xFFFF, v5;
	[tilespmem:$0x2840] =	vst v41  }
0x34: {  	v46 =	vld [tilespmem:$0xB0];
	v45 =	vand.u32 $0xFFFF, v36;
	[tilespmem:$0x2850] =	vst v43  }
0x35: {  	v48 =	vld [tilespmem:$0xC0];
	v47 =	vand.u32 $0xFFFF, v38;
	[tilespmem:$0x2860] =	vst v45  }
0x36: {  	v50 =	vld [tilespmem:$0xD0];
	v49 =	vand.u32 $0xFFFF, v40;
	[tilespmem:$0x2870] =	vst v47  }
0x37: {  	v52 =	vld [tilespmem:$0xE0];
	v51 =	vand.u32 $0xFFFF, v42;
	[tilespmem:$0x2880] =	vst v49  }
0x38: {  	v54 =	vld [tilespmem:$0xF0];
	v53 =	vand.u32 $0xFFFF, v44;
	[tilespmem:$0x2890] =	vst v51  }
0x39: {  	v55 =	vand.u32 $0xFFFF, v46;
	[tilespmem:$0x28A0] =	vst v53  }
0x3a: {  	v56 =	vand.u32 $0xFFFF, v48;
	[tilespmem:$0x28B0] =	vst v55  }
0x3b: {  	v57 =	vand.u32 $0xFFFF, v50;
	[tilespmem:$0x28C0] =	vst v56  }
0x3c: {  	v58 =	vand.u32 $0xFFFF, v52;
	[tilespmem:$0x28D0] =	vst v57  }
0x3d: {  	v59 =	vand.u32 $0xFFFF, v54;
	[tilespmem:$0x28E0] =	vst v58  }
0x3e: {  	[tilespmem:$0x28F0] =	vst v59  }
0x3f: {  	[tilespmem:s20], [sflag:$0x1] =	stream.indirect.gather [hbm4b:s4+s18], $0x80, s19, s18, $0xb8;
	[tilespmem:$0x1EA00] =	vst v63  }
0x40: {  	_ = 	snop  }
0x41: {  	[tilespmem:s22], [sflag:$0x2] =	stream.indirect.gather [hbm4b:s4+s18], $0x80, s21, s18, $0xb8;
	[tilespmem:$0x1EA00] =	vst v63  }
0x42: {  	[bflag:$0x0] =	sbarrier.arrive $0xFFFF  }
0x43: {  	_ =	swait.ge [sflag:s23], $0x4000  }
0x44: {  	[sflag:s23] =	ssyncset.done $0x0  }
0x45: {  	s28 =	simm.s32 $0x0;
	[sflag:s23] =	ssyncadd.s32 $0xFFFFC000  }
0x46: {  	v60 =	vld [tilespmem:s28+$0x0];
	_ =	sdelay $0x4  }
0x47: {  	v0 =	vshrl.u32 v60, $0x10  }
0x48: {  	[tilespmem:$0x2900] =	vst v0  }
0x49: {  	v0 =	vld [tilespmem:s28+$0x10];
	_ =	sdelay $0x4  }
0x4a: {  	v0 =	vshrl.u32 v0, $0x10  }
0x4b: {  	[tilespmem:$0x2910] =	vst v0  }
0x4c: {  	v0 =	vld [tilespmem:s28+$0x20];
	_ =	sdelay $0x4  }
0x4d: {  	v0 =	vshrl.u32 v0, $0x10  }
0x4e: {  	[tilespmem:$0x2920] =	vst v0  }
0x4f: {  	v0 =	vld [tilespmem:s28+$0x30];
	_ =	sdelay $0x4  }
0x50: {  	v0 =	vshrl.u32 v0, $0x10  }
0x51: {  	[tilespmem:$0x2930] =	vst v0  }
0x52: {  	v0 =	vld [tilespmem:s28+$0x40];
	_ =	sdelay $0x4  }
0x53: {  	v0 =	vshrl.u32 v0, $0x10  }
0x54: {  	[tilespmem:$0x2940] =	vst v0  }
0x55: {  	v0 =	vld [tilespmem:s28+$0x50];
	_ =	sdelay $0x4  }
0x56: {  	v0 =	vshrl.u32 v0, $0x10  }
0x57: {  	[tilespmem:$0x2950] =	vst v0  }
0x58: {  	v0 =	vld [tilespmem:s28+$0x60];
	_ =	sdelay $0x4  }
0x59: {  	v0 =	vshrl.u32 v0, $0x10  }
0x5a: {  	[tilespmem:$0x2960] =	vst v0  }
0x5b: {  	v0 =	vld [tilespmem:s28+$0x70];
	_ =	sdelay $0x4  }
0x5c: {  	v0 =	vshrl.u32 v0, $0x10  }
0x5d: {  	[tilespmem:$0x2970] =	vst v0  }
0x5e: {  	[spmem:s2] =	stream.indirect.scatter.add.f32 [tilespmem:s20], [sflag:$0x3], $0x80, s24, s18, $0xb8;
	[tilespmem:$0x1EA00] =	vst v63  }
0x5f: {  	_ =	swait.ge [sflag:s16], $0x4000  }
0x60: {  	[sflag:s16] =	ssyncset.done $0x0  }
0x61: {  	[sflag:s16] =	ssyncadd.s32 $0xFFFFC000  }
0x62: {  	v61 =	vld [tilespmem:s28+$0x100];
	_ =	sdelay $0x4  }
0x63: {  	v0 =	vand.u32 $0xFFFF, v61  }
0x64: {  	[tilespmem:$0x2800] =	vst v0  }
0x65: {  	v0 =	vld [tilespmem:s28+$0x110];
	_ =	sdelay $0x4  }
0x66: {  	v0 =	vand.u32 $0xFFFF, v0  }
0x67: {  	[tilespmem:$0x2810] =	vst v0  }
0x68: {  	v0 =	vld [tilespmem:s28+$0x120];
	_ =	sdelay $0x4  }
0x69: {  	v0 =	vand.u32 $0xFFFF, v0  }
0x6a: {  	[tilespmem:$0x2820] =	vst v0  }
0x6b: {  	v0 =	vld [tilespmem:s28+$0x130];
	_ =	sdelay $0x4  }
0x6c: {  	v0 =	vand.u32 $0xFFFF, v0  }
0x6d: {  	[tilespmem:$0x2830] =	vst v0  }
0x6e: {  	v0 =	vld [tilespmem:s28+$0x140];
	_ =	sdelay $0x4  }
0x6f: {  	v0 =	vand.u32 $0xFFFF, v0  }
0x70: {  	[tilespmem:$0x2840] =	vst v0  }
0x71: {  	v0 =	vld [tilespmem:s28+$0x150];
	_ =	sdelay $0x4  }
0x72: {  	v0 =	vand.u32 $0xFFFF, v0  }
0x73: {  	[tilespmem:$0x2850] =	vst v0  }
0x74: {  	v0 =	vld [tilespmem:s28+$0x160];
	_ =	sdelay $0x4  }
0x75: {  	v0 =	vand.u32 $0xFFFF, v0  }
0x76: {  	[tilespmem:$0x2860] =	vst v0  }
0x77: {  	v0 =	vld [tilespmem:s28+$0x170];
	_ =	sdelay $0x4  }
0x78: {  	v0 =	vand.u32 $0xFFFF, v0  }
0x79: {  	[tilespmem:$0x2870] =	vst v0  }
0x7a: {  	[tilespmem:s20], [sflag:$0x1] =	stream.indirect.gather [hbm4b:s4+s18], $0x80, s19, s18, $0xb8;
	[tilespmem:$0x1EA00] =	vst v63  }
0x7b: {  	_ =	swait.ge [sflag:s25], $0x4000  }
0x7c: {  	[sflag:s25] =	ssyncset.done $0x0  }
0x7d: {  	[sflag:s25] =	ssyncadd.s32 $0xFFFFC000  }
0x7e: {  	v62 =	vld [tilespmem:s28+$0x80];
	_ =	sdelay $0x4  }
0x7f: {  	v0 =	vshrl.u32 v62, $0x10  }
0x80: {  	[tilespmem:$0x2900] =	vst v0  }
0x81: {  	v0 =	vld [tilespmem:s28+$0x90];
	_ =	sdelay $0x4  }
0x82: {  	v0 =	vshrl.u32 v0, $0x10  }
0x83: {  	[tilespmem:$0x2910] =	vst v0  }
0x84: {  	v0 =	vld [tilespmem:s28+$0xA0];
	_ =	sdelay $0x4  }
0x85: {  	v0 =	vshrl.u32 v0, $0x10  }
0x86: {  	[tilespmem:$0x2920] =	vst v0  }
0x87: {  	v0 =	vld [tilespmem:s28+$0xB0];
	_ =	sdelay $0x4  }
0x88: {  	v0 =	vshrl.u32 v0, $0x10  }
0x89: {  	[tilespmem:$0x2930] =	vst v0  }
0x8a: {  	v0 =	vld [tilespmem:s28+$0xC0];
	_ =	sdelay $0x4  }
0x8b: {  	v0 =	vshrl.u32 v0, $0x10  }
0x8c: {  	[tilespmem:$0x2940] =	vst v0  }
0x8d: {  	v0 =	vld [tilespmem:s28+$0xD0];
	_ =	sdelay $0x4  }
0x8e: {  	v0 =	vshrl.u32 v0, $0x10  }
0x8f: {  	[tilespmem:$0x2950] =	vst v0  }
0x90: {  	v0 =	vld [tilespmem:s28+$0xE0];
	_ =	sdelay $0x4  }
0x91: {  	v0 =	vshrl.u32 v0, $0x10  }
0x92: {  	[tilespmem:$0x2960] =	vst v0  }
0x93: {  	v0 =	vld [tilespmem:s28+$0xF0];
	_ =	sdelay $0x4  }
0x94: {  	v0 =	vshrl.u32 v0, $0x10  }
0x95: {  	[tilespmem:$0x2970] =	vst v0  }
0x96: {  	[spmem:s2] =	stream.indirect.scatter.add.f32 [tilespmem:s22], [sflag:$0x3], $0x80, s24, s18, $0xb8;
	[tilespmem:$0x1EA00] =	vst v63  }
0x97: {  	_ =	swait.ge [sflag:s16], $0x4000  }
0x98: {  	[sflag:s16] =	ssyncset.done $0x0  }
0x99: {  	[sflag:s16] =	ssyncadd.s32 $0xFFFFC000  }
0x9a: {  	v63 =	vld [tilespmem:s28+$0x180];
	_ =	sdelay $0x4  }
0x9b: {  	v0 =	vand.u32 $0xFFFF, v63  }
0x9c: {  	[tilespmem:$0x2880] =	vst v0  }
0x9d: {  	v0 =	vld [tilespmem:s28+$0x190];
	_ =	sdelay $0x4  }
0x9e: {  	v0 =	vand.u32 $0xFFFF, v0  }
0x9f: {  	[tilespmem:$0x2890] =	vst v0  }
0xa0: {  	v0 =	vld [tilespmem:s28+$0x1A0];
	_ =	sdelay $0x4  }
0xa1: {  	v0 =	vand.u32 $0xFFFF, v0  }
0xa2: {  	[tilespmem:$0x28A0] =	vst v0  }
0xa3: {  	v0 =	vld [tilespmem:s28+$0x1B0];
	_ =	sdelay $0x4  }
0xa4: {  	v0 =	vand.u32 $0xFFFF, v0  }
0xa5: {  	[tilespmem:$0x28B0] =	vst v0  }
0xa6: {  	v0 =	vld [tilespmem:s28+$0x1C0];
	_ =	sdelay $0x4  }
0xa7: {  	v0 =	vand.u32 $0xFFFF, v0  }
0xa8: {  	[tilespmem:$0x28C0] =	vst v0  }
0xa9: {  	v0 =	vld [tilespmem:s28+$0x1D0];
	_ =	sdelay $0x4  }
0xaa: {  	v0 =	vand.u32 $0xFFFF, v0  }
0xab: {  	[tilespmem:$0x28D0] =	vst v0  }
0xac: {  	v0 =	vld [tilespmem:s28+$0x1E0];
	_ =	sdelay $0x4  }
0xad: {  	v0 =	vand.u32 $0xFFFF, v0  }
0xae: {  	[tilespmem:$0x28E0] =	vst v0  }
0xaf: {  	v0 =	vld [tilespmem:s28+$0x1F0];
	_ =	sdelay $0x4  }
0xb0: {  	v0 =	vand.u32 $0xFFFF, v0  }
0xb1: {  	s28 =	simm.s32 $0x400;
	[tilespmem:$0x28F0] =	vst v0  }
.LBB2_2:
0xb2: {  	[tilespmem:s22], [sflag:$0x2] =	stream.indirect.gather [hbm4b:s4+s18], $0x80, s21, s18, $0xb8;
	[tilespmem:$0x1EA00] =	vst v63  }
0xb3: {  	s29 =	smov.u32 s28  }
0xb4: {  	p3 =	sne.s32 s28, $0x9800;
	s28 =	sadd.s32 $0x400, s28;
	_ =	swait.ge [sflag:s23], $0x4000  }
0xb5: {  	[sflag:s23] =	ssyncset.done $0x0  }
0xb6: {  	s29 =	sshra.s32 s29, $0x2;
	[sflag:s23] =	ssyncadd.s32 $0xFFFFC000  }
0xb7: {  	v0 =	vld [tilespmem:s29+$0x0];
	_ =	sdelay $0x4  }
0xb8: {  	v0 =	vshrl.u32 v0, $0x10  }
0xb9: {  	[tilespmem:$0x2900] =	vst v0  }
0xba: {  	v0 =	vld [tilespmem:s29+$0x10];
	_ =	sdelay $0x4  }
0xbb: {  	v0 =	vshrl.u32 v0, $0x10  }
0xbc: {  	[tilespmem:$0x2910] =	vst v0  }
0xbd: {  	v0 =	vld [tilespmem:s29+$0x20];
	_ =	sdelay $0x4  }
0xbe: {  	v0 =	vshrl.u32 v0, $0x10  }
0xbf: {  	[tilespmem:$0x2920] =	vst v0  }
0xc0: {  	v0 =	vld [tilespmem:s29+$0x30];
	_ =	sdelay $0x4  }
0xc1: {  	v0 =	vshrl.u32 v0, $0x10  }
0xc2: {  	[tilespmem:$0x2930] =	vst v0  }
0xc3: {  	v0 =	vld [tilespmem:s29+$0x40];
	_ =	sdelay $0x4  }
0xc4: {  	v0 =	vshrl.u32 v0, $0x10  }
0xc5: {  	[tilespmem:$0x2940] =	vst v0  }
0xc6: {  	v0 =	vld [tilespmem:s29+$0x50];
	_ =	sdelay $0x4  }
0xc7: {  	v0 =	vshrl.u32 v0, $0x10  }
0xc8: {  	[tilespmem:$0x2950] =	vst v0  }
0xc9: {  	v0 =	vld [tilespmem:s29+$0x60];
	_ =	sdelay $0x4  }
0xca: {  	v0 =	vshrl.u32 v0, $0x10  }
0xcb: {  	[tilespmem:$0x2960] =	vst v0  }
0xcc: {  	v0 =	vld [tilespmem:s29+$0x70];
	_ =	sdelay $0x4  }
0xcd: {  	v0 =	vshrl.u32 v0, $0x10  }
0xce: {  	[tilespmem:$0x2970] =	vst v0  }
0xcf: {  	[spmem:s2] =	stream.indirect.scatter.add.f32 [tilespmem:s20], [sflag:$0x3], $0x80, s24, s18, $0xb8;
	[tilespmem:$0x1EA00] =	vst v63  }
0xd0: {  	_ =	swait.ge [sflag:s16], $0x4000  }
0xd1: {  	[sflag:s16] =	ssyncset.done $0x0  }
0xd2: {  	[sflag:s16] =	ssyncadd.s32 $0xFFFFC000  }
0xd3: {  	v0 =	vld [tilespmem:s29+$0x100];
	_ =	sdelay $0x4  }
0xd4: {  	v0 =	vand.u32 $0xFFFF, v0  }
0xd5: {  	[tilespmem:$0x2800] =	vst v0  }
0xd6: {  	v0 =	vld [tilespmem:s29+$0x110];
	_ =	sdelay $0x4  }
0xd7: {  	v0 =	vand.u32 $0xFFFF, v0  }
0xd8: {  	[tilespmem:$0x2810] =	vst v0  }
0xd9: {  	v0 =	vld [tilespmem:s29+$0x120];
	_ =	sdelay $0x4  }
0xda: {  	v0 =	vand.u32 $0xFFFF, v0  }
0xdb: {  	[tilespmem:$0x2820] =	vst v0  }
0xdc: {  	v0 =	vld [tilespmem:s29+$0x130];
	_ =	sdelay $0x4  }
0xdd: {  	v0 =	vand.u32 $0xFFFF, v0  }
0xde: {  	[tilespmem:$0x2830] =	vst v0  }
0xdf: {  	v0 =	vld [tilespmem:s29+$0x140];
	_ =	sdelay $0x4  }
0xe0: {  	v0 =	vand.u32 $0xFFFF, v0  }
0xe1: {  	[tilespmem:$0x2840] =	vst v0  }
0xe2: {  	v0 =	vld [tilespmem:s29+$0x150];
	_ =	sdelay $0x4  }
0xe3: {  	v0 =	vand.u32 $0xFFFF, v0  }
0xe4: {  	[tilespmem:$0x2850] =	vst v0  }
0xe5: {  	v0 =	vld [tilespmem:s29+$0x160];
	_ =	sdelay $0x4  }
0xe6: {  	v0 =	vand.u32 $0xFFFF, v0  }
0xe7: {  	[tilespmem:$0x2860] =	vst v0  }
0xe8: {  	v0 =	vld [tilespmem:s29+$0x170];
	_ =	sdelay $0x4  }
0xe9: {  	v0 =	vand.u32 $0xFFFF, v0  }
0xea: {  	[tilespmem:$0x2870] =	vst v0  }
0xeb: {  	[tilespmem:s20], [sflag:$0x1] =	stream.indirect.gather [hbm4b:s4+s18], $0x80, s19, s18, $0xb8;
	[tilespmem:$0x1EA00] =	vst v63  }
0xec: {  	_ =	swait.ge [sflag:s25], $0x4000  }
0xed: {  	[sflag:s25] =	ssyncset.done $0x0  }
0xee: {  	[sflag:s25] =	ssyncadd.s32 $0xFFFFC000  }
0xef: {  	v0 =	vld [tilespmem:s29+$0x80];
	_ =	sdelay $0x4  }
0xf0: {  	v0 =	vshrl.u32 v0, $0x10  }
0xf1: {  	[tilespmem:$0x2900] =	vst v0  }
0xf2: {  	v0 =	vld [tilespmem:s29+$0x90];
	_ =	sdelay $0x4  }
0xf3: {  	v0 =	vshrl.u32 v0, $0x10  }
0xf4: {  	[tilespmem:$0x2910] =	vst v0  }
0xf5: {  	v0 =	vld [tilespmem:s29+$0xA0];
	_ =	sdelay $0x4  }
0xf6: {  	v0 =	vshrl.u32 v0, $0x10  }
0xf7: {  	[tilespmem:$0x2920] =	vst v0  }
0xf8: {  	v0 =	vld [tilespmem:s29+$0xB0];
	_ =	sdelay $0x4  }
0xf9: {  	v0 =	vshrl.u32 v0, $0x10  }
0xfa: {  	[tilespmem:$0x2930] =	vst v0  }
0xfb: {  	v0 =	vld [tilespmem:s29+$0xC0];
	_ =	sdelay $0x4  }
0xfc: {  	v0 =	vshrl.u32 v0, $0x10  }
0xfd: {  	[tilespmem:$0x2940] =	vst v0  }
0xfe: {  	v0 =	vld [tilespmem:s29+$0xD0];
	_ =	sdelay $0x4  }
0xff: {  	v0 =	vshrl.u32 v0, $0x10  }
0x100: {  	[tilespmem:$0x2950] =	vst v0  }
0x101: {  	v0 =	vld [tilespmem:s29+$0xE0];
	_ =	sdelay $0x4  }
0x102: {  	v0 =	vshrl.u32 v0, $0x10  }
0x103: {  	[tilespmem:$0x2960] =	vst v0  }
0x104: {  	v0 =	vld [tilespmem:s29+$0xF0];
	_ =	sdelay $0x4  }
0x105: {  	v0 =	vshrl.u32 v0, $0x10  }
0x106: {  	[tilespmem:$0x2970] =	vst v0  }
0x107: {  	[spmem:s2] =	stream.indirect.scatter.add.f32 [tilespmem:s22], [sflag:$0x3], $0x80, s24, s18, $0xb8;
	[tilespmem:$0x1EA00] =	vst v63  }
0x108: {  	_ =	swait.ge [sflag:s16], $0x4000  }
0x109: {  	[sflag:s16] =	ssyncset.done $0x0  }
0x10a: {  	[sflag:s16] =	ssyncadd.s32 $0xFFFFC000  }
0x10b: {  	v0 =	vld [tilespmem:s29+$0x180];
	_ =	sdelay $0x4  }
0x10c: {  	v0 =	vand.u32 $0xFFFF, v0  }
0x10d: {  	[tilespmem:$0x2880] =	vst v0  }
0x10e: {  	v0 =	vld [tilespmem:s29+$0x190];
	_ =	sdelay $0x4  }
0x10f: {  	v0 =	vand.u32 $0xFFFF, v0  }
0x110: {  	[tilespmem:$0x2890] =	vst v0  }
0x111: {  	v0 =	vld [tilespmem:s29+$0x1A0];
	_ =	sdelay $0x4  }
0x112: {  	v0 =	vand.u32 $0xFFFF, v0  }
0x113: {  	[tilespmem:$0x28A0] =	vst v0  }
0x114: {  	v0 =	vld [tilespmem:s29+$0x1B0];
	_ =	sdelay $0x4  }
0x115: {  	v0 =	vand.u32 $0xFFFF, v0  }
0x116: {  	[tilespmem:$0x28B0] =	vst v0  }
0x117: {  	v0 =	vld [tilespmem:s29+$0x1C0];
	_ =	sdelay $0x4  }
0x118: {  	v0 =	vand.u32 $0xFFFF, v0  }
0x119: {  	[tilespmem:$0x28C0] =	vst v0  }
0x11a: {  	v0 =	vld [tilespmem:s29+$0x1D0];
	_ =	sdelay $0x4  }
0x11b: {  	v0 =	vand.u32 $0xFFFF, v0  }
0x11c: {  	[tilespmem:$0x28D0] =	vst v0  }
0x11d: {  	v0 =	vld [tilespmem:s29+$0x1E0];
	_ =	sdelay $0x4  }
0x11e: {  	v0 =	vand.u32 $0xFFFF, v0  }
0x11f: {  	[tilespmem:$0x28E0] =	vst v0  }
0x120: {  	v0 =	vld [tilespmem:s29+$0x1F0];
	_ =	sdelay $0x1  }
.Ltmp2:
0x121: {  	(pc) =	sbr.rel @p3 .LBB2_2-.Ltmp2, $3  }
0x122: {  	_ =	sdelay $0x1  }
0x123: {  	v0 =	vand.u32 $0xFFFF, v0  }
0x124: {  	[tilespmem:$0x28F0] =	vst v0  }
0x125: {  	[tilespmem:s22], [sflag:$0x2] =	stream.indirect.gather [hbm4b:s4+s18], $0x80, s21, s18, $0xb8;
	[tilespmem:$0x1EA00] =	vst v63  }
0x126: {  	_ =	swait.ge [sflag:s23], $0x4000  }
0x127: {  	[sflag:s23] =	ssyncset.done $0x0  }
0x128: {  	[sflag:s23] =	ssyncadd.s32 $0xFFFFC000  }
0x129: {  	v0 =	vld [tilespmem:$0x2700]  }
0x12a: {  	v1 =	vld [tilespmem:$0x2710]  }
0x12b: {  	v2 =	vld [tilespmem:$0x2720]  }
0x12c: {  	v3 =	vld [tilespmem:$0x2730]  }
0x12d: {  	v4 =	vld [tilespmem:$0x2740]  }
0x12e: {  	v5 =	vld [tilespmem:$0x2750];
	v0 =	vshrl.u32 v0, $0x10  }
0x12f: {  	v41 =	vld [tilespmem:$0x2760];
	v40 =	vshrl.u32 v1, $0x10;
	[tilespmem:$0x2900] =	vst v0  }
0x130: {  	v43 =	vld [tilespmem:$0x2770];
	v42 =	vshrl.u32 v2, $0x10;
	[tilespmem:$0x2910] =	vst v40  }
0x131: {  	v44 =	vshrl.u32 v3, $0x10;
	[tilespmem:$0x2920] =	vst v42  }
0x132: {  	v45 =	vshrl.u32 v4, $0x10;
	[tilespmem:$0x2930] =	vst v44  }
0x133: {  	v46 =	vshrl.u32 v5, $0x10;
	[tilespmem:$0x2940] =	vst v45  }
0x134: {  	v47 =	vshrl.u32 v41, $0x10;
	[tilespmem:$0x2950] =	vst v46  }
0x135: {  	v48 =	vshrl.u32 v43, $0x10;
	[tilespmem:$0x2960] =	vst v47  }
0x136: {  	[tilespmem:$0x2970] =	vst v48  }
0x137: {  	[spmem:s2] =	stream.indirect.scatter.add.f32 [tilespmem:s20], [sflag:$0x3], $0x80, s24, s18, $0xb8;
	[tilespmem:$0x1EA00] =	vst v63  }
0x138: {  	_ =	swait.ge [sflag:s16], $0x4000  }
0x139: {  	[sflag:s16] =	ssyncset.done $0x0  }
0x13a: {  	[sflag:s16] =	ssyncadd.s32 $0xFFFFC000  }
0x13b: {  	_ =	swait.ge [sflag:s25], $0x4000  }
0x13c: {  	[sflag:s25] =	ssyncset.done $0x0  }
0x13d: {  	[sflag:s25] =	ssyncadd.s32 $0xFFFFC000  }
0x13e: {  	v49 =	vld [tilespmem:$0x2780]  }
0x13f: {  	v50 =	vld [tilespmem:$0x2790]  }
0x140: {  	v51 =	vld [tilespmem:$0x27A0]  }
0x141: {  	v52 =	vld [tilespmem:$0x27B0]  }
0x142: {  	v53 =	vld [tilespmem:$0x27C0]  }
0x143: {  	v54 =	vld [tilespmem:$0x27D0];
	v0 =	vshrl.u32 v49, $0x10  }
0x144: {  	v56 =	vld [tilespmem:$0x27E0];
	v55 =	vshrl.u32 v50, $0x10;
	[tilespmem:$0x2900] =	vst v0  }
0x145: {  	v58 =	vld [tilespmem:$0x27F0];
	v57 =	vshrl.u32 v51, $0x10;
	[tilespmem:$0x2910] =	vst v55  }
0x146: {  	v59 =	vshrl.u32 v52, $0x10;
	[tilespmem:$0x2920] =	vst v57  }
0x147: {  	v60 =	vshrl.u32 v53, $0x10;
	[tilespmem:$0x2930] =	vst v59  }
0x148: {  	v61 =	vshrl.u32 v54, $0x10;
	[tilespmem:$0x2940] =	vst v60  }
0x149: {  	v62 =	vshrl.u32 v56, $0x10;
	[tilespmem:$0x2950] =	vst v61  }
0x14a: {  	v63 =	vshrl.u32 v58, $0x10;
	[tilespmem:$0x2960] =	vst v62  }
0x14b: {  	[tilespmem:$0x2970] =	vst v63  }
0x14c: {  	[spmem:s2] =	stream.indirect.scatter.add.f32 [tilespmem:s22], [sflag:$0x3], $0x80, s24, s18, $0xb8;
	[tilespmem:$0x1EA00] =	vst v63  }
.Ltmp3:
0x14d: {  	_ =	swait.ge [sflag:s16], $0x4000;
	(pc) =	sbr.rel @!p0 .LBB2_4-.Ltmp3, $3  }
0x14e: {  	[sflag:s16] =	ssyncset.done $0x0  }
0x14f: {  	[sflag:s16] =	ssyncadd.s32 $0xFFFFC000  }
0x150: {  	[bflag:$0x0] =	sbarrier.arrive $0xFFFF;
	_ =	sdelay $0x1  }
0x151: {  	[hbm:s13], [sflag:s8] =	dma.local [spmem:s15], $0x2700  }
.Ltmp4:
0x152: {  	_ = 	snop;
	(pc) =	sbr.rel @p1 .LBB2_7-.Ltmp4, $4  }
.Ltmp5:
0x153: {  	_ = 	snop;
	(pc) =	sbr.rel @!p1 .LBB2_6-.Ltmp5, $4  }
0x154: {  	_ =	swait.ge [sflag:s16], $0x2700  }
0x155: {  	[sflag:s16] =	ssyncset.done $0x0  }
0x156: {  	s28 =	smov.u32 s6;
	[sflag:s16] =	ssyncadd.s32 $0xFFFFD900  }
0x157: {  	_ = 	snop  }
.LBB2_4:
0x158: {  	[hbm:s12], [sflag:s8] =	dma.local [spmem:s15], $0x2700  }
.Ltmp6:
0x159: {  	_ = 	snop;
	(pc) =	sbr.rel @p2 .LBB2_6-.Ltmp6, $4  }
.Ltmp7:
0x15a: {  	_ = 	snop;
	(pc) =	sbr.rel @!p2 .LBB2_7-.Ltmp7, $4  }
0x15b: {  	_ =	swait.ge [sflag:s16], $0x2700  }
0x15c: {  	[sflag:s16] =	ssyncset.done $0x0  }
0x15d: {  	s28 =	smov.u32 s5;
	[sflag:s16] =	ssyncadd.s32 $0xFFFFD900  }
0x15e: {  	_ = 	snop  }
.LBB2_8:
0x15f: {  	_ =	sfence.sel $0x180000  }
0x160: {  	[bflag:$0x0] =	sbarrier.arrive $0xFFFF  }
0x161: {  	p0 =	sne.s32 s1, $0x0;
	_ =	strace $0x9000004A  }
0x162: {  	s0 =	sadd.s32 @!p0 $0x100000, s0;
	[bflag:$0x2] =	sbarrier.arrive $0xFFFF  }
0x163: {  	[sflag:s0] =	ssyncadd.tile.s32 @!p0 $0x1;
	_ =	shalt  }
.Lfunc_end2:
_tile_overlayer_lowered:
.L_overlay_start_2:
0x164: {  	(tag) =	ssettag $0x2  }
0x165: {  	s0 =	rddreg [dreg:$0x0];
	s2 =	stileid.u32  }
0x166: {  	s1 =	rddreg [dreg:$0x1];
	p0 =	sne.s32 s2, $0x0  }
0x167: {  	s3 =	rddreg [dreg:$0x2];
	[bflag:$0x3] =	sbarrier.arrive $0xFFFF;
	s2 =	simm.s32 @!p0 $0x1C03  }
0x168: {  	[timem:s3], [sflag:s2] =	dma.local @!p0 [hbm:s0], s1  }
0x169: {  	s0 =	simm.s32 @!p0 $0x3  }
0x16a: {  	_ =	swait.ge @!p0 [sflag:s0], s1  }
0x16b: {  	s1 =	ssub.s32 @!p0 $0x0, s1;
	[sflag:s0] =	ssyncset.done @!p0 $0x0  }
0x16c: {  	[sflag:s0] =	ssyncadd.s32 @!p0 s1  }
0x16d: {  	[bflag:$0x3] =	sbarrier.arrive $0xFFFF  }
0x16e: {  	_ =	shalt  }

// kernel: kernel.8.cloned.1.call-start
scs
__scs_entry_jumppad:
0x0: {  	(pc) =	sbr.rel $0x88, $3  }
0x1: {  	(tag) =	ssettag $0x0;
	lr =	simm.s32 $0x1  }
0x2: {  	[smem:$0x3F97] =	sst lr;
	_ =	strace $0xD0000000  }
0x3: {  	_ = 	snop  }
0x4: {  	_ = 	snop  }
0x5: {  	_ = 	snop  }
0x6: {  	_ = 	snop  }
0x7: {  	_ = 	snop  }
__scs_overlays_trampoline_lowered:
0x8: {  	[smem:$0x3FA6] =	sst s0  }
0x9: {  	[smem:$0x3FA7] =	sst s1  }
0xa: {  	[smem:$0x3FA8] =	sst s2  }
0xb: {  	[smem:$0x3FA9] =	sst s3  }
0xc: {  	[smem:$0x3FAA] =	sst s4  }
0xd: {  	[smem:$0x3FAB] =	sst s5  }
0xe: {  	[smem:$0x3FAC] =	sst s6  }
0xf: {  	[smem:$0x3FAD] =	sst s7  }
0x10: {  	[smem:$0x3FAE] =	sst s8  }
0x11: {  	[smem:$0x3FAF] =	sst s9;
	s0 =	simm.s32 @!p0 $0x0  }
0x12: {  	s1 =	sld [smem:$0x3F95];
	s0 =	simm.s32 @p0 $0x1  }
0x13: {  	[smem:$0x3FB0] =	sst s0;
	s0 =	simm.s32 @!p1 $0x0  }
0x14: {  	s2 =	sld [smem:$0x3F94];
	s0 =	simm.s32 @p1 $0x1  }
0x15: {  	[smem:$0x3FB1] =	sst s0;
	s0 =	simm.s32 @!p2 $0x0  }
0x16: {  	s3 =	sld [smem:$0x3FDB];
	s0 =	simm.s32 @p2 $0x1  }
0x17: {  	s4 =	simm.s32 $0x1BF5;
	[smem:$0x3FB3] =	sst s0  }
0x18: {  	s0 =	sld [smem:$0x3F96];
	_ =	swait.ge [sflag:s4], $0x0  }
0x19: {  	s7 =	sld [smem:$0x3F97]  }
0x1a: {  	s8 =	sadd.s32 $0xFFFFE003, lr  }
0x1b: {  	s9 =	sadd.s32 $0xFFFFFEF7, lr;
	s5 =	simm.s32 $0xFFFFFFFF;
	p2 =	slt.u32 s8, $0xFFFFF086  }
0x1c: {  	p1 =	slt.u32 s9, $0xF7A;
	s5 =	simm.s32 @!p2 $0x0  }
0x1d: {  	s5 =	simm.s32 @p1 $0x1;
	p0 =	seq.s32 s7, s2  }
0x1e: {  	s7 =	smul.u32 @!p0 $0xF7A, s2;
	p2 =	seq.s32 @!p0 s5, $0x0  }
0x1f: {  	s9 =	smul.u32 $0xF7A, s1;
	s8 =	simm.s32 @!p0 $0x1BF5;
	p2 =	por !p2, p0  }
0x20: {  	[sflag:s8] =	ssyncset.s32 @!p0 $0xFFFFF086;
	s6 =	sadd.s32 @!p0 s3, s7;
	s7 =	simm.s32 @!p0 $0x108  }
0x21: {  	s3 =	sadd.s32 s3, s9;
	s6 =	sadd.s32 @!p0 $0x88, s6;
	s7 =	simm.s32 @p2 $0x1082  }
0x22: {  	[simem:s7], [sflag:s8] =	dma.local @!p0 [hbm:s6], $0xF7A  }
0x23: {  	s9 =	sor.u32 $0xD0000000, s2;
	s6 =	simm.s32 $0x108;
	_ =	swait.ge @!p0 [sflag:s8], $0x0  }
0x24: {  	s3 =	sadd.s32 $0x88, s3;
	s6 =	simm.s32 @!p1 $0x1082;
	[sflag:s4] =	ssyncset.s32 $0xFFFFF086  }
0x25: {  	[simem:s6], [sflag:s4] =	dma.local [hbm:s3], $0xF7A  }
0x26: {  	[smem:$0x3F97] =	sst s1;
	(tag) =	ssettag s2;
	_ =	strace s9  }
0x27: {  	s1 =	sld [smem:$0x3FA7]  }
0x28: {  	s2 =	sld [smem:$0x3FA8]  }
0x29: {  	s4 =	sld [smem:$0x3FAA]  }
0x2a: {  	p0 =	seq.s32 s5, $0x0;
	s5 =	sld [smem:$0x3FAB]  }
0x2b: {  	s6 =	sld [smem:$0x3FAC]  }
0x2c: {  	s7 =	sld [smem:$0x3FAD]  }
0x2d: {  	s3 =	simm.s32 $0x108;
	s8 =	sld [smem:$0x3FAE]  }
0x2e: {  	s3 =	simm.s32 @!p0 $0x1082;
	s9 =	sld [smem:$0x3FAF]  }
0x2f: {  	lr =	sadd.s32 s0, s3;
	s0 =	sld [smem:$0x3FA6]  }
0x30: {  	s3 =	sld [smem:$0x3FA9]  }
0x31: {  	[smem:$0x3FB2] =	sst s10  }
0x32: {  	s10 =	sld [smem:$0x3FB0];
	_ =	sdelay $0x3  }
0x33: {  	p0 =	seq.s32 s10, $0x1;
	s10 =	sld [smem:$0x3FB2];
	_ =	sdelay $0x3  }
0x34: {  	[smem:$0x3FB2] =	sst s10  }
0x35: {  	s10 =	sld [smem:$0x3FB1];
	_ =	sdelay $0x3  }
0x36: {  	p1 =	seq.s32 s10, $0x1;
	s10 =	sld [smem:$0x3FB2];
	_ =	sdelay $0x3  }
0x37: {  	[smem:$0x3FB2] =	sst s10  }
0x38: {  	s10 =	sld [smem:$0x3FB3]  }
0x39: {  	_ = 	snop;
	(pc) =	sbr.ind lr, $3  }
0x3a: {  	_ = 	snop  }
0x3b: {  	_ = 	snop  }
0x3c: {  	p2 =	seq.s32 s10, $0x1;
	s10 =	sld [smem:$0x3FB2]  }
0x3d: {  	_ =	shalt  }
0x3e: {  	_ =	shalt  }
0x3f: {  	_ =	shalt  }
0x40: {  	_ =	shalt  }
0x41: {  	_ =	shalt  }
0x42: {  	_ =	shalt  }
0x43: {  	_ =	shalt  }
0x44: {  	_ =	shalt  }
0x45: {  	_ =	shalt  }
0x46: {  	_ =	shalt  }
0x47: {  	_ =	shalt  }
0x48: {  	_ =	shalt  }
0x49: {  	_ =	shalt  }
0x4a: {  	_ =	shalt  }
0x4b: {  	_ =	shalt  }
0x4c: {  	_ =	shalt  }
0x4d: {  	_ =	shalt  }
0x4e: {  	_ =	shalt  }
0x4f: {  	_ =	shalt  }
0x50: {  	_ =	shalt  }
0x51: {  	_ =	shalt  }
0x52: {  	_ =	shalt  }
0x53: {  	_ =	shalt  }
0x54: {  	_ =	shalt  }
0x55: {  	_ =	shalt  }
0x56: {  	_ =	shalt  }
0x57: {  	_ =	shalt  }
0x58: {  	_ =	shalt  }
0x59: {  	_ =	shalt  }
0x5a: {  	_ =	shalt  }
0x5b: {  	_ =	shalt  }
0x5c: {  	_ =	shalt  }
0x5d: {  	_ =	shalt  }
0x5e: {  	_ =	shalt  }
0x5f: {  	_ =	shalt  }
0x60: {  	_ =	shalt  }
0x61: {  	_ =	shalt  }
0x62: {  	_ =	shalt  }
0x63: {  	_ =	shalt  }
0x64: {  	_ =	shalt  }
0x65: {  	_ =	shalt  }
0x66: {  	_ =	shalt  }
0x67: {  	_ =	shalt  }
0x68: {  	_ =	shalt  }
0x69: {  	_ =	shalt  }
0x6a: {  	_ =	shalt  }
0x6b: {  	_ =	shalt  }
0x6c: {  	_ =	shalt  }
0x6d: {  	_ =	shalt  }
0x6e: {  	_ =	shalt  }
0x6f: {  	_ =	shalt  }
0x70: {  	_ =	shalt  }
0x71: {  	_ =	shalt  }
0x72: {  	_ =	shalt  }
0x73: {  	_ =	shalt  }
0x74: {  	_ =	shalt  }
0x75: {  	_ =	shalt  }
0x76: {  	_ =	shalt  }
0x77: {  	_ =	shalt  }
0x78: {  	_ =	shalt  }
0x79: {  	_ =	shalt  }
0x7a: {  	_ =	shalt  }
0x7b: {  	_ =	shalt  }
0x7c: {  	_ =	shalt  }
0x7d: {  	_ =	shalt  }
0x7e: {  	_ =	shalt  }
0x7f: {  	_ =	shalt  }
0x80: {  	_ =	shalt  }
0x81: {  	_ =	shalt  }
0x82: {  	_ =	shalt  }
0x83: {  	_ =	shalt  }
0x84: {  	_ =	shalt  }
0x85: {  	_ =	shalt  }
0x86: {  	_ =	shalt  }
0x87: {  	_ =	shalt  }
.Lfunc_end0:
.L_simem_size_0:
called_computation_lowered:
.L_overlay_start_0:
0x88: {  	s2 =	sld [smem:$0x3FD9]  }
0x89: {  	s3 =	sld [smem:$0x3FFE];
	_ =	sdelay $0x1  }
0x8a: {  	s1 =	srdreg.scid  }
0x8b: {  	s0 =	sand.u32 $0x1, s1  }
0x8c: {  	s17 =	sshll.u32 s0, $0xA;
	s2 =	sadd.s32 s3, s2  }
0x8d: {  	s2 =	sadd.s32 s2, s17  }
0x8e: {  	[smem:$0x3FBE] =	sst s2  }
0x8f: {  	_ = 	snop  }
0x90: {  	s2 =	sld [smem:$0x3FC9]  }
0x91: {  	s18 =	sld [smem:$0x3FD0];
	(tm) =	ssettm $0x1  }
0x92: {  	s4 =	sld [smem:$0x3FFB];
	_ =	sdelay $0x3  }
0x93: {  	_ =	strace s4  }
0x94: {  	s4 =	sld [smem:$0x3FFC];
	_ =	sdelay $0x3  }
0x95: {  	_ =	strace s4  }
0x96: {  	s4 =	sld [smem:$0x3FFD];
	_ =	sdelay $0x3  }
0x97: {  	_ =	strace s4  }
0x98: {  	_ =	strace $0x8FFFFFFF  }
0x99: {  	s19 =	sld [smem:$0x3FDB];
	_ =	sdelay $0x1  }
0x9a: {  	s5 =	simm.s32 $_scs_section_size  }
0x9b: {  	s6 =	simm.s32 $_size__tile_overlayer_lowered;
	s7 =	simm.s32 $_tile_overlayer_lowered  }
0x9c: {  	s22 =	simm.s32 $0x1BFF;
	s21 =	sshll.u32 s7, $0x1;
	s4 =	sadd.s32 s5, s19  }
0x9d: {  	s8 =	simm.s32 $0x0;
	s20 =	sshll.u32 s6, $0x1;
	s6 =	sadd.s32 s21, s4  }
0x9e: {  	[timem:s8], [sflag:s22] =	dma.local [hbm:s6], s20  }
0x9f: {  	_ =	swait.ge [sflag:s22], s20  }
0xa0: {  	s5 =	ssub.s32 $0x0, s20;
	[sflag:s22] =	ssyncset.done $0x0  }
0xa1: {  	[sflag:s22] =	ssyncadd.s32 s5;
	_ =	sdelay $0x1  }
0xa2: {  	s23 =	simm.s32 $0x1B8B  }
0xa3: {  	_ =	swait.ge [sflag:s23], $0x1  }
0xa4: {  	[sflag:s23] =	ssyncset.done $0x0  }
0xa5: {  	s25 =	simm.s32 $0x1B8E;
	s24 =	sld [smem:$0x3FFE];
	[sflag:s23] =	ssyncadd.s32 $0xFFFFFFFF  }
0xa6: {  	s26 =	simm.s32 $execute0_lowered;
	[smem:$0x3FD2] =	sst s25  }
0xa7: {  	s6 =	sshll.u32 s26, $0x1;
	_ =	strace $0x80000046;
	[dreg:$0x1] =	wrdreg $0xFFFFFFFF  }
0xa8: {  	s28 =	simm.s32 $_size_execute0_lowered;
	s4 =	sadd.s32 s4, s6;
	[dreg:$0x0] =	wrdreg $0x0  }
0xa9: {  	s6 =	sshll.u32 s28, $0x1;
	[dreg:$0x2] =	wrdreg s4  }
0xaa: {  	[dreg:$0x3] =	wrdreg s6  }
0xab: {  	[dreg:$0x4] =	wrdreg $0xC0  }
0xac: {  	_ =	task [dreg:s8], $0x5FFFF  }
0xad: {  	[dreg:$0x1] =	wrdreg $0xFFFFFFFF  }
0xae: {  	[dreg:$0x0] =	wrdreg $0x60  }
0xaf: {  	[dreg:$0x2] =	wrdreg s2  }
0xb0: {  	[dreg:$0x3] =	wrdreg s18  }
0xb1: {  	[dreg:$0x4] =	wrdreg s24  }
0xb2: {  	[dreg:$0x5] =	wrdreg $0xAA000  }
0xb3: {  	[dreg:$0x6] =	wrdreg $0x1EA800  }
0xb4: {  	[dreg:$0x7] =	wrdreg $0x9  }
0xb5: {  	_ =	task.clear_ibuf [dreg:s8], $0x8FFFF;
	_ =	strace $0x90000046  }
0xb6: {  	s29 =	simm.s32 $0x9;
	_ =	strace $0x80000048  }
0xb7: {  	_ =	swait.ge [sflag:s29], $0x1  }
0xb8: {  	[sflag:s29] =	ssyncadd.s32 $0xFFFFFFFF  }
0xb9: {  	_ =	strace $0x90000048  }
0xba: {  	_ =	sfence  }
0xbb: {  	s30 =	sld [smem:$0x0];
	_ =	sdelay $0x2  }
0xbc: {  	s31 =	sshll.u32 s1, $0xD;
	s1 =	sshrl.u32 s1, $0x2  }
0xbd: {  	s3 =	sand.u32 $0x4000, s31;
	s1 =	sadd.s32 s1, s30  }
0xbe: {  	s0 =	sor.u32 s3, s0;
	s1 =	sshll.u32 s1, $0x11  }
0xbf: {  	s0 =	sor.u32 s1, s0  }
0xc0: {  	s0 =	sadd.s32 $0x8F2B, s0  }
0xc1: {  	[sflag:s0] =	ssyncadd.remote.s32 $0x1  }
0xc2: {  	_ =	sfence.sel $0xFFFF  }
0xc3: {  	[dreg:$0x0] =	wrdreg $0xFFFFFFFF;
	(pc) =	sbr.abs _section_cstart, $3  }
0xc4: {  	[dreg:$0x1] =	wrdreg $0xFFFFFFFF  }
0xc5: {  	_ =	task.clear_ibuf [dreg:s8], $0x2FFFF;
	_ =	strace $0x9FFFFFFF  }
0xc6: {  	(tm) =	ssettm $0x7FFFFFFF  }
0xc7: {  	_ =	shalt  }
tec
execute0_lowered:
.L_overlay_start_1:
0x0: {  	(tag) =	ssettag $0x1  }
0x1: {  	s1 =	rddreg [dreg:$0x0]  }
0x2: {  	s0 =	rddreg [dreg:$0x1]  }
0x3: {  	s3 =	rddreg [dreg:$0x2]  }
0x4: {  	s2 =	rddreg [dreg:$0x3]  }
0x5: {  	s4 =	rddreg [dreg:$0x4];
	s5 =	simm.s32 $0x0;
	s25 =	stileid.u32  }
0x6: {  	s23 =	srdreg.scid;
	s21 =	simm.s32 $0x3;
	s28 =	simm.s32 $0x2880  }
0x7: {  	s29 =	simm.s32 $0x6980;
	s30 =	simm.s32 $0x1;
	s31 =	simm.s32 $0x2900  }
0x8: {  	[smem:$0x7FF] =	sst s5;
	s22 =	smul.u32 $0x2700, s25;
	s6 =	sadd.s32 $0x2B600, s3  }
0x9: {  	s7 =	smul.u32 $0x4E000, s25;
	s8 =	sadd.s32 $0x2BC00, s3;
	s24 =	sshll.u32 s25, $0x6  }
0xa: {  	s12 =	sadd.s32 $0x138000, s2;
	s13 =	sadd.s32 $0x2A400, s3;
	s16 =	sadd.s32 $0x7AA00, s3  }
0xb: {  	p1 =	seq.s32 s25, $0x0;
	_ =	strace $0x80000047;
	[dreg:$0x6] =	wrdreg s6  }
0xc: {  	s18 =	sadd.s32 $0x53800, s3;
	s6 =	sand.u32 $0x1, s23;
	[dreg:$0x7] =	wrdreg s8  }
0xd: {  	s8 =	sadd.s32 $0x2C200, s3;
	p0 =	sne.s32 @!p1 s25, $0xF;
	s5 =	sadd.s32 s22, s3  }
0xe: {  	s9 =	ssub.s32 $0x2, s6;
	s11 =	sshll.u32 s6, $0x4;
	s7 =	sshrl.u32 s7, $0x2  }
0xf: {  	p2 =	seq.s32 s6, $0x1;
	s26 =	sor.u32 s25, s6;
	p3 =	por p0, p1  }
0x10: {  	s22 =	sshrl.u32 @p1 s4, $0x3;
	p0 =	por !p0, p1;
	p4 =	sne.s32 s6, $0x0  }
0x11: {  	s10 =	sshrl.u32 s9, $0x1;
	s11 =	sor.u32 s25, s11;
	s15 =	sadd.s32 $0x53A00, s5  }
0x12: {  	s17 =	sadd.s32 $0x2C800, s5;
	s3 =	simm.s32 @!p3 $0x0;
	s23 =	sshrl.u32 @!p3 s12, $0x3  }
0x13: {  	p5 =	sne.s32 s26, $0x0;
	s26 =	simm.s32 $0x2980;
	s19 =	ssub.s32 s9, s10  }
0x14: {  	s9 =	sadd.s32 s7, s2;
	s10 =	sadd.s32 $0x3400, s5;
	s14 =	smul.u32 $0x500, s11  }
0x15: {  	s11 =	sor.u32 $0x1C03, s24;
	s3 =	simm.s32 @p3 $0x1;
	s24 =	simm.s32 $0x80  }
0x16: {  	p3 =	sne.s32 @p2 s25, $0xF;
	[smem:$0x7F9] =	sst s3;
	s3 =	simm.s32 @!p1 $0x0  }
0x17: {  	s5 =	simm.s32 $0x0;
	s19 =	smax.u32 s19, $0x1;
	s3 =	simm.s32 @p1 $0x1  }
0x18: {  	s14 =	sadd.s32 s0, s14;
	[smem:$0x7FA] =	sst s3;
	s3 =	simm.s32 @!p0 $0x0  }
0x19: {  	s0 =	simm.s32 @!p5 $0x0;
	s3 =	simm.s32 @p0 $0x1;
	p0 =	sne.s32 @!p4 s25, $0xF  }
0x1a: {  	s20 =	sshrl.u32 s9, $0x3;
	s0 =	simm.s32 @p5 $0x1;
	p0 =	por p0, p4  }
0x1b: {  	p3 =	por p3, !p2;
	[smem:$0x7FC] =	sst s0;
	s0 =	simm.s32 @!p0 $0x0  }
0x1c: {  	s25 =	simm.s32 $0x2800;
	[smem:$0x7FB] =	sst s3;
	s0 =	simm.s32 @p0 $0x1  }
0x1d: {  	v0 =	vimm.f32 $1.000000000e+00;
	s3 =	simm.s32 $0x2;
	[smem:$0x7FD] =	sst s0;
	s0 =	simm.s32 $0xA980  }
.LBB2_1:
0x1e: {  	[spmem:s20], [sflag:s11] =	dma.local [hbm:s10], $0x2700  }
0x1f: {  	_ =	swait.ge [sflag:s21], $0x2700  }
0x20: {  	s7 =	sld [smem:$0x7FA];
	_ =	sdelay $0x1  }
0x21: {  	[sflag:s21] =	ssyncset.done $0x0  }
0x22: {  	s6 =	rddreg [dreg:$0x6];
	[sflag:s21] =	ssyncadd.s32 $0xFFFFD900;
	p6 =	seq.s32 s7, $0x1  }
0x23: {  	[spmem:s22], [sflag:s11] =	dma.local @p6 [hbm:s6], $0x510  }
0x24: {  	s6 =	simm.s32 @p6 $0x3  }
0x25: {  	_ =	swait.ge @p6 [sflag:s6], $0x510  }
0x26: {  	s7 =	sld [smem:$0x7F9];
	_ =	sdelay $0x1  }
0x27: {  	[sflag:s6] =	ssyncset.done @p6 $0x0  }
0x28: {  	[sflag:s6] =	ssyncadd.s32 @p6 $0xFFFFFAF0;
	p0 =	seq.s32 s7, $0x1  }
0x29: {  	[spmem:s23], [sflag:s11] =	dma.local @!p0 [hbm:s13], $0x1100  }
0x2a: {  	s6 =	simm.s32 @!p0 $0x3  }
0x2b: {  	_ =	swait.ge @!p0 [sflag:s6], $0x1100  }
0x2c: {  	[sflag:s6] =	ssyncset.done @!p0 $0x0  }
0x2d: {  	[sflag:s6] =	ssyncadd.s32 @!p0 $0xFFFFEF00  }
0x2e: {  	[tilespmem:$0xA980] =	vst v0  }
0x2f: {  	[tilespmem:$0xA990] =	vst v0  }
0x30: {  	[tilespmem:$0xA9A0] =	vst v0  }
0x31: {  	[tilespmem:$0xA9B0] =	vst v0  }
0x32: {  	[tilespmem:$0xA9C0] =	vst v0  }
0x33: {  	[tilespmem:$0xA9D0] =	vst v0  }
0x34: {  	[tilespmem:$0xA9E0] =	vst v0  }
0x35: {  	s7 =	simm.s32 $0x0;
	[tilespmem:$0xA9F0] =	vst v0  }
0x36: {  	[tilespmem:s7], [sflag:$0x3] =	stream.linear.gather [hbm4b:s14+s7], $0x2800, $0x38;
	[tilespmem:$0x1ED08] =	vst v63  }
0x37: {  	_ =	swait.ge [sflag:s21], $0x2800  }
0x38: {  	[sflag:s21] =	ssyncset.done $0x0  }
0x39: {  	[sflag:s21] =	ssyncadd.s32 $0xFFFFD800  }
0x3a: {  	v1 =	vld [tilespmem:$0x0]  }
0x3b: {  	v2 =	vld [tilespmem:$0x10]  }
0x3c: {  	v3 =	vld [tilespmem:$0x20]  }
0x3d: {  	v4 =	vld [tilespmem:$0x30]  }
0x3e: {  	v5 =	vld [tilespmem:$0x40]  }
0x3f: {  	v6 =	vld [tilespmem:$0x50];
	v1 =	vand.u32 $0xFFFF, v1  }
0x40: {  	[tilespmem:$0x2800] =	vst v1;
	v1 =	vand.u32 $0xFFFF, v2;
	v2 =	vld [tilespmem:$0x60]  }
0x41: {  	[tilespmem:$0x2810] =	vst v1;
	v1 =	vand.u32 $0xFFFF, v3;
	v3 =	vld [tilespmem:$0x70]  }
0x42: {  	v58 =	vld [tilespmem:$0x80];
	[tilespmem:$0x2820] =	vst v1;
	v1 =	vand.u32 $0xFFFF, v4  }
0x43: {  	v59 =	vld [tilespmem:$0x90];
	[tilespmem:$0x2830] =	vst v1;
	v1 =	vand.u32 $0xFFFF, v5  }
0x44: {  	v60 =	vld [tilespmem:$0xA0];
	[tilespmem:$0x2840] =	vst v1;
	v1 =	vand.u32 $0xFFFF, v6  }
0x45: {  	[tilespmem:$0x2850] =	vst v1;
	v1 =	vand.u32 $0xFFFF, v2;
	v2 =	vld [tilespmem:$0xB0]  }
0x46: {  	[tilespmem:$0x2860] =	vst v1;
	v1 =	vand.u32 $0xFFFF, v3;
	v3 =	vld [tilespmem:$0xC0]  }
0x47: {  	v61 =	vld [tilespmem:$0xD0];
	[tilespmem:$0x2870] =	vst v1;
	v1 =	vand.u32 $0xFFFF, v58  }
0x48: {  	v62 =	vld [tilespmem:$0xE0];
	[tilespmem:$0x2880] =	vst v1;
	v1 =	vand.u32 $0xFFFF, v59  }
0x49: {  	v63 =	vld [tilespmem:$0xF0];
	[tilespmem:$0x2890] =	vst v1;
	v1 =	vand.u32 $0xFFFF, v60  }
0x4a: {  	[tilespmem:$0x28A0] =	vst v1;
	v1 =	vand.u32 $0xFFFF, v2  }
0x4b: {  	[tilespmem:$0x28B0] =	vst v1;
	v1 =	vand.u32 $0xFFFF, v3  }
0x4c: {  	[tilespmem:$0x28C0] =	vst v1;
	v1 =	vand.u32 $0xFFFF, v61  }
0x4d: {  	[tilespmem:$0x28D0] =	vst v1;
	v1 =	vand.u32 $0xFFFF, v62  }
0x4e: {  	[tilespmem:$0x28E0] =	vst v1;
	v1 =	vand.u32 $0xFFFF, v63  }
0x4f: {  	[tilespmem:$0x28F0] =	vst v1  }
0x50: {  	[tilespmem:s26], [sflag:$0x1] =	stream.indirect.gather [hbm4b:s1+s24], $0x80, s25, s24, $0xb8;
	[tilespmem:$0x1ED08] =	vst v63  }
0x51: {  	_ = 	snop  }
0x52: {  	[tilespmem:s29], [sflag:$0x2] =	stream.indirect.gather [hbm4b:s1+s24], $0x80, s28, s24, $0xb8;
	[tilespmem:$0x1ED08] =	vst v63  }
0x53: {  	[bflag:$0x0] =	sbarrier.arrive $0xFFFF  }
0x54: {  	_ =	swait.ge [sflag:s30], $0x4000  }
0x55: {  	[sflag:s30] =	ssyncset.done $0x0  }
0x56: {  	s7 =	simm.s32 $0x0;
	[sflag:s30] =	ssyncadd.s32 $0xFFFFC000  }
0x57: {  	v1 =	vld [tilespmem:s7+$0x0];
	_ =	sdelay $0x4  }
0x58: {  	v1 =	vshrl.u32 v1, $0x10  }
0x59: {  	[tilespmem:$0x2900] =	vst v1  }
0x5a: {  	v1 =	vld [tilespmem:s7+$0x10];
	_ =	sdelay $0x4  }
0x5b: {  	v1 =	vshrl.u32 v1, $0x10  }
0x5c: {  	[tilespmem:$0x2910] =	vst v1  }
0x5d: {  	v1 =	vld [tilespmem:s7+$0x20];
	_ =	sdelay $0x4  }
0x5e: {  	v1 =	vshrl.u32 v1, $0x10  }
0x5f: {  	[tilespmem:$0x2920] =	vst v1  }
0x60: {  	v1 =	vld [tilespmem:s7+$0x30];
	_ =	sdelay $0x4  }
0x61: {  	v1 =	vshrl.u32 v1, $0x10  }
0x62: {  	[tilespmem:$0x2930] =	vst v1  }
0x63: {  	v1 =	vld [tilespmem:s7+$0x40];
	_ =	sdelay $0x4  }
0x64: {  	v1 =	vshrl.u32 v1, $0x10  }
0x65: {  	[tilespmem:$0x2940] =	vst v1  }
0x66: {  	v1 =	vld [tilespmem:s7+$0x50];
	_ =	sdelay $0x4  }
0x67: {  	v1 =	vshrl.u32 v1, $0x10  }
0x68: {  	[tilespmem:$0x2950] =	vst v1  }
0x69: {  	v1 =	vld [tilespmem:s7+$0x60];
	_ =	sdelay $0x4  }
0x6a: {  	v1 =	vshrl.u32 v1, $0x10  }
0x6b: {  	[tilespmem:$0x2960] =	vst v1  }
0x6c: {  	v1 =	vld [tilespmem:s7+$0x70];
	_ =	sdelay $0x4  }
0x6d: {  	v1 =	vshrl.u32 v1, $0x10  }
0x6e: {  	[tilespmem:$0x2970] =	vst v1  }
0x6f: {  	[spmem:s2] =	stream.indirect.scatter.add.f32 [tilespmem:s26], [sflag:$0x3], $0x80, s31, s24, $0xb8;
	[tilespmem:$0x1ED08] =	vst v63  }
0x70: {  	_ =	swait.ge [sflag:s21], $0x4000  }
0x71: {  	[sflag:s21] =	ssyncset.done $0x0  }
0x72: {  	[sflag:s21] =	ssyncadd.s32 $0xFFFFC000  }
0x73: {  	[spmem:s4] =	stream.indirect.scatter.add.f32 [tilespmem:s0], [sflag:$0x3], $0x1, s31, s24, $0xb8;
	[tilespmem:$0x1ED08] =	vst v63  }
0x74: {  	_ =	swait.ge [sflag:s21], $0x80  }
0x75: {  	[sflag:s21] =	ssyncset.done $0x0  }
0x76: {  	[sflag:s21] =	ssyncadd.s32 $0xFFFFFF80  }
0x77: {  	v1 =	vld [tilespmem:s7+$0x100];
	_ =	sdelay $0x4  }
0x78: {  	v1 =	vand.u32 $0xFFFF, v1  }
0x79: {  	[tilespmem:$0x2800] =	vst v1  }
0x7a: {  	v1 =	vld [tilespmem:s7+$0x110];
	_ =	sdelay $0x4  }
0x7b: {  	v1 =	vand.u32 $0xFFFF, v1  }
0x7c: {  	[tilespmem:$0x2810] =	vst v1  }
0x7d: {  	v1 =	vld [tilespmem:s7+$0x120];
	_ =	sdelay $0x4  }
0x7e: {  	v1 =	vand.u32 $0xFFFF, v1  }
0x7f: {  	[tilespmem:$0x2820] =	vst v1  }
0x80: {  	v1 =	vld [tilespmem:s7+$0x130];
	_ =	sdelay $0x4  }
0x81: {  	v1 =	vand.u32 $0xFFFF, v1  }
0x82: {  	[tilespmem:$0x2830] =	vst v1  }
0x83: {  	v1 =	vld [tilespmem:s7+$0x140];
	_ =	sdelay $0x4  }
0x84: {  	v1 =	vand.u32 $0xFFFF, v1  }
0x85: {  	[tilespmem:$0x2840] =	vst v1  }
0x86: {  	v1 =	vld [tilespmem:s7+$0x150];
	_ =	sdelay $0x4  }
0x87: {  	v1 =	vand.u32 $0xFFFF, v1  }
0x88: {  	[tilespmem:$0x2850] =	vst v1  }
0x89: {  	v1 =	vld [tilespmem:s7+$0x160];
	_ =	sdelay $0x4  }
0x8a: {  	v1 =	vand.u32 $0xFFFF, v1  }
0x8b: {  	[tilespmem:$0x2860] =	vst v1  }
0x8c: {  	v1 =	vld [tilespmem:s7+$0x170];
	_ =	sdelay $0x4  }
0x8d: {  	v1 =	vand.u32 $0xFFFF, v1  }
0x8e: {  	[tilespmem:$0x2870] =	vst v1  }
0x8f: {  	[tilespmem:s26], [sflag:$0x1] =	stream.indirect.gather [hbm4b:s1+s24], $0x80, s25, s24, $0xb8;
	[tilespmem:$0x1ED08] =	vst v63  }
0x90: {  	_ =	swait.ge [sflag:s3], $0x4000  }
0x91: {  	[sflag:s3] =	ssyncset.done $0x0  }
0x92: {  	[sflag:s3] =	ssyncadd.s32 $0xFFFFC000  }
0x93: {  	v1 =	vld [tilespmem:s7+$0x80];
	_ =	sdelay $0x4  }
0x94: {  	v1 =	vshrl.u32 v1, $0x10  }
0x95: {  	[tilespmem:$0x2900] =	vst v1  }
0x96: {  	v1 =	vld [tilespmem:s7+$0x90];
	_ =	sdelay $0x4  }
0x97: {  	v1 =	vshrl.u32 v1, $0x10  }
0x98: {  	[tilespmem:$0x2910] =	vst v1  }
0x99: {  	v1 =	vld [tilespmem:s7+$0xA0];
	_ =	sdelay $0x4  }
0x9a: {  	v1 =	vshrl.u32 v1, $0x10  }
0x9b: {  	[tilespmem:$0x2920] =	vst v1  }
0x9c: {  	v1 =	vld [tilespmem:s7+$0xB0];
	_ =	sdelay $0x4  }
0x9d: {  	v1 =	vshrl.u32 v1, $0x10  }
0x9e: {  	[tilespmem:$0x2930] =	vst v1  }
0x9f: {  	v1 =	vld [tilespmem:s7+$0xC0];
	_ =	sdelay $0x4  }
0xa0: {  	v1 =	vshrl.u32 v1, $0x10  }
0xa1: {  	[tilespmem:$0x2940] =	vst v1  }
0xa2: {  	v1 =	vld [tilespmem:s7+$0xD0];
	_ =	sdelay $0x4  }
0xa3: {  	v1 =	vshrl.u32 v1, $0x10  }
0xa4: {  	[tilespmem:$0x2950] =	vst v1  }
0xa5: {  	v1 =	vld [tilespmem:s7+$0xE0];
	_ =	sdelay $0x4  }
0xa6: {  	v1 =	vshrl.u32 v1, $0x10  }
0xa7: {  	[tilespmem:$0x2960] =	vst v1  }
0xa8: {  	v1 =	vld [tilespmem:s7+$0xF0];
	_ =	sdelay $0x4  }
0xa9: {  	v1 =	vshrl.u32 v1, $0x10  }
0xaa: {  	[tilespmem:$0x2970] =	vst v1  }
0xab: {  	[spmem:s2] =	stream.indirect.scatter.add.f32 [tilespmem:s29], [sflag:$0x3], $0x80, s31, s24, $0xb8;
	[tilespmem:$0x1ED08] =	vst v63  }
0xac: {  	_ =	swait.ge [sflag:s21], $0x4000  }
0xad: {  	[sflag:s21] =	ssyncset.done $0x0  }
0xae: {  	[sflag:s21] =	ssyncadd.s32 $0xFFFFC000  }
0xaf: {  	[spmem:s4] =	stream.indirect.scatter.add.f32 [tilespmem:s0], [sflag:$0x3], $0x1, s31, s24, $0xb8;
	[tilespmem:$0x1ED08] =	vst v63  }
0xb0: {  	_ =	swait.ge [sflag:s21], $0x80  }
0xb1: {  	[sflag:s21] =	ssyncset.done $0x0  }
0xb2: {  	[sflag:s21] =	ssyncadd.s32 $0xFFFFFF80  }
0xb3: {  	v1 =	vld [tilespmem:s7+$0x180];
	_ =	sdelay $0x4  }
0xb4: {  	v1 =	vand.u32 $0xFFFF, v1  }
0xb5: {  	[tilespmem:$0x2880] =	vst v1  }
0xb6: {  	v1 =	vld [tilespmem:s7+$0x190];
	_ =	sdelay $0x4  }
0xb7: {  	v1 =	vand.u32 $0xFFFF, v1  }
0xb8: {  	[tilespmem:$0x2890] =	vst v1  }
0xb9: {  	v1 =	vld [tilespmem:s7+$0x1A0];
	_ =	sdelay $0x4  }
0xba: {  	v1 =	vand.u32 $0xFFFF, v1  }
0xbb: {  	[tilespmem:$0x28A0] =	vst v1  }
0xbc: {  	v1 =	vld [tilespmem:s7+$0x1B0];
	_ =	sdelay $0x4  }
0xbd: {  	v1 =	vand.u32 $0xFFFF, v1  }
0xbe: {  	[tilespmem:$0x28B0] =	vst v1  }
0xbf: {  	v1 =	vld [tilespmem:s7+$0x1C0];
	_ =	sdelay $0x4  }
0xc0: {  	v1 =	vand.u32 $0xFFFF, v1  }
0xc1: {  	[tilespmem:$0x28C0] =	vst v1  }
0xc2: {  	v1 =	vld [tilespmem:s7+$0x1D0];
	_ =	sdelay $0x4  }
0xc3: {  	v1 =	vand.u32 $0xFFFF, v1  }
0xc4: {  	[tilespmem:$0x28D0] =	vst v1  }
0xc5: {  	v1 =	vld [tilespmem:s7+$0x1E0];
	_ =	sdelay $0x4  }
0xc6: {  	v1 =	vand.u32 $0xFFFF, v1  }
0xc7: {  	[tilespmem:$0x28E0] =	vst v1  }
0xc8: {  	v1 =	vld [tilespmem:s7+$0x1F0]  }
0xc9: {  	s7 =	sld [smem:$0x7FB];
	_ =	sdelay $0x2  }
0xca: {  	p1 =	por $0x0, $0x0;
	p5 =	por @!p0 $0x0, $0x0;
	p0 =	seq.s32 s7, $0x1  }
0xcb: {  	p5 =	por @!p0 p1, p1;
	p0 =	por p2, p2;
	v1 =	vand.u32 $0xFFFF, v1  }
0xcc: {  	s6 =	simm.s32 $0x400;
	p0 =	por @!p6 p5, p5;
	[tilespmem:$0x28F0] =	vst v1  }
.LBB2_2:
0xcd: {  	[tilespmem:s29], [sflag:$0x2] =	stream.indirect.gather [hbm4b:s1+s24], $0x80, s28, s24, $0xb8;
	[tilespmem:$0x1ED08] =	vst v63  }
0xce: {  	s7 =	smov.u32 s6  }
0xcf: {  	p5 =	sne.s32 s6, $0x9800;
	s6 =	sadd.s32 $0x400, s6;
	_ =	swait.ge [sflag:s30], $0x4000  }
0xd0: {  	[sflag:s30] =	ssyncset.done $0x0  }
0xd1: {  	s7 =	sshra.s32 s7, $0x2;
	[sflag:s30] =	ssyncadd.s32 $0xFFFFC000  }
0xd2: {  	v1 =	vld [tilespmem:s7+$0x0];
	_ =	sdelay $0x4  }
0xd3: {  	v1 =	vshrl.u32 v1, $0x10  }
0xd4: {  	[tilespmem:$0x2900] =	vst v1  }
0xd5: {  	v1 =	vld [tilespmem:s7+$0x10];
	_ =	sdelay $0x4  }
0xd6: {  	v1 =	vshrl.u32 v1, $0x10  }
0xd7: {  	[tilespmem:$0x2910] =	vst v1  }
0xd8: {  	v1 =	vld [tilespmem:s7+$0x20];
	_ =	sdelay $0x4  }
0xd9: {  	v1 =	vshrl.u32 v1, $0x10  }
0xda: {  	[tilespmem:$0x2920] =	vst v1  }
0xdb: {  	v1 =	vld [tilespmem:s7+$0x30];
	_ =	sdelay $0x4  }
0xdc: {  	v1 =	vshrl.u32 v1, $0x10  }
0xdd: {  	[tilespmem:$0x2930] =	vst v1  }
0xde: {  	v1 =	vld [tilespmem:s7+$0x40];
	_ =	sdelay $0x4  }
0xdf: {  	v1 =	vshrl.u32 v1, $0x10  }
0xe0: {  	[tilespmem:$0x2940] =	vst v1  }
0xe1: {  	v1 =	vld [tilespmem:s7+$0x50];
	_ =	sdelay $0x4  }
0xe2: {  	v1 =	vshrl.u32 v1, $0x10  }
0xe3: {  	[tilespmem:$0x2950] =	vst v1  }
0xe4: {  	v1 =	vld [tilespmem:s7+$0x60];
	_ =	sdelay $0x4  }
0xe5: {  	v1 =	vshrl.u32 v1, $0x10  }
0xe6: {  	[tilespmem:$0x2960] =	vst v1  }
0xe7: {  	v1 =	vld [tilespmem:s7+$0x70];
	_ =	sdelay $0x4  }
0xe8: {  	v1 =	vshrl.u32 v1, $0x10  }
0xe9: {  	[tilespmem:$0x2970] =	vst v1  }
0xea: {  	[spmem:s2] =	stream.indirect.scatter.add.f32 [tilespmem:s26], [sflag:$0x3], $0x80, s31, s24, $0xb8;
	[tilespmem:$0x1ED08] =	vst v63  }
0xeb: {  	_ =	swait.ge [sflag:s21], $0x4000  }
0xec: {  	[sflag:s21] =	ssyncset.done $0x0  }
0xed: {  	[sflag:s21] =	ssyncadd.s32 $0xFFFFC000  }
0xee: {  	[spmem:s4] =	stream.indirect.scatter.add.f32 [tilespmem:s0], [sflag:$0x3], $0x1, s31, s24, $0xb8;
	[tilespmem:$0x1ED08] =	vst v63  }
0xef: {  	_ =	swait.ge [sflag:s21], $0x80  }
0xf0: {  	[sflag:s21] =	ssyncset.done $0x0  }
0xf1: {  	[sflag:s21] =	ssyncadd.s32 $0xFFFFFF80  }
0xf2: {  	v1 =	vld [tilespmem:s7+$0x100];
	_ =	sdelay $0x4  }
0xf3: {  	v1 =	vand.u32 $0xFFFF, v1  }
0xf4: {  	[tilespmem:$0x2800] =	vst v1  }
0xf5: {  	v1 =	vld [tilespmem:s7+$0x110];
	_ =	sdelay $0x4  }
0xf6: {  	v1 =	vand.u32 $0xFFFF, v1  }
0xf7: {  	[tilespmem:$0x2810] =	vst v1  }
0xf8: {  	v1 =	vld [tilespmem:s7+$0x120];
	_ =	sdelay $0x4  }
0xf9: {  	v1 =	vand.u32 $0xFFFF, v1  }
0xfa: {  	[tilespmem:$0x2820] =	vst v1  }
0xfb: {  	v1 =	vld [tilespmem:s7+$0x130];
	_ =	sdelay $0x4  }
0xfc: {  	v1 =	vand.u32 $0xFFFF, v1  }
0xfd: {  	[tilespmem:$0x2830] =	vst v1  }
0xfe: {  	v1 =	vld [tilespmem:s7+$0x140];
	_ =	sdelay $0x4  }
0xff: {  	v1 =	vand.u32 $0xFFFF, v1  }
0x100: {  	[tilespmem:$0x2840] =	vst v1  }
0x101: {  	v1 =	vld [tilespmem:s7+$0x150];
	_ =	sdelay $0x4  }
0x102: {  	v1 =	vand.u32 $0xFFFF, v1  }
0x103: {  	[tilespmem:$0x2850] =	vst v1  }
0x104: {  	v1 =	vld [tilespmem:s7+$0x160];
	_ =	sdelay $0x4  }
0x105: {  	v1 =	vand.u32 $0xFFFF, v1  }
0x106: {  	[tilespmem:$0x2860] =	vst v1  }
0x107: {  	v1 =	vld [tilespmem:s7+$0x170];
	_ =	sdelay $0x4  }
0x108: {  	v1 =	vand.u32 $0xFFFF, v1  }
0x109: {  	[tilespmem:$0x2870] =	vst v1  }
0x10a: {  	[tilespmem:s26], [sflag:$0x1] =	stream.indirect.gather [hbm4b:s1+s24], $0x80, s25, s24, $0xb8;
	[tilespmem:$0x1ED08] =	vst v63  }
0x10b: {  	_ =	swait.ge [sflag:s3], $0x4000  }
0x10c: {  	[sflag:s3] =	ssyncset.done $0x0  }
0x10d: {  	[sflag:s3] =	ssyncadd.s32 $0xFFFFC000  }
0x10e: {  	v1 =	vld [tilespmem:s7+$0x80];
	_ =	sdelay $0x4  }
0x10f: {  	v1 =	vshrl.u32 v1, $0x10  }
0x110: {  	[tilespmem:$0x2900] =	vst v1  }
0x111: {  	v1 =	vld [tilespmem:s7+$0x90];
	_ =	sdelay $0x4  }
0x112: {  	v1 =	vshrl.u32 v1, $0x10  }
0x113: {  	[tilespmem:$0x2910] =	vst v1  }
0x114: {  	v1 =	vld [tilespmem:s7+$0xA0];
	_ =	sdelay $0x4  }
0x115: {  	v1 =	vshrl.u32 v1, $0x10  }
0x116: {  	[tilespmem:$0x2920] =	vst v1  }
0x117: {  	v1 =	vld [tilespmem:s7+$0xB0];
	_ =	sdelay $0x4  }
0x118: {  	v1 =	vshrl.u32 v1, $0x10  }
0x119: {  	[tilespmem:$0x2930] =	vst v1  }
0x11a: {  	v1 =	vld [tilespmem:s7+$0xC0];
	_ =	sdelay $0x4  }
0x11b: {  	v1 =	vshrl.u32 v1, $0x10  }
0x11c: {  	[tilespmem:$0x2940] =	vst v1  }
0x11d: {  	v1 =	vld [tilespmem:s7+$0xD0];
	_ =	sdelay $0x4  }
0x11e: {  	v1 =	vshrl.u32 v1, $0x10  }
0x11f: {  	[tilespmem:$0x2950] =	vst v1  }
0x120: {  	v1 =	vld [tilespmem:s7+$0xE0];
	_ =	sdelay $0x4  }
0x121: {  	v1 =	vshrl.u32 v1, $0x10  }
0x122: {  	[tilespmem:$0x2960] =	vst v1  }
0x123: {  	v1 =	vld [tilespmem:s7+$0xF0];
	_ =	sdelay $0x4  }
0x124: {  	v1 =	vshrl.u32 v1, $0x10  }
0x125: {  	[tilespmem:$0x2970] =	vst v1  }
0x126: {  	[spmem:s2] =	stream.indirect.scatter.add.f32 [tilespmem:s29], [sflag:$0x3], $0x80, s31, s24, $0xb8;
	[tilespmem:$0x1ED08] =	vst v63  }
0x127: {  	_ =	swait.ge [sflag:s21], $0x4000  }
0x128: {  	[sflag:s21] =	ssyncset.done $0x0  }
0x129: {  	[sflag:s21] =	ssyncadd.s32 $0xFFFFC000  }
0x12a: {  	[spmem:s4] =	stream.indirect.scatter.add.f32 [tilespmem:s0], [sflag:$0x3], $0x1, s31, s24, $0xb8;
	[tilespmem:$0x1ED08] =	vst v63  }
0x12b: {  	_ =	swait.ge [sflag:s21], $0x80  }
0x12c: {  	[sflag:s21] =	ssyncset.done $0x0  }
0x12d: {  	[sflag:s21] =	ssyncadd.s32 $0xFFFFFF80  }
0x12e: {  	v1 =	vld [tilespmem:s7+$0x180];
	_ =	sdelay $0x4  }
0x12f: {  	v1 =	vand.u32 $0xFFFF, v1  }
0x130: {  	[tilespmem:$0x2880] =	vst v1  }
0x131: {  	v1 =	vld [tilespmem:s7+$0x190];
	_ =	sdelay $0x4  }
0x132: {  	v1 =	vand.u32 $0xFFFF, v1  }
0x133: {  	[tilespmem:$0x2890] =	vst v1  }
0x134: {  	v1 =	vld [tilespmem:s7+$0x1A0];
	_ =	sdelay $0x4  }
0x135: {  	v1 =	vand.u32 $0xFFFF, v1  }
0x136: {  	[tilespmem:$0x28A0] =	vst v1  }
0x137: {  	v1 =	vld [tilespmem:s7+$0x1B0];
	_ =	sdelay $0x4  }
0x138: {  	v1 =	vand.u32 $0xFFFF, v1  }
0x139: {  	[tilespmem:$0x28B0] =	vst v1  }
0x13a: {  	v1 =	vld [tilespmem:s7+$0x1C0];
	_ =	sdelay $0x4  }
0x13b: {  	v1 =	vand.u32 $0xFFFF, v1  }
0x13c: {  	[tilespmem:$0x28C0] =	vst v1  }
0x13d: {  	v1 =	vld [tilespmem:s7+$0x1D0];
	_ =	sdelay $0x4  }
0x13e: {  	v1 =	vand.u32 $0xFFFF, v1  }
0x13f: {  	[tilespmem:$0x28D0] =	vst v1  }
0x140: {  	v1 =	vld [tilespmem:s7+$0x1E0];
	_ =	sdelay $0x4  }
0x141: {  	v1 =	vand.u32 $0xFFFF, v1  }
0x142: {  	[tilespmem:$0x28E0] =	vst v1  }
0x143: {  	v1 =	vld [tilespmem:s7+$0x1F0];
	_ =	sdelay $0x1  }
.Ltmp0:
0x144: {  	(pc) =	sbr.rel @p5 .LBB2_2-.Ltmp0, $3  }
0x145: {  	_ =	sdelay $0x1  }
0x146: {  	v1 =	vand.u32 $0xFFFF, v1  }
0x147: {  	[tilespmem:$0x28F0] =	vst v1  }
0x148: {  	[tilespmem:s29], [sflag:$0x2] =	stream.indirect.gather [hbm4b:s1+s24], $0x80, s28, s24, $0xb8;
	[tilespmem:$0x1ED08] =	vst v63  }
0x149: {  	_ =	swait.ge [sflag:s30], $0x4000  }
0x14a: {  	[sflag:s30] =	ssyncset.done $0x0  }
0x14b: {  	[sflag:s30] =	ssyncadd.s32 $0xFFFFC000  }
0x14c: {  	v1 =	vld [tilespmem:$0x2700]  }
0x14d: {  	v2 =	vld [tilespmem:$0x2710]  }
0x14e: {  	v3 =	vld [tilespmem:$0x2720]  }
0x14f: {  	v4 =	vld [tilespmem:$0x2730]  }
0x150: {  	v5 =	vld [tilespmem:$0x2740]  }
0x151: {  	v6 =	vld [tilespmem:$0x2750];
	v1 =	vshrl.u32 v1, $0x10  }
0x152: {  	[tilespmem:$0x2900] =	vst v1;
	v1 =	vshrl.u32 v2, $0x10;
	v2 =	vld [tilespmem:$0x2760]  }
0x153: {  	[tilespmem:$0x2910] =	vst v1;
	v1 =	vshrl.u32 v3, $0x10;
	v3 =	vld [tilespmem:$0x2770]  }
0x154: {  	[tilespmem:$0x2920] =	vst v1;
	v1 =	vshrl.u32 v4, $0x10  }
0x155: {  	[tilespmem:$0x2930] =	vst v1;
	v1 =	vshrl.u32 v5, $0x10  }
0x156: {  	[tilespmem:$0x2940] =	vst v1;
	v1 =	vshrl.u32 v6, $0x10  }
0x157: {  	[tilespmem:$0x2950] =	vst v1;
	v1 =	vshrl.u32 v2, $0x10  }
0x158: {  	[tilespmem:$0x2960] =	vst v1;
	v1 =	vshrl.u32 v3, $0x10  }
0x159: {  	[tilespmem:$0x2970] =	vst v1  }
0x15a: {  	[spmem:s2] =	stream.indirect.scatter.add.f32 [tilespmem:s26], [sflag:$0x3], $0x80, s31, s24, $0xb8;
	[tilespmem:$0x1ED08] =	vst v63  }
0x15b: {  	_ =	swait.ge [sflag:s21], $0x4000  }
0x15c: {  	[sflag:s21] =	ssyncset.done $0x0  }
0x15d: {  	[sflag:s21] =	ssyncadd.s32 $0xFFFFC000  }
0x15e: {  	[spmem:s4] =	stream.indirect.scatter.add.f32 [tilespmem:s0], [sflag:$0x3], $0x1, s31, s24, $0xb8;
	[tilespmem:$0x1ED08] =	vst v63  }
0x15f: {  	_ =	swait.ge [sflag:s21], $0x80  }
0x160: {  	[sflag:s21] =	ssyncset.done $0x0  }
0x161: {  	[sflag:s21] =	ssyncadd.s32 $0xFFFFFF80  }
0x162: {  	_ =	swait.ge [sflag:s3], $0x4000  }
0x163: {  	[sflag:s3] =	ssyncset.done $0x0  }
0x164: {  	[sflag:s3] =	ssyncadd.s32 $0xFFFFC000  }
0x165: {  	v1 =	vld [tilespmem:$0x2780]  }
0x166: {  	v2 =	vld [tilespmem:$0x2790]  }
0x167: {  	v3 =	vld [tilespmem:$0x27A0]  }
0x168: {  	v61 =	vld [tilespmem:$0x27B0]  }
0x169: {  	v62 =	vld [tilespmem:$0x27C0]  }
0x16a: {  	v63 =	vld [tilespmem:$0x27D0];
	v1 =	vshrl.u32 v1, $0x10  }
0x16b: {  	[tilespmem:$0x2900] =	vst v1;
	v1 =	vshrl.u32 v2, $0x10;
	v2 =	vld [tilespmem:$0x27E0]  }
0x16c: {  	[tilespmem:$0x2910] =	vst v1;
	v1 =	vshrl.u32 v3, $0x10;
	v3 =	vld [tilespmem:$0x27F0]  }
0x16d: {  	[tilespmem:$0x2920] =	vst v1;
	v1 =	vshrl.u32 v61, $0x10  }
0x16e: {  	[tilespmem:$0x2930] =	vst v1;
	v1 =	vshrl.u32 v62, $0x10  }
0x16f: {  	[tilespmem:$0x2940] =	vst v1;
	v1 =	vshrl.u32 v63, $0x10  }
0x170: {  	[tilespmem:$0x2950] =	vst v1;
	v1 =	vshrl.u32 v2, $0x10  }
0x171: {  	[tilespmem:$0x2960] =	vst v1;
	v1 =	vshrl.u32 v3, $0x10  }
0x172: {  	[tilespmem:$0x2970] =	vst v1  }
0x173: {  	[spmem:s2] =	stream.indirect.scatter.add.f32 [tilespmem:s29], [sflag:$0x3], $0x80, s31, s24, $0xb8;
	[tilespmem:$0x1ED08] =	vst v63  }
0x174: {  	_ =	swait.ge [sflag:s21], $0x4000  }
0x175: {  	[sflag:s21] =	ssyncset.done $0x0  }
0x176: {  	[sflag:s21] =	ssyncadd.s32 $0xFFFFC000  }
0x177: {  	[spmem:s4] =	stream.indirect.scatter.add.f32 [tilespmem:s0], [sflag:$0x3], $0x1, s31, s24, $0xb8;
	[tilespmem:$0x1ED08] =	vst v63  }
0x178: {  	_ =	swait.ge [sflag:s21], $0x80  }
0x179: {  	[sflag:s21] =	ssyncset.done $0x0  }
0x17a: {  	[sflag:s21] =	ssyncadd.s32 $0xFFFFFF80  }
0x17b: {  	s6 =	sshrl.u32 @!p4 s9, $0x3;
	[bflag:$0x0] =	sbarrier.arrive $0xFFFF  }
0x17c: {  	[hbm:s15], [sflag:s11] =	dma.local @!p4 [spmem:s6], $0x2700  }
0x17d: {  	s6 =	simm.s32 @!p4 $0x3  }
0x17e: {  	_ =	swait.ge @!p4 [sflag:s6], $0x2700  }
0x17f: {  	s7 =	sld [smem:$0x7FD];
	_ =	sdelay $0x2  }
0x180: {  	[sflag:s6] =	ssyncset.done @!p4 $0x0;
	p1 =	seq.s32 s7, $0x1  }
0x181: {  	[sflag:s6] =	ssyncadd.s32 @!p4 $0xFFFFD900;
	s6 =	sshrl.u32 @!p1 s12, $0x3  }
0x182: {  	[hbm:s16], [sflag:s11] =	dma.local @!p1 [spmem:s6], $0x100  }
0x183: {  	s6 =	simm.s32 @!p1 $0x3  }
0x184: {  	_ =	swait.ge @!p1 [sflag:s6], $0x100  }
0x185: {  	[sflag:s6] =	ssyncset.done @!p1 $0x0  }
0x186: {  	[sflag:s6] =	ssyncadd.s32 @!p1 $0xFFFFFF00;
	s6 =	sshrl.u32 @p2 s9, $0x3  }
0x187: {  	[hbm:s17], [sflag:s11] =	dma.local @p2 [spmem:s6], $0x2700  }
0x188: {  	s6 =	simm.s32 @p2 $0x3  }
0x189: {  	_ =	swait.ge @p2 [sflag:s6], $0x2700  }
0x18a: {  	[sflag:s6] =	ssyncset.done @p2 $0x0  }
0x18b: {  	[sflag:s6] =	ssyncadd.s32 @p2 $0xFFFFD900;
	s6 =	sshrl.u32 @!p3 s12, $0x3  }
0x18c: {  	[hbm:s18], [sflag:s11] =	dma.local @!p3 [spmem:s6], $0x100  }
0x18d: {  	s6 =	simm.s32 @!p3 $0x3  }
0x18e: {  	_ =	swait.ge @!p3 [sflag:s6], $0x100  }
0x18f: {  	s7 =	sld [smem:$0x7FC];
	_ =	sdelay $0x2  }
0x190: {  	[sflag:s6] =	ssyncset.done @!p3 $0x0;
	p5 =	seq.s32 s7, $0x1  }
0x191: {  	[sflag:s6] =	ssyncadd.s32 @!p3 $0xFFFFFF00;
	s7 =	rddreg [dreg:$0x7];
	s6 =	sshrl.u32 @!p5 s4, $0x3  }
0x192: {  	[hbm:s7], [sflag:s11] =	dma.local @!p5 [spmem:s6], $0x510  }
0x193: {  	s6 =	simm.s32 @!p5 $0x3  }
0x194: {  	_ =	swait.ge @!p5 [sflag:s6], $0x510  }
0x195: {  	s5 =	sadd.s32 $0x1, s5;
	[sflag:s6] =	ssyncset.done @!p5 $0x0  }
0x196: {  	[sflag:s6] =	ssyncadd.s32 @!p5 $0xFFFFFAF0;
	s6 =	sshrl.u32 @p0 s4, $0x3;
	p5 =	sne.s32 s5, s19  }
0x197: {  	[hbm:s8], [sflag:s11] =	dma.local @p0 [spmem:s6], $0x510  }
.Ltmp1:
0x198: {  	_ = 	snop;
	(pc) =	sbr.rel @p5 .LBB2_1-.Ltmp1, $4  }
0x199: {  	s6 =	simm.s32 @p0 $0x3  }
0x19a: {  	_ =	swait.ge @p0 [sflag:s6], $0x510  }
0x19b: {  	[sflag:s6] =	ssyncset.done @p0 $0x0  }
0x19c: {  	[sflag:s6] =	ssyncadd.s32 @p0 $0xFFFFFAF0  }
0x19d: {  	_ =	sfence.sel $0x180000  }
0x19e: {  	[bflag:$0x0] =	sbarrier.arrive $0xFFFF  }
0x19f: {  	_ =	strace $0x90000047  }
0x1a0: {  	s0 =	stileid.u32;
	[bflag:$0x2] =	sbarrier.arrive $0xFFFF  }
0x1a1: {  	p0 =	sne.s32 s0, $0x0;
	s0 =	rddreg [dreg:$0x5]  }
0x1a2: {  	s0 =	sadd.s32 @!p0 $0x100000, s0  }
0x1a3: {  	[sflag:s0] =	ssyncadd.tile.s32 @!p0 $0x1;
	_ =	shalt  }
.Lfunc_end2:
_tile_overlayer_lowered:
.L_overlay_start_2:
0x1a4: {  	(tag) =	ssettag $0x2  }
0x1a5: {  	s0 =	rddreg [dreg:$0x0];
	s2 =	stileid.u32  }
0x1a6: {  	s1 =	rddreg [dreg:$0x1];
	p0 =	sne.s32 s2, $0x0  }
0x1a7: {  	s3 =	rddreg [dreg:$0x2];
	[bflag:$0x3] =	sbarrier.arrive $0xFFFF;
	s2 =	simm.s32 @!p0 $0x1C03  }
0x1a8: {  	[timem:s3], [sflag:s2] =	dma.local @!p0 [hbm:s0], s1  }
0x1a9: {  	s0 =	simm.s32 @!p0 $0x3  }
0x1aa: {  	_ =	swait.ge @!p0 [sflag:s0], s1  }
0x1ab: {  	s1 =	ssub.s32 @!p0 $0x0, s1;
	[sflag:s0] =	ssyncset.done @!p0 $0x0  }
0x1ac: {  	[sflag:s0] =	ssyncadd.s32 @!p0 s1  }
0x1ad: {  	[bflag:$0x3] =	sbarrier.arrive $0xFFFF  }
0x1ae: {  	_ =	shalt  }

</sc_bundles>
